<compile_context>
chip_gen: v7x
topology: tpu7x:2x2x1
jax: 0.10.2.dev20260603
libtpu: 0.0.44.dev20260713+nightly
codegen_flags: <defaults>
</compile_context>

<pallas_src>
import functools

import jax
import jax.numpy as jnp
from jax import lax
from jax.experimental import pallas as pl
from jax.experimental.pallas import tpu as pltpu
from jax.experimental.pallas import tpu_sc as plsc

N = 10000
D = 128
DH = 64
NG = 64
NCLS = 10
NP = 10112
NB = 79
E = 320000
CH = 128
NSC = 2
NTS = 16
NTW = NSC * NTS
CPT = 79
EPT = CPT * CH
EPAD = NTW * EPT
RPT = NP // NTS

_mesh = plsc.VectorSubcoreMesh(
    core_axis_name="c", subcore_axis_name="s", num_cores=NSC,
    num_subcores=NTS)


def _hist_body(dstp_hbm, hist_hbm, idx_v, ones_b, zbuf, shared_hist):
    c = lax.axis_index("c")
    s = lax.axis_index("s")
    w = c * NTS + s
    pltpu.sync_copy(dstp_hbm.at[w], idx_v)

    zero16 = jnp.zeros((16,), jnp.float32)
    one16 = jnp.ones((16,), jnp.float32)

    def _z(i, _):
        zbuf[i, :] = zero16
        return 0

    lax.fori_loop(0, 158, _z, 0)

    def _o(i, _):
        ones_b[i, :] = one16
        return 0

    lax.fori_loop(0, CH, _o, 0)

    for k in range(4):
        pltpu.sync_copy(zbuf, shared_hist.at[pl.ds(s * RPT + k * 158, 158)])
    plsc.subcore_barrier()

    def _chunk(j, _):
        pltpu.sync_copy(ones_b, shared_hist.at[idx_v.at[j]], add=True)
        return 0

    lax.fori_loop(0, CPT, _chunk, 0)
    plsc.subcore_barrier()

    pltpu.sync_copy(shared_hist.at[pl.ds(s * RPT, RPT)],
                    hist_hbm.at[c].at[pl.ds(s * RPT, RPT)])
    plsc.subcore_barrier()


_hist_call = functools.partial(
    pl.kernel,
    out_type=jax.ShapeDtypeStruct((NSC, NP, 16), jnp.float32),
    mesh=_mesh,
    scratch_types=[
        pltpu.VMEM((CPT, CH), jnp.int32),
        pltpu.VMEM((CH, 16), jnp.float32),
        pltpu.VMEM((158, 16), jnp.float32),
        pltpu.VMEM_SHARED((NP, 16), jnp.float32),
    ],
)(_hist_body)


def _scat_body(u_hbm, z_hbm, srcp_hbm, dstp_hbm, s_hbm, src_v, dst_v, gbuf,
               shared_out, sem):
    c = lax.axis_index("c")
    s = lax.axis_index("s")
    w = c * NTS + s
    pltpu.sync_copy(srcp_hbm.at[w], src_v)
    pltpu.sync_copy(dstp_hbm.at[w], dst_v)
    pltpu.sync_copy(z_hbm.at[pl.ds(s * RPT, RPT)],
                    shared_out.at[pl.ds(s * RPT, RPT)])
    plsc.subcore_barrier()

    def _chunk(j, _):
        cp = pltpu.async_copy(u_hbm.at[src_v.at[j]], gbuf, sem)
        cp.wait()
        pltpu.sync_copy(gbuf, shared_out.at[dst_v.at[j]], add=True)
        return 0

    lax.fori_loop(0, CPT, _chunk, 0)
    plsc.subcore_barrier()

    pltpu.sync_copy(shared_out.at[pl.ds(s * RPT, RPT)],
                    s_hbm.at[c].at[pl.ds(s * RPT, RPT)])
    plsc.subcore_barrier()


_scat_call = functools.partial(
    pl.kernel,
    out_type=jax.ShapeDtypeStruct((NSC, NP, D), jnp.float32),
    mesh=_mesh,
    scratch_types=[
        pltpu.VMEM((CPT, CH), jnp.int32),
        pltpu.VMEM((CPT, CH), jnp.int32),
        pltpu.VMEM((CH, D), jnp.float32),
        pltpu.VMEM_SHARED((NP, D), jnp.float32),
        pltpu.SemaphoreType.DMA,
    ],
)(_scat_body)


def _tc1_body(hist_ref, x_ref, dinv_ref, u_ref):
    deg = hist_ref[0, :, 0:1] + hist_ref[1, :, 0:1] + 1.0
    dinv = lax.rsqrt(deg)
    dinv_ref[...] = dinv
    u_ref[...] = x_ref[...] * dinv


def _tc1(hist, xpad):
    return pl.pallas_call(
        _tc1_body,
        grid=(NB,),
        in_specs=[
            pl.BlockSpec((NSC, 128, 16), lambda r: (0, r, 0)),
            pl.BlockSpec((128, D), lambda r: (r, 0)),
        ],
        out_specs=[
            pl.BlockSpec((128, 1), lambda r: (r, 0)),
            pl.BlockSpec((128, D), lambda r: (r, 0)),
        ],
        out_shape=[
            jax.ShapeDtypeStruct((NP, 1), jnp.float32),
            jax.ShapeDtypeStruct((NP, D), jnp.float32),
        ],
    )(hist, xpad)


_SP_SPEC = pl.BlockSpec((NSC, 128, D), lambda r: (0, r, 0))
_ROW_SPEC = pl.BlockSpec((128, D), lambda r: (r, 0))
_DINV_SPEC = pl.BlockSpec((128, 1), lambda r: (r, 0))
_W_SPEC = pl.BlockSpec((D, D), lambda r: (0, 0))
_B_SPEC = pl.BlockSpec((1, D), lambda r: (0, 0))


def _tc2_body(sp_ref, u_ref, dinv_ref, o_ref):
    dinv = dinv_ref[...]
    d2 = dinv * dinv
    o_ref[...] = (sp_ref[0] + sp_ref[1] + u_ref[...]) * d2


def _tc2(sp, u, dinv):
    return pl.pallas_call(
        _tc2_body,
        grid=(NB,),
        in_specs=[_SP_SPEC, _ROW_SPEC, _DINV_SPEC],
        out_specs=_ROW_SPEC,
        out_shape=jax.ShapeDtypeStruct((NP, D), jnp.float32),
    )(sp, u, dinv)


def _tc3_body(sp_ref, u_ref, dinv_ref, Wsg_ref, bsg_ref, Wg1_ref, v_ref):
    dinv = dinv_ref[...]
    t = (sp_ref[0] + sp_ref[1] + u_ref[...]) * dinv
    h = jnp.maximum(
        jnp.dot(t, Wsg_ref[...], preferred_element_type=jnp.float32)
        + bsg_ref[...], 0.0)
    v_ref[...] = jnp.dot(
        h, Wg1_ref[...], preferred_element_type=jnp.float32) * dinv


def _tc3(sp, u2, dinv, W_sg, b_sg, W_g1):
    return pl.pallas_call(
        _tc3_body,
        grid=(NB,),
        in_specs=[_SP_SPEC, _ROW_SPEC, _DINV_SPEC, _W_SPEC, _B_SPEC, _W_SPEC],
        out_specs=_ROW_SPEC,
        out_shape=jax.ShapeDtypeStruct((NP, D), jnp.float32),
    )(sp, u2, dinv, W_sg, b_sg, W_g1)


def _tc45_body(sp_ref, v_ref, dinv_ref, b_ref, W_ref, o_ref):
    dinv = dinv_ref[...]
    t = (sp_ref[0] + sp_ref[1] + v_ref[...]) * dinv
    h = jnp.maximum(t + b_ref[...], 0.0)
    o_ref[...] = jnp.dot(
        h, W_ref[...], preferred_element_type=jnp.float32) * dinv


def _tc45(sp, v, dinv, b_prev, W_next):
    return pl.pallas_call(
        _tc45_body,
        grid=(NB,),
        in_specs=[_SP_SPEC, _ROW_SPEC, _DINV_SPEC, _B_SPEC, _W_SPEC],
        out_specs=_ROW_SPEC,
        out_shape=jax.ShapeDtypeStruct((NP, D), jnp.float32),
    )(sp, v, dinv, b_prev, W_next)


def _tc6_body(sp_ref, v_ref, dinv_ref, bg3_ref, batch_ref, W1_ref, b1_ref,
              W2_ref, b2_ref, W3_ref, b3_ref, out_ref, g_acc):
    r = pl.program_id(0)

    @pl.when(r == 0)
    def _():
        g_acc[...] = jnp.zeros_like(g_acc)

    dinv = dinv_ref[...]
    t = (sp_ref[0] + sp_ref[1] + v_ref[...]) * dinv
    h = jnp.maximum(t + bg3_ref[...], 0.0)
    gi = lax.broadcasted_iota(jnp.int32, (NG, 1), 0)
    oh = (batch_ref[0] == gi).astype(jnp.float32)
    g_acc[...] += jnp.dot(oh, h, preferred_element_type=jnp.float32)

    @pl.when(r == NB - 1)
    def _():
        g = g_acc[...]
        g1 = jnp.maximum(
            jnp.dot(g, W1_ref[...], preferred_element_type=jnp.float32)
            + b1_ref[...], 0.0)
        g2 = jnp.maximum(
            jnp.dot(g1, W2_ref[...], preferred_element_type=jnp.float32)
            + b2_ref[...], 0.0)
        out_ref[...] = (
            jnp.dot(g2, W3_ref[...], preferred_element_type=jnp.float32)
            + b3_ref[...])


def _tc6(sp, v3, dinv, b_g3, batchp, W1, b1, W2, b2, W3, b3):
    return pl.pallas_call(
        _tc6_body,
        grid=(NB,),
        in_specs=[
            _SP_SPEC, _ROW_SPEC, _DINV_SPEC, _B_SPEC,
            pl.BlockSpec((1, 1, 128), lambda r: (r, 0, 0)),
            _W_SPEC, _B_SPEC,
            pl.BlockSpec((D, DH), lambda r: (0, 0)),
            pl.BlockSpec((1, DH), lambda r: (0, 0)),
            pl.BlockSpec((DH, NCLS), lambda r: (0, 0)),
            pl.BlockSpec((1, NCLS), lambda r: (0, 0)),
        ],
        out_specs=pl.BlockSpec((NG, NCLS), lambda r: (0, 0)),
        out_shape=jax.ShapeDtypeStruct((NG, NCLS), jnp.float32),
        scratch_shapes=[pltpu.VMEM((NG, D), jnp.float32)],
    )(sp, v3, dinv, b_g3, batchp, W1, b1, W2, b2, W3, b3)


def kernel(x, edge_index, batch, W_sg, b_sg, W_g1, b_g1, W_g2, b_g2,
           W_g3, b_g3, W_fc1, b_fc1, W_fc2, b_fc2, W_fc3, b_fc3):
    src = edge_index[0]
    dst = edge_index[1]
    pad = EPAD - E
    srcp = jnp.concatenate(
        [src, jnp.zeros((pad,), jnp.int32)]).reshape(NTW, CPT, CH)
    dstp = jnp.concatenate(
        [dst, jnp.full((pad,), N, jnp.int32)]).reshape(NTW, CPT, CH)
    xpad = jnp.pad(x, ((0, NP - N), (0, 0)))
    batchp = jnp.pad(batch, (0, NP - N),
                     constant_values=NG).reshape(NB, 1, 128)

    zeros = jnp.zeros((NP, D), jnp.float32)

    hist = _hist_call(dstp)
    dinv, u = _tc1(hist, xpad)
    sp1 = _scat_call(u, zeros, srcp, dstp)
    u2 = _tc2(sp1, u, dinv)
    sp2 = _scat_call(u2, zeros, srcp, dstp)
    v1 = _tc3(sp2, u2, dinv, W_sg, b_sg.reshape(1, D), W_g1)
    sp3 = _scat_call(v1, zeros, srcp, dstp)
    v2 = _tc45(sp3, v1, dinv, b_g1.reshape(1, D), W_g2)
    sp4 = _scat_call(v2, zeros, srcp, dstp)
    v3 = _tc45(sp4, v2, dinv, b_g2.reshape(1, D), W_g3)
    sp5 = _scat_call(v3, zeros, srcp, dstp)
    return _tc6(sp5, v3, dinv, b_g3.reshape(1, D), batchp,
                W_fc1, b_fc1.reshape(1, D), W_fc2, b_fc2.reshape(1, DH),
                W_fc3, b_fc3.reshape(1, NCLS))

# --- scband reference (transcript-rebuilt; emitter-appended) ---
"""Pipeline reference for scband-sgcn-27307402068688 (READ-ONLY COPY).

The authoritative reference and input builder live on the scoring server;
editing this copy changes nothing except your own understanding.
"""

import jax, jax.numpy as jnp
import numpy as np

N = 10000
E = 320000
D_IN = 128
D_H = 128
NC = 10
NG = 64
K = 2


def setup_inputs(seed: int = 0) -> dict:
    key = jax.random.key(seed)
    ks = jax.random.split(key, 20)
    x = jax.random.normal(ks[0], (N, D_IN), dtype=jnp.float32)
    edge_index = jax.random.randint(ks[1], (2, E), 0, N, dtype=jnp.int32)
    batch = jnp.sort(jax.random.randint(ks[2], (N,), 0, NG, dtype=jnp.int32))
    s = 0.05
    W_sg = jax.random.normal(ks[3], (D_IN, D_H), dtype=jnp.float32) * s
    b_sg = jnp.zeros((D_H,), dtype=jnp.float32)
    W_g1 = jax.random.normal(ks[4], (D_H, D_H), dtype=jnp.float32) * s
    b_g1 = jnp.zeros((D_H,), dtype=jnp.float32)
    W_g2 = jax.random.normal(ks[5], (D_H, D_H), dtype=jnp.float32) * s
    b_g2 = jnp.zeros((D_H,), dtype=jnp.float32)
    W_g3 = jax.random.normal(ks[6], (D_H, D_H), dtype=jnp.float32) * s
    b_g3 = jnp.zeros((D_H,), dtype=jnp.float32)
    W_fc1 = jax.random.normal(ks[7], (D_H, D_H), dtype=jnp.float32) * s
    b_fc1 = jnp.zeros((D_H,), dtype=jnp.float32)
    W_fc2 = jax.random.normal(ks[8], (D_H, D_H // 2), dtype=jnp.float32) * s
    b_fc2 = jnp.zeros((D_H // 2,), dtype=jnp.float32)
    W_fc3 = jax.random.normal(ks[9], (D_H // 2, NC), dtype=jnp.float32) * s
    b_fc3 = jnp.zeros((NC,), dtype=jnp.float32)
    return {"x": x, "edge_index": edge_index, "batch": batch,
            "W_sg": W_sg, "b_sg": b_sg,
            "W_g1": W_g1, "b_g1": b_g1, "W_g2": W_g2, "b_g2": b_g2,
            "W_g3": W_g3, "b_g3": b_g3,
            "W_fc1": W_fc1, "b_fc1": b_fc1, "W_fc2": W_fc2, "b_fc2": b_fc2,
            "W_fc3": W_fc3, "b_fc3": b_fc3}


def _gcn_norm(src, dst, n):
    # add self loops, symmetric normalization D^-1/2 (A+I) D^-1/2
    loop = jnp.arange(n, dtype=src.dtype)
    src = jnp.concatenate([src, loop])
    dst = jnp.concatenate([dst, loop])
    deg = jax.ops.segment_sum(jnp.ones_like(src, dtype=jnp.float32), dst, num_segments=n)
    dinv = jnp.where(deg > 0, 1.0 / jnp.sqrt(deg), 0.0)
    norm = dinv[src] * dinv[dst]
    return src, dst, norm


def _propagate(h, src, dst, norm, n):
    # gather from src, scale, scatter-add to dst
    msg = norm[:, None] * h[src]
    return jax.ops.segment_sum(msg, dst, num_segments=n)


def reference(x, edge_index, batch, W_sg, b_sg, W_g1, b_g1, W_g2, b_g2,
              W_g3, b_g3, W_fc1, b_fc1, W_fc2, b_fc2, W_fc3, b_fc3):
    n = x.shape[0]
    src, dst, norm = _gcn_norm(edge_index[0], edge_index[1], n)
    # SGConv: propagate K times, then linear
    h = x
    for _ in range(K):
        h = _propagate(h, src, dst, norm, n)
    h = h @ W_sg + b_sg
    h = jax.nn.relu(h)
    # three GCNConv layers: linear -> propagate -> +bias, then relu
    for (W, b) in ((W_g1, b_g1), (W_g2, b_g2), (W_g3, b_g3)):
        h = _propagate(h @ W, src, dst, norm, n) + b
        h = jax.nn.relu(h)
    # global_add_pool over batch assignment
    g = jax.ops.segment_sum(h, batch, num_segments=NG)
    # fc head (dropout is identity at inference)
    g = jax.nn.relu(g @ W_fc1 + b_fc1)
    g = jax.nn.relu(g @ W_fc2 + b_fc2)
    out = g @ W_fc3 + b_fc3
    return out

if __name__ == "__main__":
    import jax
    _d = setup_inputs()
    print(jax.jit(kernel)(*tuple(_d.values())))

</pallas_src>

<mosaic_0001>
#map = affine_map<(d0, d1) -> (0, 0)>
#map1 = affine_map<(d0, d1) -> (0, 0, 0)>
module attributes {stable_mosaic.version = 14 : i64} {
  func.func @_scat_body(%arg0: i32, %arg1: i32, %arg2: memref<10112x128xf32, #tpu.memory_space<hbm>>, %arg3: memref<10112x128xf32, #tpu.memory_space<hbm>>, %arg4: memref<32x79x128xi32, #tpu.memory_space<hbm>>, %arg5: memref<32x79x128xi32, #tpu.memory_space<hbm>>, %arg6: memref<2x10112x128xf32, #tpu.memory_space<hbm>>, %arg7: memref<79x128xi32, #tpu.memory_space<vmem>>, %arg8: memref<79x128xi32, #tpu.memory_space<vmem>>, %arg9: memref<128x128xf32, #tpu.memory_space<vmem>>, %arg10: memref<10112x128xf32, #tpu.memory_space<vmem_shared>>, %arg11: memref<!tpu.dma_semaphore, #tpu.memory_space<semaphore_mem>>) attributes {dimension_semantics = [#tpu.dimension_semantics<core_parallel>, #tpu.dimension_semantics<subcore_parallel>], iteration_bounds = array<i64: 2, 16>, scalar_prefetch = 0 : i64, scratch_operands = 5 : i64, tpu.core_type = #tpu.core_type<sc_vector_subcore>, window_params = [{transform_indices = #map}, {transform_indices = #map}, {transform_indices = #map1}, {transform_indices = #map1}, {transform_indices = #map1}]} {
    %mul3A = arith.constant 16 : i32
    %mul3A_0 = arith.muli %arg0, %mul3A : i32
    %add3A = arith.addi %mul3A_0, %arg1 : i32
    "tpu.region"() ({
      %run_scoped3A = tpu.sem_alloc : memref<!tpu.dma_semaphore, #tpu.memory_space<semaphore_mem>>
      %dma_start3A = arith.constant 0 : i32
      %dma_start3A_17 = arith.constant 0 : i32
      %dma_start3A_18 = tpu.memref_slice %arg4[%add3A, %dma_start3A, %dma_start3A_17] : memref<32x79x128xi32, #tpu.memory_space<hbm>> -> memref<1x79x128xi32, #tpu.memory_space<hbm>>
      %dma_start3A_19 = tpu.memref_squeeze %dma_start3A_18 : memref<1x79x128xi32, #tpu.memory_space<hbm>> -> memref<79x128xi32, #tpu.memory_space<hbm>>
      %dma_start3A_20 = arith.constant 0 : i32
      %dma_start3A_21 = arith.constant 0 : i32
      %dma_start3A_22 = tpu.memref_slice %arg4[%add3A, %dma_start3A_20, %dma_start3A_21] : memref<32x79x128xi32, #tpu.memory_space<hbm>> -> memref<1x79x128xi32, #tpu.memory_space<hbm>>
      %dma_start3A_23 = tpu.memref_squeeze %dma_start3A_22 : memref<1x79x128xi32, #tpu.memory_space<hbm>> -> memref<79x128xi32, #tpu.memory_space<hbm>>
      tpu.enqueue_dma source(%dma_start3A_23 : memref<79x128xi32, #tpu.memory_space<hbm>>) target(%arg7 : memref<79x128xi32, #tpu.memory_space<vmem>>) target_semaphore(%run_scoped3A : memref<!tpu.dma_semaphore, #tpu.memory_space<semaphore_mem>>)
      %dma_wait3A = arith.constant 0 : i32
      %dma_wait3A_24 = arith.constant 0 : i32
      %dma_wait3A_25 = tpu.memref_slice %arg4[%add3A, %dma_wait3A, %dma_wait3A_24] : memref<32x79x128xi32, #tpu.memory_space<hbm>> -> memref<1x79x128xi32, #tpu.memory_space<hbm>>
      %dma_wait3A_26 = tpu.memref_squeeze %dma_wait3A_25 : memref<1x79x128xi32, #tpu.memory_space<hbm>> -> memref<79x128xi32, #tpu.memory_space<hbm>>
      %dma_wait3A_27 = arith.constant 0 : i32
      %dma_wait3A_28 = arith.constant 0 : i32
      %dma_wait3A_29 = tpu.memref_slice %arg4[%add3A, %dma_wait3A_27, %dma_wait3A_28] : memref<32x79x128xi32, #tpu.memory_space<hbm>> -> memref<1x79x128xi32, #tpu.memory_space<hbm>>
      %dma_wait3A_30 = tpu.memref_squeeze %dma_wait3A_29 : memref<1x79x128xi32, #tpu.memory_space<hbm>> -> memref<79x128xi32, #tpu.memory_space<hbm>>
      tpu.wait_dma2 semaphore(%run_scoped3A : memref<!tpu.dma_semaphore, #tpu.memory_space<semaphore_mem>>) src(%dma_wait3A_30 : memref<79x128xi32, #tpu.memory_space<hbm>>) dst(%arg7 : memref<79x128xi32, #tpu.memory_space<vmem>>)
      tpu.yield
    }) : () -> ()
    "tpu.region"() ({
      %run_scoped3A = tpu.sem_alloc : memref<!tpu.dma_semaphore, #tpu.memory_space<semaphore_mem>>
      %dma_start3A = arith.constant 0 : i32
      %dma_start3A_17 = arith.constant 0 : i32
      %dma_start3A_18 = tpu.memref_slice %arg5[%add3A, %dma_start3A, %dma_start3A_17] : memref<32x79x128xi32, #tpu.memory_space<hbm>> -> memref<1x79x128xi32, #tpu.memory_space<hbm>>
      %dma_start3A_19 = tpu.memref_squeeze %dma_start3A_18 : memref<1x79x128xi32, #tpu.memory_space<hbm>> -> memref<79x128xi32, #tpu.memory_space<hbm>>
      %dma_start3A_20 = arith.constant 0 : i32
      %dma_start3A_21 = arith.constant 0 : i32
      %dma_start3A_22 = tpu.memref_slice %arg5[%add3A, %dma_start3A_20, %dma_start3A_21] : memref<32x79x128xi32, #tpu.memory_space<hbm>> -> memref<1x79x128xi32, #tpu.memory_space<hbm>>
      %dma_start3A_23 = tpu.memref_squeeze %dma_start3A_22 : memref<1x79x128xi32, #tpu.memory_space<hbm>> -> memref<79x128xi32, #tpu.memory_space<hbm>>
      tpu.enqueue_dma source(%dma_start3A_23 : memref<79x128xi32, #tpu.memory_space<hbm>>) target(%arg8 : memref<79x128xi32, #tpu.memory_space<vmem>>) target_semaphore(%run_scoped3A : memref<!tpu.dma_semaphore, #tpu.memory_space<semaphore_mem>>)
      %dma_wait3A = arith.constant 0 : i32
      %dma_wait3A_24 = arith.constant 0 : i32
      %dma_wait3A_25 = tpu.memref_slice %arg5[%add3A, %dma_wait3A, %dma_wait3A_24] : memref<32x79x128xi32, #tpu.memory_space<hbm>> -> memref<1x79x128xi32, #tpu.memory_space<hbm>>
      %dma_wait3A_26 = tpu.memref_squeeze %dma_wait3A_25 : memref<1x79x128xi32, #tpu.memory_space<hbm>> -> memref<79x128xi32, #tpu.memory_space<hbm>>
      %dma_wait3A_27 = arith.constant 0 : i32
      %dma_wait3A_28 = arith.constant 0 : i32
      %dma_wait3A_29 = tpu.memref_slice %arg5[%add3A, %dma_wait3A_27, %dma_wait3A_28] : memref<32x79x128xi32, #tpu.memory_space<hbm>> -> memref<1x79x128xi32, #tpu.memory_space<hbm>>
      %dma_wait3A_30 = tpu.memref_squeeze %dma_wait3A_29 : memref<1x79x128xi32, #tpu.memory_space<hbm>> -> memref<79x128xi32, #tpu.memory_space<hbm>>
      tpu.wait_dma2 semaphore(%run_scoped3A : memref<!tpu.dma_semaphore, #tpu.memory_space<semaphore_mem>>) src(%dma_wait3A_30 : memref<79x128xi32, #tpu.memory_space<hbm>>) dst(%arg8 : memref<79x128xi32, #tpu.memory_space<vmem>>)
      tpu.yield
    }) : () -> ()
    %mul3A_1 = arith.constant 632 : i32
    %mul3A_2 = arith.muli %arg1, %mul3A_1 : i32
    %mul3A_3 = arith.constant 632 : i32
    %mul3A_4 = arith.muli %arg1, %mul3A_3 : i32
    "tpu.region"() ({
      %run_scoped3A = tpu.sem_alloc : memref<!tpu.dma_semaphore, #tpu.memory_space<semaphore_mem>>
      %dma_start3A = arith.constant 0 : i32
      %dma_start3A_17 = tpu.memref_slice %arg10[%mul3A_4, %dma_start3A] : memref<10112x128xf32, #tpu.memory_space<vmem_shared>> -> memref<632x128xf32, #tpu.memory_space<vmem_shared>>
      %dma_start3A_18 = arith.constant 0 : i32
      %dma_start3A_19 = tpu.memref_slice %arg3[%mul3A_2, %dma_start3A_18] : memref<10112x128xf32, #tpu.memory_space<hbm>> -> memref<632x128xf32, #tpu.memory_space<hbm>>
      tpu.enqueue_dma source(%dma_start3A_19 : memref<632x128xf32, #tpu.memory_space<hbm>>) target(%dma_start3A_17 : memref<632x128xf32, #tpu.memory_space<vmem_shared>>) target_semaphore(%run_scoped3A : memref<!tpu.dma_semaphore, #tpu.memory_space<semaphore_mem>>)
      %dma_wait3A = arith.constant 0 : i32
      %dma_wait3A_20 = tpu.memref_slice %arg10[%mul3A_4, %dma_wait3A] : memref<10112x128xf32, #tpu.memory_space<vmem_shared>> -> memref<632x128xf32, #tpu.memory_space<vmem_shared>>
      %dma_wait3A_21 = arith.constant 0 : i32
      %dma_wait3A_22 = tpu.memref_slice %arg3[%mul3A_2, %dma_wait3A_21] : memref<10112x128xf32, #tpu.memory_space<hbm>> -> memref<632x128xf32, #tpu.memory_space<hbm>>
      tpu.wait_dma2 semaphore(%run_scoped3A : memref<!tpu.dma_semaphore, #tpu.memory_space<semaphore_mem>>) src(%dma_wait3A_22 : memref<632x128xf32, #tpu.memory_space<hbm>>) dst(%dma_wait3A_20 : memref<632x128xf32, #tpu.memory_space<vmem_shared>>)
      tpu.yield
    }) : () -> ()
    %barrier3A = arith.constant 0 : index
    tpu.barrier barrier_id(%barrier3A)
    %scan3A = arith.constant 0 : i32
    %scan3A_5 = arith.constant 0 : i32
    %scan3A_6 = arith.constant 79 : i32
    %scan3A_7 = arith.addi %scan3A_5, %scan3A_6 : i32
    %scan3A_8 = arith.constant 1 : i32
    %scan3A_9 = scf.for %scan3A_17 = %scan3A_5 to %scan3A_7 step %scan3A_8 iter_args(%scan3A_18 = %scan3A) -> (i32)  : i32 {
      %dma_start3A = arith.constant 0 : i32
      %dma_start3A_19 = tpu.memref_slice %arg7[%scan3A_17, %dma_start3A] : memref<79x128xi32, #tpu.memory_space<vmem>> -> memref<1x128xi32, #tpu.memory_space<vmem>>
      %dma_start3A_20 = tpu.memref_squeeze %dma_start3A_19 : memref<1x128xi32, #tpu.memory_space<vmem>> -> memref<128xi32, #tpu.memory_space<vmem>>
      %dma_start3A_21 = arith.constant 0 : i32
      %dma_start3A_22 = arith.constant 0 : i32
      %dma_start3A_23 = tpu.memref_slice %arg2[%dma_start3A_21, %dma_start3A_22] : memref<10112x128xf32, #tpu.memory_space<hbm>> -> memref<10112x128xf32, #tpu.memory_space<hbm>>
      tpu.enqueue_indirect_dma source(%dma_start3A_23 : memref<10112x128xf32, #tpu.memory_space<hbm>>) target(%arg9 : memref<128x128xf32, #tpu.memory_space<vmem>>) offsets(%dma_start3A_20 : memref<128xi32, #tpu.memory_space<vmem>>) semaphore(%arg11 : memref<!tpu.dma_semaphore, #tpu.memory_space<semaphore_mem>>)
      %dma_wait3A = arith.constant 0 : i32
      %dma_wait3A_24 = tpu.memref_slice %arg7[%scan3A_17, %dma_wait3A] : memref<79x128xi32, #tpu.memory_space<vmem>> -> memref<1x128xi32, #tpu.memory_space<vmem>>
      %dma_wait3A_25 = tpu.memref_squeeze %dma_wait3A_24 : memref<1x128xi32, #tpu.memory_space<vmem>> -> memref<128xi32, #tpu.memory_space<vmem>>
      %dma_wait3A_26 = arith.constant 0 : i32
      %dma_wait3A_27 = arith.constant 0 : i32
      %dma_wait3A_28 = tpu.memref_slice %arg2[%dma_wait3A_26, %dma_wait3A_27] : memref<10112x128xf32, #tpu.memory_space<hbm>> -> memref<10112x128xf32, #tpu.memory_space<hbm>>
      tpu.wait_indirect_dma semaphore(%arg11 : memref<!tpu.dma_semaphore, #tpu.memory_space<semaphore_mem>>) src(%dma_wait3A_28 : memref<10112x128xf32, #tpu.memory_space<hbm>>) dst(%arg9 : memref<128x128xf32, #tpu.memory_space<vmem>>)
      "tpu.region"() ({
        %run_scoped3A = tpu.sem_alloc : memref<!tpu.dma_semaphore, #tpu.memory_space<semaphore_mem>>
        %dma_start3A_30 = arith.constant 0 : i32
        %dma_start3A_31 = tpu.memref_slice %arg8[%scan3A_17, %dma_start3A_30] : memref<79x128xi32, #tpu.memory_space<vmem>> -> memref<1x128xi32, #tpu.memory_space<vmem>>
        %dma_start3A_32 = tpu.memref_squeeze %dma_start3A_31 : memref<1x128xi32, #tpu.memory_space<vmem>> -> memref<128xi32, #tpu.memory_space<vmem>>
        %dma_start3A_33 = arith.constant 0 : i32
        %dma_start3A_34 = arith.constant 0 : i32
        %dma_start3A_35 = tpu.memref_slice %arg10[%dma_start3A_33, %dma_start3A_34] : memref<10112x128xf32, #tpu.memory_space<vmem_shared>> -> memref<10112x128xf32, #tpu.memory_space<vmem_shared>>
        tpu.enqueue_indirect_dma source(%arg9 : memref<128x128xf32, #tpu.memory_space<vmem>>) target(%dma_start3A_35 : memref<10112x128xf32, #tpu.memory_space<vmem_shared>>) offsets(%dma_start3A_32 : memref<128xi32, #tpu.memory_space<vmem>>) semaphore(%run_scoped3A : memref<!tpu.dma_semaphore, #tpu.memory_space<semaphore_mem>>) {add = true}
        %dma_wait3A_36 = arith.constant 0 : i32
        %dma_wait3A_37 = tpu.memref_slice %arg8[%scan3A_17, %dma_wait3A_36] : memref<79x128xi32, #tpu.memory_space<vmem>> -> memref<1x128xi32, #tpu.memory_space<vmem>>
        %dma_wait3A_38 = tpu.memref_squeeze %dma_wait3A_37 : memref<1x128xi32, #tpu.memory_space<vmem>> -> memref<128xi32, #tpu.memory_space<vmem>>
        %dma_wait3A_39 = arith.constant 0 : i32
        %dma_wait3A_40 = arith.constant 0 : i32
        %dma_wait3A_41 = tpu.memref_slice %arg10[%dma_wait3A_39, %dma_wait3A_40] : memref<10112x128xf32, #tpu.memory_space<vmem_shared>> -> memref<10112x128xf32, #tpu.memory_space<vmem_shared>>
        tpu.wait_indirect_dma semaphore(%run_scoped3A : memref<!tpu.dma_semaphore, #tpu.memory_space<semaphore_mem>>) src(%arg9 : memref<128x128xf32, #tpu.memory_space<vmem>>) dst(%dma_wait3A_41 : memref<10112x128xf32, #tpu.memory_space<vmem_shared>>)
        tpu.yield
      }) : () -> ()
      %scan3A_29 = arith.constant 0 : i32
      scf.yield %scan3A_29 : i32
    }
    %scan3A_10 = arith.constant 79 : i32
    %barrier3A_11 = arith.constant 0 : index
    tpu.barrier barrier_id(%barrier3A_11)
    %mul3A_12 = arith.constant 632 : i32
    %mul3A_13 = arith.muli %arg1, %mul3A_12 : i32
    %mul3A_14 = arith.constant 632 : i32
    %mul3A_15 = arith.muli %arg1, %mul3A_14 : i32
    "tpu.region"() ({
      %run_scoped3A = tpu.sem_alloc : memref<!tpu.dma_semaphore, #tpu.memory_space<semaphore_mem>>
      %dma_start3A = arith.constant 0 : i32
      %dma_start3A_17 = arith.constant 0 : i32
      %dma_start3A_18 = tpu.memref_slice %arg6[%arg0, %dma_start3A, %dma_start3A_17] : memref<2x10112x128xf32, #tpu.memory_space<hbm>> -> memref<1x10112x128xf32, #tpu.memory_space<hbm>>
      %dma_start3A_19 = tpu.memref_squeeze %dma_start3A_18 : memref<1x10112x128xf32, #tpu.memory_space<hbm>> -> memref<10112x128xf32, #tpu.memory_space<hbm>>
      %dma_start3A_20 = arith.constant 0 : i32
      %dma_start3A_21 = tpu.memref_slice %dma_start3A_19[%mul3A_15, %dma_start3A_20] : memref<10112x128xf32, #tpu.memory_space<hbm>> -> memref<632x128xf32, #tpu.memory_space<hbm>>
      %dma_start3A_22 = arith.constant 0 : i32
      %dma_start3A_23 = tpu.memref_slice %arg10[%mul3A_13, %dma_start3A_22] : memref<10112x128xf32, #tpu.memory_space<vmem_shared>> -> memref<632x128xf32, #tpu.memory_space<vmem_shared>>
      tpu.enqueue_dma source(%dma_start3A_23 : memref<632x128xf32, #tpu.memory_space<vmem_shared>>) target(%dma_start3A_21 : memref<632x128xf32, #tpu.memory_space<hbm>>) target_semaphore(%run_scoped3A : memref<!tpu.dma_semaphore, #tpu.memory_space<semaphore_mem>>)
      %dma_wait3A = arith.constant 0 : i32
      %dma_wait3A_24 = arith.constant 0 : i32
      %dma_wait3A_25 = tpu.memref_slice %arg6[%arg0, %dma_wait3A, %dma_wait3A_24] : memref<2x10112x128xf32, #tpu.memory_space<hbm>> -> memref<1x10112x128xf32, #tpu.memory_space<hbm>>
      %dma_wait3A_26 = tpu.memref_squeeze %dma_wait3A_25 : memref<1x10112x128xf32, #tpu.memory_space<hbm>> -> memref<10112x128xf32, #tpu.memory_space<hbm>>
      %dma_wait3A_27 = arith.constant 0 : i32
      %dma_wait3A_28 = tpu.memref_slice %dma_wait3A_26[%mul3A_15, %dma_wait3A_27] : memref<10112x128xf32, #tpu.memory_space<hbm>> -> memref<632x128xf32, #tpu.memory_space<hbm>>
      %dma_wait3A_29 = arith.constant 0 : i32
      %dma_wait3A_30 = tpu.memref_slice %arg10[%mul3A_13, %dma_wait3A_29] : memref<10112x128xf32, #tpu.memory_space<vmem_shared>> -> memref<632x128xf32, #tpu.memory_space<vmem_shared>>
      tpu.wait_dma2 semaphore(%run_scoped3A : memref<!tpu.dma_semaphore, #tpu.memory_space<semaphore_mem>>) src(%dma_wait3A_30 : memref<632x128xf32, #tpu.memory_space<vmem_shared>>) dst(%dma_wait3A_28 : memref<632x128xf32, #tpu.memory_space<hbm>>)
      tpu.yield
    }) : () -> ()
    %barrier3A_16 = arith.constant 0 : index
    tpu.barrier barrier_id(%barrier3A_16)
    return
  }
}

#map = affine_map<(d0, d1) -> (0, 0, 0)>
module attributes {stable_mosaic.version = 14 : i64} {
  func.func @_hist_body(%arg0: i32, %arg1: i32, %arg2: memref<32x79x128xi32, #tpu.memory_space<hbm>>, %arg3: memref<2x10112x16xf32, #tpu.memory_space<hbm>>, %arg4: memref<79x128xi32, #tpu.memory_space<vmem>>, %arg5: memref<128x16xf32, #tpu.memory_space<vmem>>, %arg6: memref<158x16xf32, #tpu.memory_space<vmem>>, %arg7: memref<10112x16xf32, #tpu.memory_space<vmem_shared>>) attributes {dimension_semantics = [#tpu.dimension_semantics<core_parallel>, #tpu.dimension_semantics<subcore_parallel>], iteration_bounds = array<i64: 2, 16>, scalar_prefetch = 0 : i64, scratch_operands = 4 : i64, tpu.core_type = #tpu.core_type<sc_vector_subcore>, window_params = [{transform_indices = #map}, {transform_indices = #map}]} {
    %mul3A = arith.constant 16 : i32
    %mul3A_0 = arith.muli %arg0, %mul3A : i32
    %add3A = arith.addi %mul3A_0, %arg1 : i32
    "tpu.region"() ({
      %run_scoped3A = tpu.sem_alloc : memref<!tpu.dma_semaphore, #tpu.memory_space<semaphore_mem>>
      %dma_start3A = arith.constant 0 : i32
      %dma_start3A_46 = arith.constant 0 : i32
      %dma_start3A_47 = tpu.memref_slice %arg2[%add3A, %dma_start3A, %dma_start3A_46] : memref<32x79x128xi32, #tpu.memory_space<hbm>> -> memref<1x79x128xi32, #tpu.memory_space<hbm>>
      %dma_start3A_48 = tpu.memref_squeeze %dma_start3A_47 : memref<1x79x128xi32, #tpu.memory_space<hbm>> -> memref<79x128xi32, #tpu.memory_space<hbm>>
      %dma_start3A_49 = arith.constant 0 : i32
      %dma_start3A_50 = arith.constant 0 : i32
      %dma_start3A_51 = tpu.memref_slice %arg2[%add3A, %dma_start3A_49, %dma_start3A_50] : memref<32x79x128xi32, #tpu.memory_space<hbm>> -> memref<1x79x128xi32, #tpu.memory_space<hbm>>
      %dma_start3A_52 = tpu.memref_squeeze %dma_start3A_51 : memref<1x79x128xi32, #tpu.memory_space<hbm>> -> memref<79x128xi32, #tpu.memory_space<hbm>>
      tpu.enqueue_dma source(%dma_start3A_52 : memref<79x128xi32, #tpu.memory_space<hbm>>) target(%arg4 : memref<79x128xi32, #tpu.memory_space<vmem>>) target_semaphore(%run_scoped3A : memref<!tpu.dma_semaphore, #tpu.memory_space<semaphore_mem>>)
      %dma_wait3A = arith.constant 0 : i32
      %dma_wait3A_53 = arith.constant 0 : i32
      %dma_wait3A_54 = tpu.memref_slice %arg2[%add3A, %dma_wait3A, %dma_wait3A_53] : memref<32x79x128xi32, #tpu.memory_space<hbm>> -> memref<1x79x128xi32, #tpu.memory_space<hbm>>
      %dma_wait3A_55 = tpu.memref_squeeze %dma_wait3A_54 : memref<1x79x128xi32, #tpu.memory_space<hbm>> -> memref<79x128xi32, #tpu.memory_space<hbm>>
      %dma_wait3A_56 = arith.constant 0 : i32
      %dma_wait3A_57 = arith.constant 0 : i32
      %dma_wait3A_58 = tpu.memref_slice %arg2[%add3A, %dma_wait3A_56, %dma_wait3A_57] : memref<32x79x128xi32, #tpu.memory_space<hbm>> -> memref<1x79x128xi32, #tpu.memory_space<hbm>>
      %dma_wait3A_59 = tpu.memref_squeeze %dma_wait3A_58 : memref<1x79x128xi32, #tpu.memory_space<hbm>> -> memref<79x128xi32, #tpu.memory_space<hbm>>
      tpu.wait_dma2 semaphore(%run_scoped3A : memref<!tpu.dma_semaphore, #tpu.memory_space<semaphore_mem>>) src(%dma_wait3A_59 : memref<79x128xi32, #tpu.memory_space<hbm>>) dst(%arg4 : memref<79x128xi32, #tpu.memory_space<vmem>>)
      tpu.yield
    }) : () -> ()
    %broadcast_in_dim3A = arith.constant 0.000000e+00 : f32
    %broadcast_in_dim3A_1 = vector.broadcast %broadcast_in_dim3A : f32 to vector<16xf32>
    %broadcast_in_dim3A_2 = arith.constant 1.000000e+00 : f32
    %broadcast_in_dim3A_3 = vector.broadcast %broadcast_in_dim3A_2 : f32 to vector<16xf32>
    %scan3A = arith.constant 0 : i32
    %scan3A_4 = arith.constant 0 : i32
    %scan3A_5 = arith.constant 158 : i32
    %scan3A_6 = arith.addi %scan3A_4, %scan3A_5 : i32
    %scan3A_7 = arith.constant 1 : i32
    %scan3A_8 = scf.for %scan3A_46 = %scan3A_4 to %scan3A_6 step %scan3A_7 iter_args(%scan3A_47 = %scan3A) -> (i32)  : i32 {
      %swap3A = arith.index_cast %scan3A_46 : i32 to index
      %swap3A_48 = arith.constant 0 : index
      %swap3A_49 = tpu.vector_load %arg6[%swap3A, %swap3A_48] {strides = array<i32>} : memref<158x16xf32, #tpu.memory_space<vmem>>, vector<1x16xf32>,
      %swap3A_50 = vector.shape_cast %swap3A_49 : vector<1x16xf32> to vector<16xf32>
      %swap3A_51 = vector.shape_cast %broadcast_in_dim3A_1 : vector<16xf32> to vector<1x16xf32>
      tpu.vector_store %arg6[%swap3A, %swap3A_48], %swap3A_51 {strides = array<i32>} : memref<158x16xf32, #tpu.memory_space<vmem>>, vector<1x16xf32>,
      %scan3A_52 = arith.constant 0 : i32
      scf.yield %scan3A_52 : i32
    }
    %scan3A_9 = arith.constant 158 : i32
    %scan3A_10 = arith.constant 0 : i32
    %scan3A_11 = arith.constant 0 : i32
    %scan3A_12 = arith.constant 128 : i32
    %scan3A_13 = arith.addi %scan3A_11, %scan3A_12 : i32
    %scan3A_14 = arith.constant 1 : i32
    %scan3A_15 = scf.for %scan3A_46 = %scan3A_11 to %scan3A_13 step %scan3A_14 iter_args(%scan3A_47 = %scan3A_10) -> (i32)  : i32 {
      %swap3A = arith.index_cast %scan3A_46 : i32 to index
      %swap3A_48 = arith.constant 0 : index
      %swap3A_49 = tpu.vector_load %arg5[%swap3A, %swap3A_48] {strides = array<i32>} : memref<128x16xf32, #tpu.memory_space<vmem>>, vector<1x16xf32>,
      %swap3A_50 = vector.shape_cast %swap3A_49 : vector<1x16xf32> to vector<16xf32>
      %swap3A_51 = vector.shape_cast %broadcast_in_dim3A_3 : vector<16xf32> to vector<1x16xf32>
      tpu.vector_store %arg5[%swap3A, %swap3A_48], %swap3A_51 {strides = array<i32>} : memref<128x16xf32, #tpu.memory_space<vmem>>, vector<1x16xf32>,
      %scan3A_52 = arith.constant 0 : i32
      scf.yield %scan3A_52 : i32
    }
    %scan3A_16 = arith.constant 128 : i32
    %mul3A_17 = arith.constant 632 : i32
    %mul3A_18 = arith.muli %arg1, %mul3A_17 : i32
    %add3A_19 = arith.constant 0 : i32
    %add3A_20 = arith.addi %mul3A_18, %add3A_19 : i32
    "tpu.region"() ({
      %run_scoped3A = tpu.sem_alloc : memref<!tpu.dma_semaphore, #tpu.memory_space<semaphore_mem>>
      %dma_start3A = arith.constant 0 : i32
      %dma_start3A_46 = tpu.memref_slice %arg7[%add3A_20, %dma_start3A] : memref<10112x16xf32, #tpu.memory_space<vmem_shared>> -> memref<158x16xf32, #tpu.memory_space<vmem_shared>>
      %dma_start3A_47 = arith.constant 0 : i32
      %dma_start3A_48 = tpu.memref_slice %arg7[%add3A_20, %dma_start3A_47] : memref<10112x16xf32, #tpu.memory_space<vmem_shared>> -> memref<158x16xf32, #tpu.memory_space<vmem_shared>>
      tpu.enqueue_dma source(%arg6 : memref<158x16xf32, #tpu.memory_space<vmem>>) target(%dma_start3A_48 : memref<158x16xf32, #tpu.memory_space<vmem_shared>>) target_semaphore(%run_scoped3A : memref<!tpu.dma_semaphore, #tpu.memory_space<semaphore_mem>>)
      %dma_wait3A = arith.constant 0 : i32
      %dma_wait3A_49 = tpu.memref_slice %arg7[%add3A_20, %dma_wait3A] : memref<10112x16xf32, #tpu.memory_space<vmem_shared>> -> memref<158x16xf32, #tpu.memory_space<vmem_shared>>
      %dma_wait3A_50 = arith.constant 0 : i32
      %dma_wait3A_51 = tpu.memref_slice %arg7[%add3A_20, %dma_wait3A_50] : memref<10112x16xf32, #tpu.memory_space<vmem_shared>> -> memref<158x16xf32, #tpu.memory_space<vmem_shared>>
      tpu.wait_dma2 semaphore(%run_scoped3A : memref<!tpu.dma_semaphore, #tpu.memory_space<semaphore_mem>>) src(%arg6 : memref<158x16xf32, #tpu.memory_space<vmem>>) dst(%dma_wait3A_51 : memref<158x16xf32, #tpu.memory_space<vmem_shared>>)
      tpu.yield
    }) : () -> ()
    %mul3A_21 = arith.constant 632 : i32
    %mul3A_22 = arith.muli %arg1, %mul3A_21 : i32
    %add3A_23 = arith.constant 158 : i32
    %add3A_24 = arith.addi %mul3A_22, %add3A_23 : i32
    "tpu.region"() ({
      %run_scoped3A = tpu.sem_alloc : memref<!tpu.dma_semaphore, #tpu.memory_space<semaphore_mem>>
      %dma_start3A = arith.constant 0 : i32
      %dma_start3A_46 = tpu.memref_slice %arg7[%add3A_24, %dma_start3A] : memref<10112x16xf32, #tpu.memory_space<vmem_shared>> -> memref<158x16xf32, #tpu.memory_space<vmem_shared>>
      %dma_start3A_47 = arith.constant 0 : i32
      %dma_start3A_48 = tpu.memref_slice %arg7[%add3A_24, %dma_start3A_47] : memref<10112x16xf32, #tpu.memory_space<vmem_shared>> -> memref<158x16xf32, #tpu.memory_space<vmem_shared>>
      tpu.enqueue_dma source(%arg6 : memref<158x16xf32, #tpu.memory_space<vmem>>) target(%dma_start3A_48 : memref<158x16xf32, #tpu.memory_space<vmem_shared>>) target_semaphore(%run_scoped3A : memref<!tpu.dma_semaphore, #tpu.memory_space<semaphore_mem>>)
      %dma_wait3A = arith.constant 0 : i32
      %dma_wait3A_49 = tpu.memref_slice %arg7[%add3A_24, %dma_wait3A] : memref<10112x16xf32, #tpu.memory_space<vmem_shared>> -> memref<158x16xf32, #tpu.memory_space<vmem_shared>>
      %dma_wait3A_50 = arith.constant 0 : i32
      %dma_wait3A_51 = tpu.memref_slice %arg7[%add3A_24, %dma_wait3A_50] : memref<10112x16xf32, #tpu.memory_space<vmem_shared>> -> memref<158x16xf32, #tpu.memory_space<vmem_shared>>
      tpu.wait_dma2 semaphore(%run_scoped3A : memref<!tpu.dma_semaphore, #tpu.memory_space<semaphore_mem>>) src(%arg6 : memref<158x16xf32, #tpu.memory_space<vmem>>) dst(%dma_wait3A_51 : memref<158x16xf32, #tpu.memory_space<vmem_shared>>)
      tpu.yield
    }) : () -> ()
    %mul3A_25 = arith.constant 632 : i32
    %mul3A_26 = arith.muli %arg1, %mul3A_25 : i32
    %add3A_27 = arith.constant 316 : i32
    %add3A_28 = arith.addi %mul3A_26, %add3A_27 : i32
    "tpu.region"() ({
      %run_scoped3A = tpu.sem_alloc : memref<!tpu.dma_semaphore, #tpu.memory_space<semaphore_mem>>
      %dma_start3A = arith.constant 0 : i32
      %dma_start3A_46 = tpu.memref_slice %arg7[%add3A_28, %dma_start3A] : memref<10112x16xf32, #tpu.memory_space<vmem_shared>> -> memref<158x16xf32, #tpu.memory_space<vmem_shared>>
      %dma_start3A_47 = arith.constant 0 : i32
      %dma_start3A_48 = tpu.memref_slice %arg7[%add3A_28, %dma_start3A_47] : memref<10112x16xf32, #tpu.memory_space<vmem_shared>> -> memref<158x16xf32, #tpu.memory_space<vmem_shared>>
      tpu.enqueue_dma source(%arg6 : memref<158x16xf32, #tpu.memory_space<vmem>>) target(%dma_start3A_48 : memref<158x16xf32, #tpu.memory_space<vmem_shared>>) target_semaphore(%run_scoped3A : memref<!tpu.dma_semaphore, #tpu.memory_space<semaphore_mem>>)
      %dma_wait3A = arith.constant 0 : i32
      %dma_wait3A_49 = tpu.memref_slice %arg7[%add3A_28, %dma_wait3A] : memref<10112x16xf32, #tpu.memory_space<vmem_shared>> -> memref<158x16xf32, #tpu.memory_space<vmem_shared>>
      %dma_wait3A_50 = arith.constant 0 : i32
      %dma_wait3A_51 = tpu.memref_slice %arg7[%add3A_28, %dma_wait3A_50] : memref<10112x16xf32, #tpu.memory_space<vmem_shared>> -> memref<158x16xf32, #tpu.memory_space<vmem_shared>>
      tpu.wait_dma2 semaphore(%run_scoped3A : memref<!tpu.dma_semaphore, #tpu.memory_space<semaphore_mem>>) src(%arg6 : memref<158x16xf32, #tpu.memory_space<vmem>>) dst(%dma_wait3A_51 : memref<158x16xf32, #tpu.memory_space<vmem_shared>>)
      tpu.yield
    }) : () -> ()
    %mul3A_29 = arith.constant 632 : i32
    %mul3A_30 = arith.muli %arg1, %mul3A_29 : i32
    %add3A_31 = arith.constant 474 : i32
    %add3A_32 = arith.addi %mul3A_30, %add3A_31 : i32
    "tpu.region"() ({
      %run_scoped3A = tpu.sem_alloc : memref<!tpu.dma_semaphore, #tpu.memory_space<semaphore_mem>>
      %dma_start3A = arith.constant 0 : i32
      %dma_start3A_46 = tpu.memref_slice %arg7[%add3A_32, %dma_start3A] : memref<10112x16xf32, #tpu.memory_space<vmem_shared>> -> memref<158x16xf32, #tpu.memory_space<vmem_shared>>
      %dma_start3A_47 = arith.constant 0 : i32
      %dma_start3A_48 = tpu.memref_slice %arg7[%add3A_32, %dma_start3A_47] : memref<10112x16xf32, #tpu.memory_space<vmem_shared>> -> memref<158x16xf32, #tpu.memory_space<vmem_shared>>
      tpu.enqueue_dma source(%arg6 : memref<158x16xf32, #tpu.memory_space<vmem>>) target(%dma_start3A_48 : memref<158x16xf32, #tpu.memory_space<vmem_shared>>) target_semaphore(%run_scoped3A : memref<!tpu.dma_semaphore, #tpu.memory_space<semaphore_mem>>)
      %dma_wait3A = arith.constant 0 : i32
      %dma_wait3A_49 = tpu.memref_slice %arg7[%add3A_32, %dma_wait3A] : memref<10112x16xf32, #tpu.memory_space<vmem_shared>> -> memref<158x16xf32, #tpu.memory_space<vmem_shared>>
      %dma_wait3A_50 = arith.constant 0 : i32
      %dma_wait3A_51 = tpu.memref_slice %arg7[%add3A_32, %dma_wait3A_50] : memref<10112x16xf32, #tpu.memory_space<vmem_shared>> -> memref<158x16xf32, #tpu.memory_space<vmem_shared>>
      tpu.wait_dma2 semaphore(%run_scoped3A : memref<!tpu.dma_semaphore, #tpu.memory_space<semaphore_mem>>) src(%arg6 : memref<158x16xf32, #tpu.memory_space<vmem>>) dst(%dma_wait3A_51 : memref<158x16xf32, #tpu.memory_space<vmem_shared>>)
      tpu.yield
    }) : () -> ()
    %barrier3A = arith.constant 0 : index
    tpu.barrier barrier_id(%barrier3A)
    %scan3A_33 = arith.constant 0 : i32
    %scan3A_34 = arith.constant 0 : i32
    %scan3A_35 = arith.constant 79 : i32
    %scan3A_36 = arith.addi %scan3A_34, %scan3A_35 : i32
    %scan3A_37 = arith.constant 1 : i32
    %scan3A_38 = scf.for %scan3A_46 = %scan3A_34 to %scan3A_36 step %scan3A_37 iter_args(%scan3A_47 = %scan3A_33) -> (i32)  : i32 {
      "tpu.region"() ({
        %run_scoped3A = tpu.sem_alloc : memref<!tpu.dma_semaphore, #tpu.memory_space<semaphore_mem>>
        %dma_start3A = arith.constant 0 : i32
        %dma_start3A_49 = tpu.memref_slice %arg4[%scan3A_46, %dma_start3A] : memref<79x128xi32, #tpu.memory_space<vmem>> -> memref<1x128xi32, #tpu.memory_space<vmem>>
        %dma_start3A_50 = tpu.memref_squeeze %dma_start3A_49 : memref<1x128xi32, #tpu.memory_space<vmem>> -> memref<128xi32, #tpu.memory_space<vmem>>
        %dma_start3A_51 = arith.constant 0 : i32
        %dma_start3A_52 = arith.constant 0 : i32
        %dma_start3A_53 = tpu.memref_slice %arg7[%dma_start3A_51, %dma_start3A_52] : memref<10112x16xf32, #tpu.memory_space<vmem_shared>> -> memref<10112x16xf32, #tpu.memory_space<vmem_shared>>
        tpu.enqueue_indirect_dma source(%arg5 : memref<128x16xf32, #tpu.memory_space<vmem>>) target(%dma_start3A_53 : memref<10112x16xf32, #tpu.memory_space<vmem_shared>>) offsets(%dma_start3A_50 : memref<128xi32, #tpu.memory_space<vmem>>) semaphore(%run_scoped3A : memref<!tpu.dma_semaphore, #tpu.memory_space<semaphore_mem>>) {add = true}
        %dma_wait3A = arith.constant 0 : i32
        %dma_wait3A_54 = tpu.memref_slice %arg4[%scan3A_46, %dma_wait3A] : memref<79x128xi32, #tpu.memory_space<vmem>> -> memref<1x128xi32, #tpu.memory_space<vmem>>
        %dma_wait3A_55 = tpu.memref_squeeze %dma_wait3A_54 : memref<1x128xi32, #tpu.memory_space<vmem>> -> memref<128xi32, #tpu.memory_space<vmem>>
        %dma_wait3A_56 = arith.constant 0 : i32
        %dma_wait3A_57 = arith.constant 0 : i32
        %dma_wait3A_58 = tpu.memref_slice %arg7[%dma_wait3A_56, %dma_wait3A_57] : memref<10112x16xf32, #tpu.memory_space<vmem_shared>> -> memref<10112x16xf32, #tpu.memory_space<vmem_shared>>
        tpu.wait_indirect_dma semaphore(%run_scoped3A : memref<!tpu.dma_semaphore, #tpu.memory_space<semaphore_mem>>) src(%arg5 : memref<128x16xf32, #tpu.memory_space<vmem>>) dst(%dma_wait3A_58 : memref<10112x16xf32, #tpu.memory_space<vmem_shared>>)
        tpu.yield
      }) : () -> ()
      %scan3A_48 = arith.constant 0 : i32
      scf.yield %scan3A_48 : i32
    }
    %scan3A_39 = arith.constant 79 : i32
    %barrier3A_40 = arith.constant 0 : index
    tpu.barrier barrier_id(%barrier3A_40)
    %mul3A_41 = arith.constant 632 : i32
    %mul3A_42 = arith.muli %arg1, %mul3A_41 : i32
    %mul3A_43 = arith.constant 632 : i32
    %mul3A_44 = arith.muli %arg1, %mul3A_43 : i32
    "tpu.region"() ({
      %run_scoped3A = tpu.sem_alloc : memref<!tpu.dma_semaphore, #tpu.memory_space<semaphore_mem>>
      %dma_start3A = arith.constant 0 : i32
      %dma_start3A_46 = arith.constant 0 : i32
      %dma_start3A_47 = tpu.memref_slice %arg3[%arg0, %dma_start3A, %dma_start3A_46] : memref<2x10112x16xf32, #tpu.memory_space<hbm>> -> memref<1x10112x16xf32, #tpu.memory_space<hbm>>
      %dma_start3A_48 = tpu.memref_squeeze %dma_start3A_47 : memref<1x10112x16xf32, #tpu.memory_space<hbm>> -> memref<10112x16xf32, #tpu.memory_space<hbm>>
      %dma_start3A_49 = arith.constant 0 : i32
      %dma_start3A_50 = tpu.memref_slice %dma_start3A_48[%mul3A_44, %dma_start3A_49] : memref<10112x16xf32, #tpu.memory_space<hbm>> -> memref<632x16xf32, #tpu.memory_space<hbm>>
      %dma_start3A_51 = arith.constant 0 : i32
      %dma_start3A_52 = tpu.memref_slice %arg7[%mul3A_42, %dma_start3A_51] : memref<10112x16xf32, #tpu.memory_space<vmem_shared>> -> memref<632x16xf32, #tpu.memory_space<vmem_shared>>
      tpu.enqueue_dma source(%dma_start3A_52 : memref<632x16xf32, #tpu.memory_space<vmem_shared>>) target(%dma_start3A_50 : memref<632x16xf32, #tpu.memory_space<hbm>>) target_semaphore(%run_scoped3A : memref<!tpu.dma_semaphore, #tpu.memory_space<semaphore_mem>>)
      %dma_wait3A = arith.constant 0 : i32
      %dma_wait3A_53 = arith.constant 0 : i32
      %dma_wait3A_54 = tpu.memref_slice %arg3[%arg0, %dma_wait3A, %dma_wait3A_53] : memref<2x10112x16xf32, #tpu.memory_space<hbm>> -> memref<1x10112x16xf32, #tpu.memory_space<hbm>>
      %dma_wait3A_55 = tpu.memref_squeeze %dma_wait3A_54 : memref<1x10112x16xf32, #tpu.memory_space<hbm>> -> memref<10112x16xf32, #tpu.memory_space<hbm>>
      %dma_wait3A_56 = arith.constant 0 : i32
      %dma_wait3A_57 = tpu.memref_slice %dma_wait3A_55[%mul3A_44, %dma_wait3A_56] : memref<10112x16xf32, #tpu.memory_space<hbm>> -> memref<632x16xf32, #tpu.memory_space<hbm>>
      %dma_wait3A_58 = arith.constant 0 : i32
      %dma_wait3A_59 = tpu.memref_slice %arg7[%mul3A_42, %dma_wait3A_58] : memref<10112x16xf32, #tpu.memory_space<vmem_shared>> -> memref<632x16xf32, #tpu.memory_space<vmem_shared>>
      tpu.wait_dma2 semaphore(%run_scoped3A : memref<!tpu.dma_semaphore, #tpu.memory_space<semaphore_mem>>) src(%dma_wait3A_59 : memref<632x16xf32, #tpu.memory_space<vmem_shared>>) dst(%dma_wait3A_57 : memref<632x16xf32, #tpu.memory_space<hbm>>)
      tpu.yield
    }) : () -> ()
    %barrier3A_45 = arith.constant 0 : index
    tpu.barrier barrier_id(%barrier3A_45)
    return
  }
}

#map = affine_map<(d0, d1) -> (0, 0)>
#map1 = affine_map<(d0, d1) -> (0, 0, 0)>
module attributes {stable_mosaic.version = 14 : i64} {
  func.func @_scat_body(%arg0: i32, %arg1: i32, %arg2: memref<10112x128xf32, #tpu.memory_space<hbm>>, %arg3: memref<10112x128xf32, #tpu.memory_space<hbm>>, %arg4: memref<32x79x128xi32, #tpu.memory_space<hbm>>, %arg5: memref<32x79x128xi32, #tpu.memory_space<hbm>>, %arg6: memref<2x10112x128xf32, #tpu.memory_space<hbm>>, %arg7: memref<79x128xi32, #tpu.memory_space<vmem>>, %arg8: memref<79x128xi32, #tpu.memory_space<vmem>>, %arg9: memref<128x128xf32, #tpu.memory_space<vmem>>, %arg10: memref<10112x128xf32, #tpu.memory_space<vmem_shared>>, %arg11: memref<!tpu.dma_semaphore, #tpu.memory_space<semaphore_mem>>) attributes {dimension_semantics = [#tpu.dimension_semantics<core_parallel>, #tpu.dimension_semantics<subcore_parallel>], iteration_bounds = array<i64: 2, 16>, scalar_prefetch = 0 : i64, scratch_operands = 5 : i64, tpu.core_type = #tpu.core_type<sc_vector_subcore>, window_params = [{transform_indices = #map}, {transform_indices = #map}, {transform_indices = #map1}, {transform_indices = #map1}, {transform_indices = #map1}]} {
    %mul3A = arith.constant 16 : i32
    %mul3A_0 = arith.muli %arg0, %mul3A : i32
    %add3A = arith.addi %mul3A_0, %arg1 : i32
    "tpu.region"() ({
      %run_scoped3A = tpu.sem_alloc : memref<!tpu.dma_semaphore, #tpu.memory_space<semaphore_mem>>
      %dma_start3A = arith.constant 0 : i32
      %dma_start3A_17 = arith.constant 0 : i32
      %dma_start3A_18 = tpu.memref_slice %arg4[%add3A, %dma_start3A, %dma_start3A_17] : memref<32x79x128xi32, #tpu.memory_space<hbm>> -> memref<1x79x128xi32, #tpu.memory_space<hbm>>
      %dma_start3A_19 = tpu.memref_squeeze %dma_start3A_18 : memref<1x79x128xi32, #tpu.memory_space<hbm>> -> memref<79x128xi32, #tpu.memory_space<hbm>>
      %dma_start3A_20 = arith.constant 0 : i32
      %dma_start3A_21 = arith.constant 0 : i32
      %dma_start3A_22 = tpu.memref_slice %arg4[%add3A, %dma_start3A_20, %dma_start3A_21] : memref<32x79x128xi32, #tpu.memory_space<hbm>> -> memref<1x79x128xi32, #tpu.memory_space<hbm>>
      %dma_start3A_23 = tpu.memref_squeeze %dma_start3A_22 : memref<1x79x128xi32, #tpu.memory_space<hbm>> -> memref<79x128xi32, #tpu.memory_space<hbm>>
      tpu.enqueue_dma source(%dma_start3A_23 : memref<79x128xi32, #tpu.memory_space<hbm>>) target(%arg7 : memref<79x128xi32, #tpu.memory_space<vmem>>) target_semaphore(%run_scoped3A : memref<!tpu.dma_semaphore, #tpu.memory_space<semaphore_mem>>)
      %dma_wait3A = arith.constant 0 : i32
      %dma_wait3A_24 = arith.constant 0 : i32
      %dma_wait3A_25 = tpu.memref_slice %arg4[%add3A, %dma_wait3A, %dma_wait3A_24] : memref<32x79x128xi32, #tpu.memory_space<hbm>> -> memref<1x79x128xi32, #tpu.memory_space<hbm>>
      %dma_wait3A_26 = tpu.memref_squeeze %dma_wait3A_25 : memref<1x79x128xi32, #tpu.memory_space<hbm>> -> memref<79x128xi32, #tpu.memory_space<hbm>>
      %dma_wait3A_27 = arith.constant 0 : i32
      %dma_wait3A_28 = arith.constant 0 : i32
      %dma_wait3A_29 = tpu.memref_slice %arg4[%add3A, %dma_wait3A_27, %dma_wait3A_28] : memref<32x79x128xi32, #tpu.memory_space<hbm>> -> memref<1x79x128xi32, #tpu.memory_space<hbm>>
      %dma_wait3A_30 = tpu.memref_squeeze %dma_wait3A_29 : memref<1x79x128xi32, #tpu.memory_space<hbm>> -> memref<79x128xi32, #tpu.memory_space<hbm>>
      tpu.wait_dma2 semaphore(%run_scoped3A : memref<!tpu.dma_semaphore, #tpu.memory_space<semaphore_mem>>) src(%dma_wait3A_30 : memref<79x128xi32, #tpu.memory_space<hbm>>) dst(%arg7 : memref<79x128xi32, #tpu.memory_space<vmem>>)
      tpu.yield
    }) : () -> ()
    "tpu.region"() ({
      %run_scoped3A = tpu.sem_alloc : memref<!tpu.dma_semaphore, #tpu.memory_space<semaphore_mem>>
      %dma_start3A = arith.constant 0 : i32
      %dma_start3A_17 = arith.constant 0 : i32
      %dma_start3A_18 = tpu.memref_slice %arg5[%add3A, %dma_start3A, %dma_start3A_17] : memref<32x79x128xi32, #tpu.memory_space<hbm>> -> memref<1x79x128xi32, #tpu.memory_space<hbm>>
      %dma_start3A_19 = tpu.memref_squeeze %dma_start3A_18 : memref<1x79x128xi32, #tpu.memory_space<hbm>> -> memref<79x128xi32, #tpu.memory_space<hbm>>
      %dma_start3A_20 = arith.constant 0 : i32
      %dma_start3A_21 = arith.constant 0 : i32
      %dma_start3A_22 = tpu.memref_slice %arg5[%add3A, %dma_start3A_20, %dma_start3A_21] : memref<32x79x128xi32, #tpu.memory_space<hbm>> -> memref<1x79x128xi32, #tpu.memory_space<hbm>>
      %dma_start3A_23 = tpu.memref_squeeze %dma_start3A_22 : memref<1x79x128xi32, #tpu.memory_space<hbm>> -> memref<79x128xi32, #tpu.memory_space<hbm>>
      tpu.enqueue_dma source(%dma_start3A_23 : memref<79x128xi32, #tpu.memory_space<hbm>>) target(%arg8 : memref<79x128xi32, #tpu.memory_space<vmem>>) target_semaphore(%run_scoped3A : memref<!tpu.dma_semaphore, #tpu.memory_space<semaphore_mem>>)
      %dma_wait3A = arith.constant 0 : i32
      %dma_wait3A_24 = arith.constant 0 : i32
      %dma_wait3A_25 = tpu.memref_slice %arg5[%add3A, %dma_wait3A, %dma_wait3A_24] : memref<32x79x128xi32, #tpu.memory_space<hbm>> -> memref<1x79x128xi32, #tpu.memory_space<hbm>>
      %dma_wait3A_26 = tpu.memref_squeeze %dma_wait3A_25 : memref<1x79x128xi32, #tpu.memory_space<hbm>> -> memref<79x128xi32, #tpu.memory_space<hbm>>
      %dma_wait3A_27 = arith.constant 0 : i32
      %dma_wait3A_28 = arith.constant 0 : i32
      %dma_wait3A_29 = tpu.memref_slice %arg5[%add3A, %dma_wait3A_27, %dma_wait3A_28] : memref<32x79x128xi32, #tpu.memory_space<hbm>> -> memref<1x79x128xi32, #tpu.memory_space<hbm>>
      %dma_wait3A_30 = tpu.memref_squeeze %dma_wait3A_29 : memref<1x79x128xi32, #tpu.memory_space<hbm>> -> memref<79x128xi32, #tpu.memory_space<hbm>>
      tpu.wait_dma2 semaphore(%run_scoped3A : memref<!tpu.dma_semaphore, #tpu.memory_space<semaphore_mem>>) src(%dma_wait3A_30 : memref<79x128xi32, #tpu.memory_space<hbm>>) dst(%arg8 : memref<79x128xi32, #tpu.memory_space<vmem>>)
      tpu.yield
    }) : () -> ()
    %mul3A_1 = arith.constant 632 : i32
    %mul3A_2 = arith.muli %arg1, %mul3A_1 : i32
    %mul3A_3 = arith.constant 632 : i32
    %mul3A_4 = arith.muli %arg1, %mul3A_3 : i32
    "tpu.region"() ({
      %run_scoped3A = tpu.sem_alloc : memref<!tpu.dma_semaphore, #tpu.memory_space<semaphore_mem>>
      %dma_start3A = arith.constant 0 : i32
      %dma_start3A_17 = tpu.memref_slice %arg10[%mul3A_4, %dma_start3A] : memref<10112x128xf32, #tpu.memory_space<vmem_shared>> -> memref<632x128xf32, #tpu.memory_space<vmem_shared>>
      %dma_start3A_18 = arith.constant 0 : i32
      %dma_start3A_19 = tpu.memref_slice %arg3[%mul3A_2, %dma_start3A_18] : memref<10112x128xf32, #tpu.memory_space<hbm>> -> memref<632x128xf32, #tpu.memory_space<hbm>>
      tpu.enqueue_dma source(%dma_start3A_19 : memref<632x128xf32, #tpu.memory_space<hbm>>) target(%dma_start3A_17 : memref<632x128xf32, #tpu.memory_space<vmem_shared>>) target_semaphore(%run_scoped3A : memref<!tpu.dma_semaphore, #tpu.memory_space<semaphore_mem>>)
      %dma_wait3A = arith.constant 0 : i32
      %dma_wait3A_20 = tpu.memref_slice %arg10[%mul3A_4, %dma_wait3A] : memref<10112x128xf32, #tpu.memory_space<vmem_shared>> -> memref<632x128xf32, #tpu.memory_space<vmem_shared>>
      %dma_wait3A_21 = arith.constant 0 : i32
      %dma_wait3A_22 = tpu.memref_slice %arg3[%mul3A_2, %dma_wait3A_21] : memref<10112x128xf32, #tpu.memory_space<hbm>> -> memref<632x128xf32, #tpu.memory_space<hbm>>
      tpu.wait_dma2 semaphore(%run_scoped3A : memref<!tpu.dma_semaphore, #tpu.memory_space<semaphore_mem>>) src(%dma_wait3A_22 : memref<632x128xf32, #tpu.memory_space<hbm>>) dst(%dma_wait3A_20 : memref<632x128xf32, #tpu.memory_space<vmem_shared>>)
      tpu.yield
    }) : () -> ()
    %barrier3A = arith.constant 0 : index
    tpu.barrier barrier_id(%barrier3A)
    %scan3A = arith.constant 0 : i32
    %scan3A_5 = arith.constant 0 : i32
    %scan3A_6 = arith.constant 79 : i32
    %scan3A_7 = arith.addi %scan3A_5, %scan3A_6 : i32
    %scan3A_8 = arith.constant 1 : i32
    %scan3A_9 = scf.for %scan3A_17 = %scan3A_5 to %scan3A_7 step %scan3A_8 iter_args(%scan3A_18 = %scan3A) -> (i32)  : i32 {
      %dma_start3A = arith.constant 0 : i32
      %dma_start3A_19 = tpu.memref_slice %arg7[%scan3A_17, %dma_start3A] : memref<79x128xi32, #tpu.memory_space<vmem>> -> memref<1x128xi32, #tpu.memory_space<vmem>>
      %dma_start3A_20 = tpu.memref_squeeze %dma_start3A_19 : memref<1x128xi32, #tpu.memory_space<vmem>> -> memref<128xi32, #tpu.memory_space<vmem>>
      %dma_start3A_21 = arith.constant 0 : i32
      %dma_start3A_22 = arith.constant 0 : i32
      %dma_start3A_23 = tpu.memref_slice %arg2[%dma_start3A_21, %dma_start3A_22] : memref<10112x128xf32, #tpu.memory_space<hbm>> -> memref<10112x128xf32, #tpu.memory_space<hbm>>
      tpu.enqueue_indirect_dma source(%dma_start3A_23 : memref<10112x128xf32, #tpu.memory_space<hbm>>) target(%arg9 : memref<128x128xf32, #tpu.memory_space<vmem>>) offsets(%dma_start3A_20 : memref<128xi32, #tpu.memory_space<vmem>>) semaphore(%arg11 : memref<!tpu.dma_semaphore, #tpu.memory_space<semaphore_mem>>)
      %dma_wait3A = arith.constant 0 : i32
      %dma_wait3A_24 = tpu.memref_slice %arg7[%scan3A_17, %dma_wait3A] : memref<79x128xi32, #tpu.memory_space<vmem>> -> memref<1x128xi32, #tpu.memory_space<vmem>>
      %dma_wait3A_25 = tpu.memref_squeeze %dma_wait3A_24 : memref<1x128xi32, #tpu.memory_space<vmem>> -> memref<128xi32, #tpu.memory_space<vmem>>
      %dma_wait3A_26 = arith.constant 0 : i32
      %dma_wait3A_27 = arith.constant 0 : i32
      %dma_wait3A_28 = tpu.memref_slice %arg2[%dma_wait3A_26, %dma_wait3A_27] : memref<10112x128xf32, #tpu.memory_space<hbm>> -> memref<10112x128xf32, #tpu.memory_space<hbm>>
      tpu.wait_indirect_dma semaphore(%arg11 : memref<!tpu.dma_semaphore, #tpu.memory_space<semaphore_mem>>) src(%dma_wait3A_28 : memref<10112x128xf32, #tpu.memory_space<hbm>>) dst(%arg9 : memref<128x128xf32, #tpu.memory_space<vmem>>)
      "tpu.region"() ({
        %run_scoped3A = tpu.sem_alloc : memref<!tpu.dma_semaphore, #tpu.memory_space<semaphore_mem>>
        %dma_start3A_30 = arith.constant 0 : i32
        %dma_start3A_31 = tpu.memref_slice %arg8[%scan3A_17, %dma_start3A_30] : memref<79x128xi32, #tpu.memory_space<vmem>> -> memref<1x128xi32, #tpu.memory_space<vmem>>
        %dma_start3A_32 = tpu.memref_squeeze %dma_start3A_31 : memref<1x128xi32, #tpu.memory_space<vmem>> -> memref<128xi32, #tpu.memory_space<vmem>>
        %dma_start3A_33 = arith.constant 0 : i32
        %dma_start3A_34 = arith.constant 0 : i32
        %dma_start3A_35 = tpu.memref_slice %arg10[%dma_start3A_33, %dma_start3A_34] : memref<10112x128xf32, #tpu.memory_space<vmem_shared>> -> memref<10112x128xf32, #tpu.memory_space<vmem_shared>>
        tpu.enqueue_indirect_dma source(%arg9 : memref<128x128xf32, #tpu.memory_space<vmem>>) target(%dma_start3A_35 : memref<10112x128xf32, #tpu.memory_space<vmem_shared>>) offsets(%dma_start3A_32 : memref<128xi32, #tpu.memory_space<vmem>>) semaphore(%run_scoped3A : memref<!tpu.dma_semaphore, #tpu.memory_space<semaphore_mem>>) {add = true}
        %dma_wait3A_36 = arith.constant 0 : i32
        %dma_wait3A_37 = tpu.memref_slice %arg8[%scan3A_17, %dma_wait3A_36] : memref<79x128xi32, #tpu.memory_space<vmem>> -> memref<1x128xi32, #tpu.memory_space<vmem>>
        %dma_wait3A_38 = tpu.memref_squeeze %dma_wait3A_37 : memref<1x128xi32, #tpu.memory_space<vmem>> -> memref<128xi32, #tpu.memory_space<vmem>>
        %dma_wait3A_39 = arith.constant 0 : i32
        %dma_wait3A_40 = arith.constant 0 : i32
        %dma_wait3A_41 = tpu.memref_slice %arg10[%dma_wait3A_39, %dma_wait3A_40] : memref<10112x128xf32, #tpu.memory_space<vmem_shared>> -> memref<10112x128xf32, #tpu.memory_space<vmem_shared>>
        tpu.wait_indirect_dma semaphore(%run_scoped3A : memref<!tpu.dma_semaphore, #tpu.memory_space<semaphore_mem>>) src(%arg9 : memref<128x128xf32, #tpu.memory_space<vmem>>) dst(%dma_wait3A_41 : memref<10112x128xf32, #tpu.memory_space<vmem_shared>>)
        tpu.yield
      }) : () -> ()
      %scan3A_29 = arith.constant 0 : i32
      scf.yield %scan3A_29 : i32
    }
    %scan3A_10 = arith.constant 79 : i32
    %barrier3A_11 = arith.constant 0 : index
    tpu.barrier barrier_id(%barrier3A_11)
    %mul3A_12 = arith.constant 632 : i32
    %mul3A_13 = arith.muli %arg1, %mul3A_12 : i32
    %mul3A_14 = arith.constant 632 : i32
    %mul3A_15 = arith.muli %arg1, %mul3A_14 : i32
    "tpu.region"() ({
      %run_scoped3A = tpu.sem_alloc : memref<!tpu.dma_semaphore, #tpu.memory_space<semaphore_mem>>
      %dma_start3A = arith.constant 0 : i32
      %dma_start3A_17 = arith.constant 0 : i32
      %dma_start3A_18 = tpu.memref_slice %arg6[%arg0, %dma_start3A, %dma_start3A_17] : memref<2x10112x128xf32, #tpu.memory_space<hbm>> -> memref<1x10112x128xf32, #tpu.memory_space<hbm>>
      %dma_start3A_19 = tpu.memref_squeeze %dma_start3A_18 : memref<1x10112x128xf32, #tpu.memory_space<hbm>> -> memref<10112x128xf32, #tpu.memory_space<hbm>>
      %dma_start3A_20 = arith.constant 0 : i32
      %dma_start3A_21 = tpu.memref_slice %dma_start3A_19[%mul3A_15, %dma_start3A_20] : memref<10112x128xf32, #tpu.memory_space<hbm>> -> memref<632x128xf32, #tpu.memory_space<hbm>>
      %dma_start3A_22 = arith.constant 0 : i32
      %dma_start3A_23 = tpu.memref_slice %arg10[%mul3A_13, %dma_start3A_22] : memref<10112x128xf32, #tpu.memory_space<vmem_shared>> -> memref<632x128xf32, #tpu.memory_space<vmem_shared>>
      tpu.enqueue_dma source(%dma_start3A_23 : memref<632x128xf32, #tpu.memory_space<vmem_shared>>) target(%dma_start3A_21 : memref<632x128xf32, #tpu.memory_space<hbm>>) target_semaphore(%run_scoped3A : memref<!tpu.dma_semaphore, #tpu.memory_space<semaphore_mem>>)
      %dma_wait3A = arith.constant 0 : i32
      %dma_wait3A_24 = arith.constant 0 : i32
      %dma_wait3A_25 = tpu.memref_slice %arg6[%arg0, %dma_wait3A, %dma_wait3A_24] : memref<2x10112x128xf32, #tpu.memory_space<hbm>> -> memref<1x10112x128xf32, #tpu.memory_space<hbm>>
      %dma_wait3A_26 = tpu.memref_squeeze %dma_wait3A_25 : memref<1x10112x128xf32, #tpu.memory_space<hbm>> -> memref<10112x128xf32, #tpu.memory_space<hbm>>
      %dma_wait3A_27 = arith.constant 0 : i32
      %dma_wait3A_28 = tpu.memref_slice %dma_wait3A_26[%mul3A_15, %dma_wait3A_27] : memref<10112x128xf32, #tpu.memory_space<hbm>> -> memref<632x128xf32, #tpu.memory_space<hbm>>
      %dma_wait3A_29 = arith.constant 0 : i32
      %dma_wait3A_30 = tpu.memref_slice %arg10[%mul3A_13, %dma_wait3A_29] : memref<10112x128xf32, #tpu.memory_space<vmem_shared>> -> memref<632x128xf32, #tpu.memory_space<vmem_shared>>
      tpu.wait_dma2 semaphore(%run_scoped3A : memref<!tpu.dma_semaphore, #tpu.memory_space<semaphore_mem>>) src(%dma_wait3A_30 : memref<632x128xf32, #tpu.memory_space<vmem_shared>>) dst(%dma_wait3A_28 : memref<632x128xf32, #tpu.memory_space<hbm>>)
      tpu.yield
    }) : () -> ()
    %barrier3A_16 = arith.constant 0 : index
    tpu.barrier barrier_id(%barrier3A_16)
    return
  }
}

#map = affine_map<(d0, d1) -> (0, 0)>
#map1 = affine_map<(d0, d1) -> (0, 0, 0)>
module attributes {stable_mosaic.version = 14 : i64} {
  func.func @_scat_body(%arg0: i32, %arg1: i32, %arg2: memref<10112x128xf32, #tpu.memory_space<hbm>>, %arg3: memref<10112x128xf32, #tpu.memory_space<hbm>>, %arg4: memref<32x79x128xi32, #tpu.memory_space<hbm>>, %arg5: memref<32x79x128xi32, #tpu.memory_space<hbm>>, %arg6: memref<2x10112x128xf32, #tpu.memory_space<hbm>>, %arg7: memref<79x128xi32, #tpu.memory_space<vmem>>, %arg8: memref<79x128xi32, #tpu.memory_space<vmem>>, %arg9: memref<128x128xf32, #tpu.memory_space<vmem>>, %arg10: memref<10112x128xf32, #tpu.memory_space<vmem_shared>>, %arg11: memref<!tpu.dma_semaphore, #tpu.memory_space<semaphore_mem>>) attributes {dimension_semantics = [#tpu.dimension_semantics<core_parallel>, #tpu.dimension_semantics<subcore_parallel>], iteration_bounds = array<i64: 2, 16>, scalar_prefetch = 0 : i64, scratch_operands = 5 : i64, tpu.core_type = #tpu.core_type<sc_vector_subcore>, window_params = [{transform_indices = #map}, {transform_indices = #map}, {transform_indices = #map1}, {transform_indices = #map1}, {transform_indices = #map1}]} {
    %mul3A = arith.constant 16 : i32
    %mul3A_0 = arith.muli %arg0, %mul3A : i32
    %add3A = arith.addi %mul3A_0, %arg1 : i32
    "tpu.region"() ({
      %run_scoped3A = tpu.sem_alloc : memref<!tpu.dma_semaphore, #tpu.memory_space<semaphore_mem>>
      %dma_start3A = arith.constant 0 : i32
      %dma_start3A_17 = arith.constant 0 : i32
      %dma_start3A_18 = tpu.memref_slice %arg4[%add3A, %dma_start3A, %dma_start3A_17] : memref<32x79x128xi32, #tpu.memory_space<hbm>> -> memref<1x79x128xi32, #tpu.memory_space<hbm>>
      %dma_start3A_19 = tpu.memref_squeeze %dma_start3A_18 : memref<1x79x128xi32, #tpu.memory_space<hbm>> -> memref<79x128xi32, #tpu.memory_space<hbm>>
      %dma_start3A_20 = arith.constant 0 : i32
      %dma_start3A_21 = arith.constant 0 : i32
      %dma_start3A_22 = tpu.memref_slice %arg4[%add3A, %dma_start3A_20, %dma_start3A_21] : memref<32x79x128xi32, #tpu.memory_space<hbm>> -> memref<1x79x128xi32, #tpu.memory_space<hbm>>
      %dma_start3A_23 = tpu.memref_squeeze %dma_start3A_22 : memref<1x79x128xi32, #tpu.memory_space<hbm>> -> memref<79x128xi32, #tpu.memory_space<hbm>>
      tpu.enqueue_dma source(%dma_start3A_23 : memref<79x128xi32, #tpu.memory_space<hbm>>) target(%arg7 : memref<79x128xi32, #tpu.memory_space<vmem>>) target_semaphore(%run_scoped3A : memref<!tpu.dma_semaphore, #tpu.memory_space<semaphore_mem>>)
      %dma_wait3A = arith.constant 0 : i32
      %dma_wait3A_24 = arith.constant 0 : i32
      %dma_wait3A_25 = tpu.memref_slice %arg4[%add3A, %dma_wait3A, %dma_wait3A_24] : memref<32x79x128xi32, #tpu.memory_space<hbm>> -> memref<1x79x128xi32, #tpu.memory_space<hbm>>
      %dma_wait3A_26 = tpu.memref_squeeze %dma_wait3A_25 : memref<1x79x128xi32, #tpu.memory_space<hbm>> -> memref<79x128xi32, #tpu.memory_space<hbm>>
      %dma_wait3A_27 = arith.constant 0 : i32
      %dma_wait3A_28 = arith.constant 0 : i32
      %dma_wait3A_29 = tpu.memref_slice %arg4[%add3A, %dma_wait3A_27, %dma_wait3A_28] : memref<32x79x128xi32, #tpu.memory_space<hbm>> -> memref<1x79x128xi32, #tpu.memory_space<hbm>>
      %dma_wait3A_30 = tpu.memref_squeeze %dma_wait3A_29 : memref<1x79x128xi32, #tpu.memory_space<hbm>> -> memref<79x128xi32, #tpu.memory_space<hbm>>
      tpu.wait_dma2 semaphore(%run_scoped3A : memref<!tpu.dma_semaphore, #tpu.memory_space<semaphore_mem>>) src(%dma_wait3A_30 : memref<79x128xi32, #tpu.memory_space<hbm>>) dst(%arg7 : memref<79x128xi32, #tpu.memory_space<vmem>>)
      tpu.yield
    }) : () -> ()
    "tpu.region"() ({
      %run_scoped3A = tpu.sem_alloc : memref<!tpu.dma_semaphore, #tpu.memory_space<semaphore_mem>>
      %dma_start3A = arith.constant 0 : i32
      %dma_start3A_17 = arith.constant 0 : i32
      %dma_start3A_18 = tpu.memref_slice %arg5[%add3A, %dma_start3A, %dma_start3A_17] : memref<32x79x128xi32, #tpu.memory_space<hbm>> -> memref<1x79x128xi32, #tpu.memory_space<hbm>>
      %dma_start3A_19 = tpu.memref_squeeze %dma_start3A_18 : memref<1x79x128xi32, #tpu.memory_space<hbm>> -> memref<79x128xi32, #tpu.memory_space<hbm>>
      %dma_start3A_20 = arith.constant 0 : i32
      %dma_start3A_21 = arith.constant 0 : i32
      %dma_start3A_22 = tpu.memref_slice %arg5[%add3A, %dma_start3A_20, %dma_start3A_21] : memref<32x79x128xi32, #tpu.memory_space<hbm>> -> memref<1x79x128xi32, #tpu.memory_space<hbm>>
      %dma_start3A_23 = tpu.memref_squeeze %dma_start3A_22 : memref<1x79x128xi32, #tpu.memory_space<hbm>> -> memref<79x128xi32, #tpu.memory_space<hbm>>
      tpu.enqueue_dma source(%dma_start3A_23 : memref<79x128xi32, #tpu.memory_space<hbm>>) target(%arg8 : memref<79x128xi32, #tpu.memory_space<vmem>>) target_semaphore(%run_scoped3A : memref<!tpu.dma_semaphore, #tpu.memory_space<semaphore_mem>>)
      %dma_wait3A = arith.constant 0 : i32
      %dma_wait3A_24 = arith.constant 0 : i32
      %dma_wait3A_25 = tpu.memref_slice %arg5[%add3A, %dma_wait3A, %dma_wait3A_24] : memref<32x79x128xi32, #tpu.memory_space<hbm>> -> memref<1x79x128xi32, #tpu.memory_space<hbm>>
      %dma_wait3A_26 = tpu.memref_squeeze %dma_wait3A_25 : memref<1x79x128xi32, #tpu.memory_space<hbm>> -> memref<79x128xi32, #tpu.memory_space<hbm>>
      %dma_wait3A_27 = arith.constant 0 : i32
      %dma_wait3A_28 = arith.constant 0 : i32
      %dma_wait3A_29 = tpu.memref_slice %arg5[%add3A, %dma_wait3A_27, %dma_wait3A_28] : memref<32x79x128xi32, #tpu.memory_space<hbm>> -> memref<1x79x128xi32, #tpu.memory_space<hbm>>
      %dma_wait3A_30 = tpu.memref_squeeze %dma_wait3A_29 : memref<1x79x128xi32, #tpu.memory_space<hbm>> -> memref<79x128xi32, #tpu.memory_space<hbm>>
      tpu.wait_dma2 semaphore(%run_scoped3A : memref<!tpu.dma_semaphore, #tpu.memory_space<semaphore_mem>>) src(%dma_wait3A_30 : memref<79x128xi32, #tpu.memory_space<hbm>>) dst(%arg8 : memref<79x128xi32, #tpu.memory_space<vmem>>)
      tpu.yield
    }) : () -> ()
    %mul3A_1 = arith.constant 632 : i32
    %mul3A_2 = arith.muli %arg1, %mul3A_1 : i32
    %mul3A_3 = arith.constant 632 : i32
    %mul3A_4 = arith.muli %arg1, %mul3A_3 : i32
    "tpu.region"() ({
      %run_scoped3A = tpu.sem_alloc : memref<!tpu.dma_semaphore, #tpu.memory_space<semaphore_mem>>
      %dma_start3A = arith.constant 0 : i32
      %dma_start3A_17 = tpu.memref_slice %arg10[%mul3A_4, %dma_start3A] : memref<10112x128xf32, #tpu.memory_space<vmem_shared>> -> memref<632x128xf32, #tpu.memory_space<vmem_shared>>
      %dma_start3A_18 = arith.constant 0 : i32
      %dma_start3A_19 = tpu.memref_slice %arg3[%mul3A_2, %dma_start3A_18] : memref<10112x128xf32, #tpu.memory_space<hbm>> -> memref<632x128xf32, #tpu.memory_space<hbm>>
      tpu.enqueue_dma source(%dma_start3A_19 : memref<632x128xf32, #tpu.memory_space<hbm>>) target(%dma_start3A_17 : memref<632x128xf32, #tpu.memory_space<vmem_shared>>) target_semaphore(%run_scoped3A : memref<!tpu.dma_semaphore, #tpu.memory_space<semaphore_mem>>)
      %dma_wait3A = arith.constant 0 : i32
      %dma_wait3A_20 = tpu.memref_slice %arg10[%mul3A_4, %dma_wait3A] : memref<10112x128xf32, #tpu.memory_space<vmem_shared>> -> memref<632x128xf32, #tpu.memory_space<vmem_shared>>
      %dma_wait3A_21 = arith.constant 0 : i32
      %dma_wait3A_22 = tpu.memref_slice %arg3[%mul3A_2, %dma_wait3A_21] : memref<10112x128xf32, #tpu.memory_space<hbm>> -> memref<632x128xf32, #tpu.memory_space<hbm>>
      tpu.wait_dma2 semaphore(%run_scoped3A : memref<!tpu.dma_semaphore, #tpu.memory_space<semaphore_mem>>) src(%dma_wait3A_22 : memref<632x128xf32, #tpu.memory_space<hbm>>) dst(%dma_wait3A_20 : memref<632x128xf32, #tpu.memory_space<vmem_shared>>)
      tpu.yield
    }) : () -> ()
    %barrier3A = arith.constant 0 : index
    tpu.barrier barrier_id(%barrier3A)
    %scan3A = arith.constant 0 : i32
    %scan3A_5 = arith.constant 0 : i32
    %scan3A_6 = arith.constant 79 : i32
    %scan3A_7 = arith.addi %scan3A_5, %scan3A_6 : i32
    %scan3A_8 = arith.constant 1 : i32
    %scan3A_9 = scf.for %scan3A_17 = %scan3A_5 to %scan3A_7 step %scan3A_8 iter_args(%scan3A_18 = %scan3A) -> (i32)  : i32 {
      %dma_start3A = arith.constant 0 : i32
      %dma_start3A_19 = tpu.memref_slice %arg7[%scan3A_17, %dma_start3A] : memref<79x128xi32, #tpu.memory_space<vmem>> -> memref<1x128xi32, #tpu.memory_space<vmem>>
      %dma_start3A_20 = tpu.memref_squeeze %dma_start3A_19 : memref<1x128xi32, #tpu.memory_space<vmem>> -> memref<128xi32, #tpu.memory_space<vmem>>
      %dma_start3A_21 = arith.constant 0 : i32
      %dma_start3A_22 = arith.constant 0 : i32
      %dma_start3A_23 = tpu.memref_slice %arg2[%dma_start3A_21, %dma_start3A_22] : memref<10112x128xf32, #tpu.memory_space<hbm>> -> memref<10112x128xf32, #tpu.memory_space<hbm>>
      tpu.enqueue_indirect_dma source(%dma_start3A_23 : memref<10112x128xf32, #tpu.memory_space<hbm>>) target(%arg9 : memref<128x128xf32, #tpu.memory_space<vmem>>) offsets(%dma_start3A_20 : memref<128xi32, #tpu.memory_space<vmem>>) semaphore(%arg11 : memref<!tpu.dma_semaphore, #tpu.memory_space<semaphore_mem>>)
      %dma_wait3A = arith.constant 0 : i32
      %dma_wait3A_24 = tpu.memref_slice %arg7[%scan3A_17, %dma_wait3A] : memref<79x128xi32, #tpu.memory_space<vmem>> -> memref<1x128xi32, #tpu.memory_space<vmem>>
      %dma_wait3A_25 = tpu.memref_squeeze %dma_wait3A_24 : memref<1x128xi32, #tpu.memory_space<vmem>> -> memref<128xi32, #tpu.memory_space<vmem>>
      %dma_wait3A_26 = arith.constant 0 : i32
      %dma_wait3A_27 = arith.constant 0 : i32
      %dma_wait3A_28 = tpu.memref_slice %arg2[%dma_wait3A_26, %dma_wait3A_27] : memref<10112x128xf32, #tpu.memory_space<hbm>> -> memref<10112x128xf32, #tpu.memory_space<hbm>>
      tpu.wait_indirect_dma semaphore(%arg11 : memref<!tpu.dma_semaphore, #tpu.memory_space<semaphore_mem>>) src(%dma_wait3A_28 : memref<10112x128xf32, #tpu.memory_space<hbm>>) dst(%arg9 : memref<128x128xf32, #tpu.memory_space<vmem>>)
      "tpu.region"() ({
        %run_scoped3A = tpu.sem_alloc : memref<!tpu.dma_semaphore, #tpu.memory_space<semaphore_mem>>
        %dma_start3A_30 = arith.constant 0 : i32
        %dma_start3A_31 = tpu.memref_slice %arg8[%scan3A_17, %dma_start3A_30] : memref<79x128xi32, #tpu.memory_space<vmem>> -> memref<1x128xi32, #tpu.memory_space<vmem>>
        %dma_start3A_32 = tpu.memref_squeeze %dma_start3A_31 : memref<1x128xi32, #tpu.memory_space<vmem>> -> memref<128xi32, #tpu.memory_space<vmem>>
        %dma_start3A_33 = arith.constant 0 : i32
        %dma_start3A_34 = arith.constant 0 : i32
        %dma_start3A_35 = tpu.memref_slice %arg10[%dma_start3A_33, %dma_start3A_34] : memref<10112x128xf32, #tpu.memory_space<vmem_shared>> -> memref<10112x128xf32, #tpu.memory_space<vmem_shared>>
        tpu.enqueue_indirect_dma source(%arg9 : memref<128x128xf32, #tpu.memory_space<vmem>>) target(%dma_start3A_35 : memref<10112x128xf32, #tpu.memory_space<vmem_shared>>) offsets(%dma_start3A_32 : memref<128xi32, #tpu.memory_space<vmem>>) semaphore(%run_scoped3A : memref<!tpu.dma_semaphore, #tpu.memory_space<semaphore_mem>>) {add = true}
        %dma_wait3A_36 = arith.constant 0 : i32
        %dma_wait3A_37 = tpu.memref_slice %arg8[%scan3A_17, %dma_wait3A_36] : memref<79x128xi32, #tpu.memory_space<vmem>> -> memref<1x128xi32, #tpu.memory_space<vmem>>
        %dma_wait3A_38 = tpu.memref_squeeze %dma_wait3A_37 : memref<1x128xi32, #tpu.memory_space<vmem>> -> memref<128xi32, #tpu.memory_space<vmem>>
        %dma_wait3A_39 = arith.constant 0 : i32
        %dma_wait3A_40 = arith.constant 0 : i32
        %dma_wait3A_41 = tpu.memref_slice %arg10[%dma_wait3A_39, %dma_wait3A_40] : memref<10112x128xf32, #tpu.memory_space<vmem_shared>> -> memref<10112x128xf32, #tpu.memory_space<vmem_shared>>
        tpu.wait_indirect_dma semaphore(%run_scoped3A : memref<!tpu.dma_semaphore, #tpu.memory_space<semaphore_mem>>) src(%arg9 : memref<128x128xf32, #tpu.memory_space<vmem>>) dst(%dma_wait3A_41 : memref<10112x128xf32, #tpu.memory_space<vmem_shared>>)
        tpu.yield
      }) : () -> ()
      %scan3A_29 = arith.constant 0 : i32
      scf.yield %scan3A_29 : i32
    }
    %scan3A_10 = arith.constant 79 : i32
    %barrier3A_11 = arith.constant 0 : index
    tpu.barrier barrier_id(%barrier3A_11)
    %mul3A_12 = arith.constant 632 : i32
    %mul3A_13 = arith.muli %arg1, %mul3A_12 : i32
    %mul3A_14 = arith.constant 632 : i32
    %mul3A_15 = arith.muli %arg1, %mul3A_14 : i32
    "tpu.region"() ({
      %run_scoped3A = tpu.sem_alloc : memref<!tpu.dma_semaphore, #tpu.memory_space<semaphore_mem>>
      %dma_start3A = arith.constant 0 : i32
      %dma_start3A_17 = arith.constant 0 : i32
      %dma_start3A_18 = tpu.memref_slice %arg6[%arg0, %dma_start3A, %dma_start3A_17] : memref<2x10112x128xf32, #tpu.memory_space<hbm>> -> memref<1x10112x128xf32, #tpu.memory_space<hbm>>
      %dma_start3A_19 = tpu.memref_squeeze %dma_start3A_18 : memref<1x10112x128xf32, #tpu.memory_space<hbm>> -> memref<10112x128xf32, #tpu.memory_space<hbm>>
      %dma_start3A_20 = arith.constant 0 : i32
      %dma_start3A_21 = tpu.memref_slice %dma_start3A_19[%mul3A_15, %dma_start3A_20] : memref<10112x128xf32, #tpu.memory_space<hbm>> -> memref<632x128xf32, #tpu.memory_space<hbm>>
      %dma_start3A_22 = arith.constant 0 : i32
      %dma_start3A_23 = tpu.memref_slice %arg10[%mul3A_13, %dma_start3A_22] : memref<10112x128xf32, #tpu.memory_space<vmem_shared>> -> memref<632x128xf32, #tpu.memory_space<vmem_shared>>
      tpu.enqueue_dma source(%dma_start3A_23 : memref<632x128xf32, #tpu.memory_space<vmem_shared>>) target(%dma_start3A_21 : memref<632x128xf32, #tpu.memory_space<hbm>>) target_semaphore(%run_scoped3A : memref<!tpu.dma_semaphore, #tpu.memory_space<semaphore_mem>>)
      %dma_wait3A = arith.constant 0 : i32
      %dma_wait3A_24 = arith.constant 0 : i32
      %dma_wait3A_25 = tpu.memref_slice %arg6[%arg0, %dma_wait3A, %dma_wait3A_24] : memref<2x10112x128xf32, #tpu.memory_space<hbm>> -> memref<1x10112x128xf32, #tpu.memory_space<hbm>>
      %dma_wait3A_26 = tpu.memref_squeeze %dma_wait3A_25 : memref<1x10112x128xf32, #tpu.memory_space<hbm>> -> memref<10112x128xf32, #tpu.memory_space<hbm>>
      %dma_wait3A_27 = arith.constant 0 : i32
      %dma_wait3A_28 = tpu.memref_slice %dma_wait3A_26[%mul3A_15, %dma_wait3A_27] : memref<10112x128xf32, #tpu.memory_space<hbm>> -> memref<632x128xf32, #tpu.memory_space<hbm>>
      %dma_wait3A_29 = arith.constant 0 : i32
      %dma_wait3A_30 = tpu.memref_slice %arg10[%mul3A_13, %dma_wait3A_29] : memref<10112x128xf32, #tpu.memory_space<vmem_shared>> -> memref<632x128xf32, #tpu.memory_space<vmem_shared>>
      tpu.wait_dma2 semaphore(%run_scoped3A : memref<!tpu.dma_semaphore, #tpu.memory_space<semaphore_mem>>) src(%dma_wait3A_30 : memref<632x128xf32, #tpu.memory_space<vmem_shared>>) dst(%dma_wait3A_28 : memref<632x128xf32, #tpu.memory_space<hbm>>)
      tpu.yield
    }) : () -> ()
    %barrier3A_16 = arith.constant 0 : index
    tpu.barrier barrier_id(%barrier3A_16)
    return
  }
}

#map = affine_map<(d0, d1) -> (0, 0)>
#map1 = affine_map<(d0, d1) -> (0, 0, 0)>
module attributes {stable_mosaic.version = 14 : i64} {
  func.func @_scat_body(%arg0: i32, %arg1: i32, %arg2: memref<10112x128xf32, #tpu.memory_space<hbm>>, %arg3: memref<10112x128xf32, #tpu.memory_space<hbm>>, %arg4: memref<32x79x128xi32, #tpu.memory_space<hbm>>, %arg5: memref<32x79x128xi32, #tpu.memory_space<hbm>>, %arg6: memref<2x10112x128xf32, #tpu.memory_space<hbm>>, %arg7: memref<79x128xi32, #tpu.memory_space<vmem>>, %arg8: memref<79x128xi32, #tpu.memory_space<vmem>>, %arg9: memref<128x128xf32, #tpu.memory_space<vmem>>, %arg10: memref<10112x128xf32, #tpu.memory_space<vmem_shared>>, %arg11: memref<!tpu.dma_semaphore, #tpu.memory_space<semaphore_mem>>) attributes {dimension_semantics = [#tpu.dimension_semantics<core_parallel>, #tpu.dimension_semantics<subcore_parallel>], iteration_bounds = array<i64: 2, 16>, scalar_prefetch = 0 : i64, scratch_operands = 5 : i64, tpu.core_type = #tpu.core_type<sc_vector_subcore>, window_params = [{transform_indices = #map}, {transform_indices = #map}, {transform_indices = #map1}, {transform_indices = #map1}, {transform_indices = #map1}]} {
    %mul3A = arith.constant 16 : i32
    %mul3A_0 = arith.muli %arg0, %mul3A : i32
    %add3A = arith.addi %mul3A_0, %arg1 : i32
    "tpu.region"() ({
      %run_scoped3A = tpu.sem_alloc : memref<!tpu.dma_semaphore, #tpu.memory_space<semaphore_mem>>
      %dma_start3A = arith.constant 0 : i32
      %dma_start3A_17 = arith.constant 0 : i32
      %dma_start3A_18 = tpu.memref_slice %arg4[%add3A, %dma_start3A, %dma_start3A_17] : memref<32x79x128xi32, #tpu.memory_space<hbm>> -> memref<1x79x128xi32, #tpu.memory_space<hbm>>
      %dma_start3A_19 = tpu.memref_squeeze %dma_start3A_18 : memref<1x79x128xi32, #tpu.memory_space<hbm>> -> memref<79x128xi32, #tpu.memory_space<hbm>>
      %dma_start3A_20 = arith.constant 0 : i32
      %dma_start3A_21 = arith.constant 0 : i32
      %dma_start3A_22 = tpu.memref_slice %arg4[%add3A, %dma_start3A_20, %dma_start3A_21] : memref<32x79x128xi32, #tpu.memory_space<hbm>> -> memref<1x79x128xi32, #tpu.memory_space<hbm>>
      %dma_start3A_23 = tpu.memref_squeeze %dma_start3A_22 : memref<1x79x128xi32, #tpu.memory_space<hbm>> -> memref<79x128xi32, #tpu.memory_space<hbm>>
      tpu.enqueue_dma source(%dma_start3A_23 : memref<79x128xi32, #tpu.memory_space<hbm>>) target(%arg7 : memref<79x128xi32, #tpu.memory_space<vmem>>) target_semaphore(%run_scoped3A : memref<!tpu.dma_semaphore, #tpu.memory_space<semaphore_mem>>)
      %dma_wait3A = arith.constant 0 : i32
      %dma_wait3A_24 = arith.constant 0 : i32
      %dma_wait3A_25 = tpu.memref_slice %arg4[%add3A, %dma_wait3A, %dma_wait3A_24] : memref<32x79x128xi32, #tpu.memory_space<hbm>> -> memref<1x79x128xi32, #tpu.memory_space<hbm>>
      %dma_wait3A_26 = tpu.memref_squeeze %dma_wait3A_25 : memref<1x79x128xi32, #tpu.memory_space<hbm>> -> memref<79x128xi32, #tpu.memory_space<hbm>>
      %dma_wait3A_27 = arith.constant 0 : i32
      %dma_wait3A_28 = arith.constant 0 : i32
      %dma_wait3A_29 = tpu.memref_slice %arg4[%add3A, %dma_wait3A_27, %dma_wait3A_28] : memref<32x79x128xi32, #tpu.memory_space<hbm>> -> memref<1x79x128xi32, #tpu.memory_space<hbm>>
      %dma_wait3A_30 = tpu.memref_squeeze %dma_wait3A_29 : memref<1x79x128xi32, #tpu.memory_space<hbm>> -> memref<79x128xi32, #tpu.memory_space<hbm>>
      tpu.wait_dma2 semaphore(%run_scoped3A : memref<!tpu.dma_semaphore, #tpu.memory_space<semaphore_mem>>) src(%dma_wait3A_30 : memref<79x128xi32, #tpu.memory_space<hbm>>) dst(%arg7 : memref<79x128xi32, #tpu.memory_space<vmem>>)
      tpu.yield
    }) : () -> ()
    "tpu.region"() ({
      %run_scoped3A = tpu.sem_alloc : memref<!tpu.dma_semaphore, #tpu.memory_space<semaphore_mem>>
      %dma_start3A = arith.constant 0 : i32
      %dma_start3A_17 = arith.constant 0 : i32
      %dma_start3A_18 = tpu.memref_slice %arg5[%add3A, %dma_start3A, %dma_start3A_17] : memref<32x79x128xi32, #tpu.memory_space<hbm>> -> memref<1x79x128xi32, #tpu.memory_space<hbm>>
      %dma_start3A_19 = tpu.memref_squeeze %dma_start3A_18 : memref<1x79x128xi32, #tpu.memory_space<hbm>> -> memref<79x128xi32, #tpu.memory_space<hbm>>
      %dma_start3A_20 = arith.constant 0 : i32
      %dma_start3A_21 = arith.constant 0 : i32
      %dma_start3A_22 = tpu.memref_slice %arg5[%add3A, %dma_start3A_20, %dma_start3A_21] : memref<32x79x128xi32, #tpu.memory_space<hbm>> -> memref<1x79x128xi32, #tpu.memory_space<hbm>>
      %dma_start3A_23 = tpu.memref_squeeze %dma_start3A_22 : memref<1x79x128xi32, #tpu.memory_space<hbm>> -> memref<79x128xi32, #tpu.memory_space<hbm>>
      tpu.enqueue_dma source(%dma_start3A_23 : memref<79x128xi32, #tpu.memory_space<hbm>>) target(%arg8 : memref<79x128xi32, #tpu.memory_space<vmem>>) target_semaphore(%run_scoped3A : memref<!tpu.dma_semaphore, #tpu.memory_space<semaphore_mem>>)
      %dma_wait3A = arith.constant 0 : i32
      %dma_wait3A_24 = arith.constant 0 : i32
      %dma_wait3A_25 = tpu.memref_slice %arg5[%add3A, %dma_wait3A, %dma_wait3A_24] : memref<32x79x128xi32, #tpu.memory_space<hbm>> -> memref<1x79x128xi32, #tpu.memory_space<hbm>>
      %dma_wait3A_26 = tpu.memref_squeeze %dma_wait3A_25 : memref<1x79x128xi32, #tpu.memory_space<hbm>> -> memref<79x128xi32, #tpu.memory_space<hbm>>
      %dma_wait3A_27 = arith.constant 0 : i32
      %dma_wait3A_28 = arith.constant 0 : i32
      %dma_wait3A_29 = tpu.memref_slice %arg5[%add3A, %dma_wait3A_27, %dma_wait3A_28] : memref<32x79x128xi32, #tpu.memory_space<hbm>> -> memref<1x79x128xi32, #tpu.memory_space<hbm>>
      %dma_wait3A_30 = tpu.memref_squeeze %dma_wait3A_29 : memref<1x79x128xi32, #tpu.memory_space<hbm>> -> memref<79x128xi32, #tpu.memory_space<hbm>>
      tpu.wait_dma2 semaphore(%run_scoped3A : memref<!tpu.dma_semaphore, #tpu.memory_space<semaphore_mem>>) src(%dma_wait3A_30 : memref<79x128xi32, #tpu.memory_space<hbm>>) dst(%arg8 : memref<79x128xi32, #tpu.memory_space<vmem>>)
      tpu.yield
    }) : () -> ()
    %mul3A_1 = arith.constant 632 : i32
    %mul3A_2 = arith.muli %arg1, %mul3A_1 : i32
    %mul3A_3 = arith.constant 632 : i32
    %mul3A_4 = arith.muli %arg1, %mul3A_3 : i32
    "tpu.region"() ({
      %run_scoped3A = tpu.sem_alloc : memref<!tpu.dma_semaphore, #tpu.memory_space<semaphore_mem>>
      %dma_start3A = arith.constant 0 : i32
      %dma_start3A_17 = tpu.memref_slice %arg10[%mul3A_4, %dma_start3A] : memref<10112x128xf32, #tpu.memory_space<vmem_shared>> -> memref<632x128xf32, #tpu.memory_space<vmem_shared>>
      %dma_start3A_18 = arith.constant 0 : i32
      %dma_start3A_19 = tpu.memref_slice %arg3[%mul3A_2, %dma_start3A_18] : memref<10112x128xf32, #tpu.memory_space<hbm>> -> memref<632x128xf32, #tpu.memory_space<hbm>>
      tpu.enqueue_dma source(%dma_start3A_19 : memref<632x128xf32, #tpu.memory_space<hbm>>) target(%dma_start3A_17 : memref<632x128xf32, #tpu.memory_space<vmem_shared>>) target_semaphore(%run_scoped3A : memref<!tpu.dma_semaphore, #tpu.memory_space<semaphore_mem>>)
      %dma_wait3A = arith.constant 0 : i32
      %dma_wait3A_20 = tpu.memref_slice %arg10[%mul3A_4, %dma_wait3A] : memref<10112x128xf32, #tpu.memory_space<vmem_shared>> -> memref<632x128xf32, #tpu.memory_space<vmem_shared>>
      %dma_wait3A_21 = arith.constant 0 : i32
      %dma_wait3A_22 = tpu.memref_slice %arg3[%mul3A_2, %dma_wait3A_21] : memref<10112x128xf32, #tpu.memory_space<hbm>> -> memref<632x128xf32, #tpu.memory_space<hbm>>
      tpu.wait_dma2 semaphore(%run_scoped3A : memref<!tpu.dma_semaphore, #tpu.memory_space<semaphore_mem>>) src(%dma_wait3A_22 : memref<632x128xf32, #tpu.memory_space<hbm>>) dst(%dma_wait3A_20 : memref<632x128xf32, #tpu.memory_space<vmem_shared>>)
      tpu.yield
    }) : () -> ()
    %barrier3A = arith.constant 0 : index
    tpu.barrier barrier_id(%barrier3A)
    %scan3A = arith.constant 0 : i32
    %scan3A_5 = arith.constant 0 : i32
    %scan3A_6 = arith.constant 79 : i32
    %scan3A_7 = arith.addi %scan3A_5, %scan3A_6 : i32
    %scan3A_8 = arith.constant 1 : i32
    %scan3A_9 = scf.for %scan3A_17 = %scan3A_5 to %scan3A_7 step %scan3A_8 iter_args(%scan3A_18 = %scan3A) -> (i32)  : i32 {
      %dma_start3A = arith.constant 0 : i32
      %dma_start3A_19 = tpu.memref_slice %arg7[%scan3A_17, %dma_start3A] : memref<79x128xi32, #tpu.memory_space<vmem>> -> memref<1x128xi32, #tpu.memory_space<vmem>>
      %dma_start3A_20 = tpu.memref_squeeze %dma_start3A_19 : memref<1x128xi32, #tpu.memory_space<vmem>> -> memref<128xi32, #tpu.memory_space<vmem>>
      %dma_start3A_21 = arith.constant 0 : i32
      %dma_start3A_22 = arith.constant 0 : i32
      %dma_start3A_23 = tpu.memref_slice %arg2[%dma_start3A_21, %dma_start3A_22] : memref<10112x128xf32, #tpu.memory_space<hbm>> -> memref<10112x128xf32, #tpu.memory_space<hbm>>
      tpu.enqueue_indirect_dma source(%dma_start3A_23 : memref<10112x128xf32, #tpu.memory_space<hbm>>) target(%arg9 : memref<128x128xf32, #tpu.memory_space<vmem>>) offsets(%dma_start3A_20 : memref<128xi32, #tpu.memory_space<vmem>>) semaphore(%arg11 : memref<!tpu.dma_semaphore, #tpu.memory_space<semaphore_mem>>)
      %dma_wait3A = arith.constant 0 : i32
      %dma_wait3A_24 = tpu.memref_slice %arg7[%scan3A_17, %dma_wait3A] : memref<79x128xi32, #tpu.memory_space<vmem>> -> memref<1x128xi32, #tpu.memory_space<vmem>>
      %dma_wait3A_25 = tpu.memref_squeeze %dma_wait3A_24 : memref<1x128xi32, #tpu.memory_space<vmem>> -> memref<128xi32, #tpu.memory_space<vmem>>
      %dma_wait3A_26 = arith.constant 0 : i32
      %dma_wait3A_27 = arith.constant 0 : i32
      %dma_wait3A_28 = tpu.memref_slice %arg2[%dma_wait3A_26, %dma_wait3A_27] : memref<10112x128xf32, #tpu.memory_space<hbm>> -> memref<10112x128xf32, #tpu.memory_space<hbm>>
      tpu.wait_indirect_dma semaphore(%arg11 : memref<!tpu.dma_semaphore, #tpu.memory_space<semaphore_mem>>) src(%dma_wait3A_28 : memref<10112x128xf32, #tpu.memory_space<hbm>>) dst(%arg9 : memref<128x128xf32, #tpu.memory_space<vmem>>)
      "tpu.region"() ({
        %run_scoped3A = tpu.sem_alloc : memref<!tpu.dma_semaphore, #tpu.memory_space<semaphore_mem>>
        %dma_start3A_30 = arith.constant 0 : i32
        %dma_start3A_31 = tpu.memref_slice %arg8[%scan3A_17, %dma_start3A_30] : memref<79x128xi32, #tpu.memory_space<vmem>> -> memref<1x128xi32, #tpu.memory_space<vmem>>
        %dma_start3A_32 = tpu.memref_squeeze %dma_start3A_31 : memref<1x128xi32, #tpu.memory_space<vmem>> -> memref<128xi32, #tpu.memory_space<vmem>>
        %dma_start3A_33 = arith.constant 0 : i32
        %dma_start3A_34 = arith.constant 0 : i32
        %dma_start3A_35 = tpu.memref_slice %arg10[%dma_start3A_33, %dma_start3A_34] : memref<10112x128xf32, #tpu.memory_space<vmem_shared>> -> memref<10112x128xf32, #tpu.memory_space<vmem_shared>>
        tpu.enqueue_indirect_dma source(%arg9 : memref<128x128xf32, #tpu.memory_space<vmem>>) target(%dma_start3A_35 : memref<10112x128xf32, #tpu.memory_space<vmem_shared>>) offsets(%dma_start3A_32 : memref<128xi32, #tpu.memory_space<vmem>>) semaphore(%run_scoped3A : memref<!tpu.dma_semaphore, #tpu.memory_space<semaphore_mem>>) {add = true}
        %dma_wait3A_36 = arith.constant 0 : i32
        %dma_wait3A_37 = tpu.memref_slice %arg8[%scan3A_17, %dma_wait3A_36] : memref<79x128xi32, #tpu.memory_space<vmem>> -> memref<1x128xi32, #tpu.memory_space<vmem>>
        %dma_wait3A_38 = tpu.memref_squeeze %dma_wait3A_37 : memref<1x128xi32, #tpu.memory_space<vmem>> -> memref<128xi32, #tpu.memory_space<vmem>>
        %dma_wait3A_39 = arith.constant 0 : i32
        %dma_wait3A_40 = arith.constant 0 : i32
        %dma_wait3A_41 = tpu.memref_slice %arg10[%dma_wait3A_39, %dma_wait3A_40] : memref<10112x128xf32, #tpu.memory_space<vmem_shared>> -> memref<10112x128xf32, #tpu.memory_space<vmem_shared>>
        tpu.wait_indirect_dma semaphore(%run_scoped3A : memref<!tpu.dma_semaphore, #tpu.memory_space<semaphore_mem>>) src(%arg9 : memref<128x128xf32, #tpu.memory_space<vmem>>) dst(%dma_wait3A_41 : memref<10112x128xf32, #tpu.memory_space<vmem_shared>>)
        tpu.yield
      }) : () -> ()
      %scan3A_29 = arith.constant 0 : i32
      scf.yield %scan3A_29 : i32
    }
    %scan3A_10 = arith.constant 79 : i32
    %barrier3A_11 = arith.constant 0 : index
    tpu.barrier barrier_id(%barrier3A_11)
    %mul3A_12 = arith.constant 632 : i32
    %mul3A_13 = arith.muli %arg1, %mul3A_12 : i32
    %mul3A_14 = arith.constant 632 : i32
    %mul3A_15 = arith.muli %arg1, %mul3A_14 : i32
    "tpu.region"() ({
      %run_scoped3A = tpu.sem_alloc : memref<!tpu.dma_semaphore, #tpu.memory_space<semaphore_mem>>
      %dma_start3A = arith.constant 0 : i32
      %dma_start3A_17 = arith.constant 0 : i32
      %dma_start3A_18 = tpu.memref_slice %arg6[%arg0, %dma_start3A, %dma_start3A_17] : memref<2x10112x128xf32, #tpu.memory_space<hbm>> -> memref<1x10112x128xf32, #tpu.memory_space<hbm>>
      %dma_start3A_19 = tpu.memref_squeeze %dma_start3A_18 : memref<1x10112x128xf32, #tpu.memory_space<hbm>> -> memref<10112x128xf32, #tpu.memory_space<hbm>>
      %dma_start3A_20 = arith.constant 0 : i32
      %dma_start3A_21 = tpu.memref_slice %dma_start3A_19[%mul3A_15, %dma_start3A_20] : memref<10112x128xf32, #tpu.memory_space<hbm>> -> memref<632x128xf32, #tpu.memory_space<hbm>>
      %dma_start3A_22 = arith.constant 0 : i32
      %dma_start3A_23 = tpu.memref_slice %arg10[%mul3A_13, %dma_start3A_22] : memref<10112x128xf32, #tpu.memory_space<vmem_shared>> -> memref<632x128xf32, #tpu.memory_space<vmem_shared>>
      tpu.enqueue_dma source(%dma_start3A_23 : memref<632x128xf32, #tpu.memory_space<vmem_shared>>) target(%dma_start3A_21 : memref<632x128xf32, #tpu.memory_space<hbm>>) target_semaphore(%run_scoped3A : memref<!tpu.dma_semaphore, #tpu.memory_space<semaphore_mem>>)
      %dma_wait3A = arith.constant 0 : i32
      %dma_wait3A_24 = arith.constant 0 : i32
      %dma_wait3A_25 = tpu.memref_slice %arg6[%arg0, %dma_wait3A, %dma_wait3A_24] : memref<2x10112x128xf32, #tpu.memory_space<hbm>> -> memref<1x10112x128xf32, #tpu.memory_space<hbm>>
      %dma_wait3A_26 = tpu.memref_squeeze %dma_wait3A_25 : memref<1x10112x128xf32, #tpu.memory_space<hbm>> -> memref<10112x128xf32, #tpu.memory_space<hbm>>
      %dma_wait3A_27 = arith.constant 0 : i32
      %dma_wait3A_28 = tpu.memref_slice %dma_wait3A_26[%mul3A_15, %dma_wait3A_27] : memref<10112x128xf32, #tpu.memory_space<hbm>> -> memref<632x128xf32, #tpu.memory_space<hbm>>
      %dma_wait3A_29 = arith.constant 0 : i32
      %dma_wait3A_30 = tpu.memref_slice %arg10[%mul3A_13, %dma_wait3A_29] : memref<10112x128xf32, #tpu.memory_space<vmem_shared>> -> memref<632x128xf32, #tpu.memory_space<vmem_shared>>
      tpu.wait_dma2 semaphore(%run_scoped3A : memref<!tpu.dma_semaphore, #tpu.memory_space<semaphore_mem>>) src(%dma_wait3A_30 : memref<632x128xf32, #tpu.memory_space<vmem_shared>>) dst(%dma_wait3A_28 : memref<632x128xf32, #tpu.memory_space<hbm>>)
      tpu.yield
    }) : () -> ()
    %barrier3A_16 = arith.constant 0 : index
    tpu.barrier barrier_id(%barrier3A_16)
    return
  }
}

#map = affine_map<(d0, d1) -> (0, 0)>
#map1 = affine_map<(d0, d1) -> (0, 0, 0)>
module attributes {stable_mosaic.version = 14 : i64} {
  func.func @_scat_body(%arg0: i32, %arg1: i32, %arg2: memref<10112x128xf32, #tpu.memory_space<hbm>>, %arg3: memref<10112x128xf32, #tpu.memory_space<hbm>>, %arg4: memref<32x79x128xi32, #tpu.memory_space<hbm>>, %arg5: memref<32x79x128xi32, #tpu.memory_space<hbm>>, %arg6: memref<2x10112x128xf32, #tpu.memory_space<hbm>>, %arg7: memref<79x128xi32, #tpu.memory_space<vmem>>, %arg8: memref<79x128xi32, #tpu.memory_space<vmem>>, %arg9: memref<128x128xf32, #tpu.memory_space<vmem>>, %arg10: memref<10112x128xf32, #tpu.memory_space<vmem_shared>>, %arg11: memref<!tpu.dma_semaphore, #tpu.memory_space<semaphore_mem>>) attributes {dimension_semantics = [#tpu.dimension_semantics<core_parallel>, #tpu.dimension_semantics<subcore_parallel>], iteration_bounds = array<i64: 2, 16>, scalar_prefetch = 0 : i64, scratch_operands = 5 : i64, tpu.core_type = #tpu.core_type<sc_vector_subcore>, window_params = [{transform_indices = #map}, {transform_indices = #map}, {transform_indices = #map1}, {transform_indices = #map1}, {transform_indices = #map1}]} {
    %mul3A = arith.constant 16 : i32
    %mul3A_0 = arith.muli %arg0, %mul3A : i32
    %add3A = arith.addi %mul3A_0, %arg1 : i32
    "tpu.region"() ({
      %run_scoped3A = tpu.sem_alloc : memref<!tpu.dma_semaphore, #tpu.memory_space<semaphore_mem>>
      %dma_start3A = arith.constant 0 : i32
      %dma_start3A_17 = arith.constant 0 : i32
      %dma_start3A_18 = tpu.memref_slice %arg4[%add3A, %dma_start3A, %dma_start3A_17] : memref<32x79x128xi32, #tpu.memory_space<hbm>> -> memref<1x79x128xi32, #tpu.memory_space<hbm>>
      %dma_start3A_19 = tpu.memref_squeeze %dma_start3A_18 : memref<1x79x128xi32, #tpu.memory_space<hbm>> -> memref<79x128xi32, #tpu.memory_space<hbm>>
      %dma_start3A_20 = arith.constant 0 : i32
      %dma_start3A_21 = arith.constant 0 : i32
      %dma_start3A_22 = tpu.memref_slice %arg4[%add3A, %dma_start3A_20, %dma_start3A_21] : memref<32x79x128xi32, #tpu.memory_space<hbm>> -> memref<1x79x128xi32, #tpu.memory_space<hbm>>
      %dma_start3A_23 = tpu.memref_squeeze %dma_start3A_22 : memref<1x79x128xi32, #tpu.memory_space<hbm>> -> memref<79x128xi32, #tpu.memory_space<hbm>>
      tpu.enqueue_dma source(%dma_start3A_23 : memref<79x128xi32, #tpu.memory_space<hbm>>) target(%arg7 : memref<79x128xi32, #tpu.memory_space<vmem>>) target_semaphore(%run_scoped3A : memref<!tpu.dma_semaphore, #tpu.memory_space<semaphore_mem>>)
      %dma_wait3A = arith.constant 0 : i32
      %dma_wait3A_24 = arith.constant 0 : i32
      %dma_wait3A_25 = tpu.memref_slice %arg4[%add3A, %dma_wait3A, %dma_wait3A_24] : memref<32x79x128xi32, #tpu.memory_space<hbm>> -> memref<1x79x128xi32, #tpu.memory_space<hbm>>
      %dma_wait3A_26 = tpu.memref_squeeze %dma_wait3A_25 : memref<1x79x128xi32, #tpu.memory_space<hbm>> -> memref<79x128xi32, #tpu.memory_space<hbm>>
      %dma_wait3A_27 = arith.constant 0 : i32
      %dma_wait3A_28 = arith.constant 0 : i32
      %dma_wait3A_29 = tpu.memref_slice %arg4[%add3A, %dma_wait3A_27, %dma_wait3A_28] : memref<32x79x128xi32, #tpu.memory_space<hbm>> -> memref<1x79x128xi32, #tpu.memory_space<hbm>>
      %dma_wait3A_30 = tpu.memref_squeeze %dma_wait3A_29 : memref<1x79x128xi32, #tpu.memory_space<hbm>> -> memref<79x128xi32, #tpu.memory_space<hbm>>
      tpu.wait_dma2 semaphore(%run_scoped3A : memref<!tpu.dma_semaphore, #tpu.memory_space<semaphore_mem>>) src(%dma_wait3A_30 : memref<79x128xi32, #tpu.memory_space<hbm>>) dst(%arg7 : memref<79x128xi32, #tpu.memory_space<vmem>>)
      tpu.yield
    }) : () -> ()
    "tpu.region"() ({
      %run_scoped3A = tpu.sem_alloc : memref<!tpu.dma_semaphore, #tpu.memory_space<semaphore_mem>>
      %dma_start3A = arith.constant 0 : i32
      %dma_start3A_17 = arith.constant 0 : i32
      %dma_start3A_18 = tpu.memref_slice %arg5[%add3A, %dma_start3A, %dma_start3A_17] : memref<32x79x128xi32, #tpu.memory_space<hbm>> -> memref<1x79x128xi32, #tpu.memory_space<hbm>>
      %dma_start3A_19 = tpu.memref_squeeze %dma_start3A_18 : memref<1x79x128xi32, #tpu.memory_space<hbm>> -> memref<79x128xi32, #tpu.memory_space<hbm>>
      %dma_start3A_20 = arith.constant 0 : i32
      %dma_start3A_21 = arith.constant 0 : i32
      %dma_start3A_22 = tpu.memref_slice %arg5[%add3A, %dma_start3A_20, %dma_start3A_21] : memref<32x79x128xi32, #tpu.memory_space<hbm>> -> memref<1x79x128xi32, #tpu.memory_space<hbm>>
      %dma_start3A_23 = tpu.memref_squeeze %dma_start3A_22 : memref<1x79x128xi32, #tpu.memory_space<hbm>> -> memref<79x128xi32, #tpu.memory_space<hbm>>
      tpu.enqueue_dma source(%dma_start3A_23 : memref<79x128xi32, #tpu.memory_space<hbm>>) target(%arg8 : memref<79x128xi32, #tpu.memory_space<vmem>>) target_semaphore(%run_scoped3A : memref<!tpu.dma_semaphore, #tpu.memory_space<semaphore_mem>>)
      %dma_wait3A = arith.constant 0 : i32
      %dma_wait3A_24 = arith.constant 0 : i32
      %dma_wait3A_25 = tpu.memref_slice %arg5[%add3A, %dma_wait3A, %dma_wait3A_24] : memref<32x79x128xi32, #tpu.memory_space<hbm>> -> memref<1x79x128xi32, #tpu.memory_space<hbm>>
      %dma_wait3A_26 = tpu.memref_squeeze %dma_wait3A_25 : memref<1x79x128xi32, #tpu.memory_space<hbm>> -> memref<79x128xi32, #tpu.memory_space<hbm>>
      %dma_wait3A_27 = arith.constant 0 : i32
      %dma_wait3A_28 = arith.constant 0 : i32
      %dma_wait3A_29 = tpu.memref_slice %arg5[%add3A, %dma_wait3A_27, %dma_wait3A_28] : memref<32x79x128xi32, #tpu.memory_space<hbm>> -> memref<1x79x128xi32, #tpu.memory_space<hbm>>
      %dma_wait3A_30 = tpu.memref_squeeze %dma_wait3A_29 : memref<1x79x128xi32, #tpu.memory_space<hbm>> -> memref<79x128xi32, #tpu.memory_space<hbm>>
      tpu.wait_dma2 semaphore(%run_scoped3A : memref<!tpu.dma_semaphore, #tpu.memory_space<semaphore_mem>>) src(%dma_wait3A_30 : memref<79x128xi32, #tpu.memory_space<hbm>>) dst(%arg8 : memref<79x128xi32, #tpu.memory_space<vmem>>)
      tpu.yield
    }) : () -> ()
    %mul3A_1 = arith.constant 632 : i32
    %mul3A_2 = arith.muli %arg1, %mul3A_1 : i32
    %mul3A_3 = arith.constant 632 : i32
    %mul3A_4 = arith.muli %arg1, %mul3A_3 : i32
    "tpu.region"() ({
      %run_scoped3A = tpu.sem_alloc : memref<!tpu.dma_semaphore, #tpu.memory_space<semaphore_mem>>
      %dma_start3A = arith.constant 0 : i32
      %dma_start3A_17 = tpu.memref_slice %arg10[%mul3A_4, %dma_start3A] : memref<10112x128xf32, #tpu.memory_space<vmem_shared>> -> memref<632x128xf32, #tpu.memory_space<vmem_shared>>
      %dma_start3A_18 = arith.constant 0 : i32
      %dma_start3A_19 = tpu.memref_slice %arg3[%mul3A_2, %dma_start3A_18] : memref<10112x128xf32, #tpu.memory_space<hbm>> -> memref<632x128xf32, #tpu.memory_space<hbm>>
      tpu.enqueue_dma source(%dma_start3A_19 : memref<632x128xf32, #tpu.memory_space<hbm>>) target(%dma_start3A_17 : memref<632x128xf32, #tpu.memory_space<vmem_shared>>) target_semaphore(%run_scoped3A : memref<!tpu.dma_semaphore, #tpu.memory_space<semaphore_mem>>)
      %dma_wait3A = arith.constant 0 : i32
      %dma_wait3A_20 = tpu.memref_slice %arg10[%mul3A_4, %dma_wait3A] : memref<10112x128xf32, #tpu.memory_space<vmem_shared>> -> memref<632x128xf32, #tpu.memory_space<vmem_shared>>
      %dma_wait3A_21 = arith.constant 0 : i32
      %dma_wait3A_22 = tpu.memref_slice %arg3[%mul3A_2, %dma_wait3A_21] : memref<10112x128xf32, #tpu.memory_space<hbm>> -> memref<632x128xf32, #tpu.memory_space<hbm>>
      tpu.wait_dma2 semaphore(%run_scoped3A : memref<!tpu.dma_semaphore, #tpu.memory_space<semaphore_mem>>) src(%dma_wait3A_22 : memref<632x128xf32, #tpu.memory_space<hbm>>) dst(%dma_wait3A_20 : memref<632x128xf32, #tpu.memory_space<vmem_shared>>)
      tpu.yield
    }) : () -> ()
    %barrier3A = arith.constant 0 : index
    tpu.barrier barrier_id(%barrier3A)
    %scan3A = arith.constant 0 : i32
    %scan3A_5 = arith.constant 0 : i32
    %scan3A_6 = arith.constant 79 : i32
    %scan3A_7 = arith.addi %scan3A_5, %scan3A_6 : i32
    %scan3A_8 = arith.constant 1 : i32
    %scan3A_9 = scf.for %scan3A_17 = %scan3A_5 to %scan3A_7 step %scan3A_8 iter_args(%scan3A_18 = %scan3A) -> (i32)  : i32 {
      %dma_start3A = arith.constant 0 : i32
      %dma_start3A_19 = tpu.memref_slice %arg7[%scan3A_17, %dma_start3A] : memref<79x128xi32, #tpu.memory_space<vmem>> -> memref<1x128xi32, #tpu.memory_space<vmem>>
      %dma_start3A_20 = tpu.memref_squeeze %dma_start3A_19 : memref<1x128xi32, #tpu.memory_space<vmem>> -> memref<128xi32, #tpu.memory_space<vmem>>
      %dma_start3A_21 = arith.constant 0 : i32
      %dma_start3A_22 = arith.constant 0 : i32
      %dma_start3A_23 = tpu.memref_slice %arg2[%dma_start3A_21, %dma_start3A_22] : memref<10112x128xf32, #tpu.memory_space<hbm>> -> memref<10112x128xf32, #tpu.memory_space<hbm>>
      tpu.enqueue_indirect_dma source(%dma_start3A_23 : memref<10112x128xf32, #tpu.memory_space<hbm>>) target(%arg9 : memref<128x128xf32, #tpu.memory_space<vmem>>) offsets(%dma_start3A_20 : memref<128xi32, #tpu.memory_space<vmem>>) semaphore(%arg11 : memref<!tpu.dma_semaphore, #tpu.memory_space<semaphore_mem>>)
      %dma_wait3A = arith.constant 0 : i32
      %dma_wait3A_24 = tpu.memref_slice %arg7[%scan3A_17, %dma_wait3A] : memref<79x128xi32, #tpu.memory_space<vmem>> -> memref<1x128xi32, #tpu.memory_space<vmem>>
      %dma_wait3A_25 = tpu.memref_squeeze %dma_wait3A_24 : memref<1x128xi32, #tpu.memory_space<vmem>> -> memref<128xi32, #tpu.memory_space<vmem>>
      %dma_wait3A_26 = arith.constant 0 : i32
      %dma_wait3A_27 = arith.constant 0 : i32
      %dma_wait3A_28 = tpu.memref_slice %arg2[%dma_wait3A_26, %dma_wait3A_27] : memref<10112x128xf32, #tpu.memory_space<hbm>> -> memref<10112x128xf32, #tpu.memory_space<hbm>>
      tpu.wait_indirect_dma semaphore(%arg11 : memref<!tpu.dma_semaphore, #tpu.memory_space<semaphore_mem>>) src(%dma_wait3A_28 : memref<10112x128xf32, #tpu.memory_space<hbm>>) dst(%arg9 : memref<128x128xf32, #tpu.memory_space<vmem>>)
      "tpu.region"() ({
        %run_scoped3A = tpu.sem_alloc : memref<!tpu.dma_semaphore, #tpu.memory_space<semaphore_mem>>
        %dma_start3A_30 = arith.constant 0 : i32
        %dma_start3A_31 = tpu.memref_slice %arg8[%scan3A_17, %dma_start3A_30] : memref<79x128xi32, #tpu.memory_space<vmem>> -> memref<1x128xi32, #tpu.memory_space<vmem>>
        %dma_start3A_32 = tpu.memref_squeeze %dma_start3A_31 : memref<1x128xi32, #tpu.memory_space<vmem>> -> memref<128xi32, #tpu.memory_space<vmem>>
        %dma_start3A_33 = arith.constant 0 : i32
        %dma_start3A_34 = arith.constant 0 : i32
        %dma_start3A_35 = tpu.memref_slice %arg10[%dma_start3A_33, %dma_start3A_34] : memref<10112x128xf32, #tpu.memory_space<vmem_shared>> -> memref<10112x128xf32, #tpu.memory_space<vmem_shared>>
        tpu.enqueue_indirect_dma source(%arg9 : memref<128x128xf32, #tpu.memory_space<vmem>>) target(%dma_start3A_35 : memref<10112x128xf32, #tpu.memory_space<vmem_shared>>) offsets(%dma_start3A_32 : memref<128xi32, #tpu.memory_space<vmem>>) semaphore(%run_scoped3A : memref<!tpu.dma_semaphore, #tpu.memory_space<semaphore_mem>>) {add = true}
        %dma_wait3A_36 = arith.constant 0 : i32
        %dma_wait3A_37 = tpu.memref_slice %arg8[%scan3A_17, %dma_wait3A_36] : memref<79x128xi32, #tpu.memory_space<vmem>> -> memref<1x128xi32, #tpu.memory_space<vmem>>
        %dma_wait3A_38 = tpu.memref_squeeze %dma_wait3A_37 : memref<1x128xi32, #tpu.memory_space<vmem>> -> memref<128xi32, #tpu.memory_space<vmem>>
        %dma_wait3A_39 = arith.constant 0 : i32
        %dma_wait3A_40 = arith.constant 0 : i32
        %dma_wait3A_41 = tpu.memref_slice %arg10[%dma_wait3A_39, %dma_wait3A_40] : memref<10112x128xf32, #tpu.memory_space<vmem_shared>> -> memref<10112x128xf32, #tpu.memory_space<vmem_shared>>
        tpu.wait_indirect_dma semaphore(%run_scoped3A : memref<!tpu.dma_semaphore, #tpu.memory_space<semaphore_mem>>) src(%arg9 : memref<128x128xf32, #tpu.memory_space<vmem>>) dst(%dma_wait3A_41 : memref<10112x128xf32, #tpu.memory_space<vmem_shared>>)
        tpu.yield
      }) : () -> ()
      %scan3A_29 = arith.constant 0 : i32
      scf.yield %scan3A_29 : i32
    }
    %scan3A_10 = arith.constant 79 : i32
    %barrier3A_11 = arith.constant 0 : index
    tpu.barrier barrier_id(%barrier3A_11)
    %mul3A_12 = arith.constant 632 : i32
    %mul3A_13 = arith.muli %arg1, %mul3A_12 : i32
    %mul3A_14 = arith.constant 632 : i32
    %mul3A_15 = arith.muli %arg1, %mul3A_14 : i32
    "tpu.region"() ({
      %run_scoped3A = tpu.sem_alloc : memref<!tpu.dma_semaphore, #tpu.memory_space<semaphore_mem>>
      %dma_start3A = arith.constant 0 : i32
      %dma_start3A_17 = arith.constant 0 : i32
      %dma_start3A_18 = tpu.memref_slice %arg6[%arg0, %dma_start3A, %dma_start3A_17] : memref<2x10112x128xf32, #tpu.memory_space<hbm>> -> memref<1x10112x128xf32, #tpu.memory_space<hbm>>
      %dma_start3A_19 = tpu.memref_squeeze %dma_start3A_18 : memref<1x10112x128xf32, #tpu.memory_space<hbm>> -> memref<10112x128xf32, #tpu.memory_space<hbm>>
      %dma_start3A_20 = arith.constant 0 : i32
      %dma_start3A_21 = tpu.memref_slice %dma_start3A_19[%mul3A_15, %dma_start3A_20] : memref<10112x128xf32, #tpu.memory_space<hbm>> -> memref<632x128xf32, #tpu.memory_space<hbm>>
      %dma_start3A_22 = arith.constant 0 : i32
      %dma_start3A_23 = tpu.memref_slice %arg10[%mul3A_13, %dma_start3A_22] : memref<10112x128xf32, #tpu.memory_space<vmem_shared>> -> memref<632x128xf32, #tpu.memory_space<vmem_shared>>
      tpu.enqueue_dma source(%dma_start3A_23 : memref<632x128xf32, #tpu.memory_space<vmem_shared>>) target(%dma_start3A_21 : memref<632x128xf32, #tpu.memory_space<hbm>>) target_semaphore(%run_scoped3A : memref<!tpu.dma_semaphore, #tpu.memory_space<semaphore_mem>>)
      %dma_wait3A = arith.constant 0 : i32
      %dma_wait3A_24 = arith.constant 0 : i32
      %dma_wait3A_25 = tpu.memref_slice %arg6[%arg0, %dma_wait3A, %dma_wait3A_24] : memref<2x10112x128xf32, #tpu.memory_space<hbm>> -> memref<1x10112x128xf32, #tpu.memory_space<hbm>>
      %dma_wait3A_26 = tpu.memref_squeeze %dma_wait3A_25 : memref<1x10112x128xf32, #tpu.memory_space<hbm>> -> memref<10112x128xf32, #tpu.memory_space<hbm>>
      %dma_wait3A_27 = arith.constant 0 : i32
      %dma_wait3A_28 = tpu.memref_slice %dma_wait3A_26[%mul3A_15, %dma_wait3A_27] : memref<10112x128xf32, #tpu.memory_space<hbm>> -> memref<632x128xf32, #tpu.memory_space<hbm>>
      %dma_wait3A_29 = arith.constant 0 : i32
      %dma_wait3A_30 = tpu.memref_slice %arg10[%mul3A_13, %dma_wait3A_29] : memref<10112x128xf32, #tpu.memory_space<vmem_shared>> -> memref<632x128xf32, #tpu.memory_space<vmem_shared>>
      tpu.wait_dma2 semaphore(%run_scoped3A : memref<!tpu.dma_semaphore, #tpu.memory_space<semaphore_mem>>) src(%dma_wait3A_30 : memref<632x128xf32, #tpu.memory_space<vmem_shared>>) dst(%dma_wait3A_28 : memref<632x128xf32, #tpu.memory_space<hbm>>)
      tpu.yield
    }) : () -> ()
    %barrier3A_16 = arith.constant 0 : index
    tpu.barrier barrier_id(%barrier3A_16)
    return
  }
}

module attributes {stable_mosaic.version = 14 : i64} {
  func.func @_tc1_body(%arg0: i32, %arg1: memref<2x128x16xf32, #tpu.memory_space<vmem>>, %arg2: memref<128x128xf32, #tpu.memory_space<vmem>>, %arg3: memref<128x1xf32, #tpu.memory_space<vmem>>, %arg4: memref<128x128xf32, #tpu.memory_space<vmem>>) attributes {dimension_semantics = [#tpu.dimension_semantics<arbitrary>], iteration_bounds = array<i64: 79>, scalar_prefetch = 0 : i64, scratch_operands = 0 : i64, tpu.core_type = #tpu.core_type<tc>, window_params = [{transform_indices = @transform_0, window_bounds = array<i64: 2, 128, 16>}, {transform_indices = @transform_1, window_bounds = array<i64: 128, 128>}, {transform_indices = @transform_2, window_bounds = array<i64: 128, 1>}, {transform_indices = @transform_3, window_bounds = array<i64: 128, 128>}]} {
    %get3A = arith.constant 0 : index
    %get3A_0 = arith.constant 0 : index
    %get3A_1 = arith.constant 0 : index
    %get3A_2 = vector.load %arg1[%get3A, %get3A_0, %get3A_1] : memref<2x128x16xf32, #tpu.memory_space<vmem>>, vector<1x128x1xf32>
    %get3A_3 = vector.shape_cast %get3A_2 : vector<1x128x1xf32> to vector<128x1xf32>
    %get3A_4 = arith.constant 1 : index
    %get3A_5 = arith.constant 0 : index
    %get3A_6 = arith.constant 0 : index
    %get3A_7 = vector.load %arg1[%get3A_4, %get3A_5, %get3A_6] : memref<2x128x16xf32, #tpu.memory_space<vmem>>, vector<1x128x1xf32>
    %get3A_8 = vector.shape_cast %get3A_7 : vector<1x128x1xf32> to vector<128x1xf32>
    %add3A = arith.addf %get3A_3, %get3A_8 : vector<128x1xf32>
    %add3A_9 = arith.constant 1.000000e+00 : f32
    %add3A_10 = vector.broadcast %add3A_9 : f32 to vector<128x1xf32>
    %add3A_11 = arith.addf %add3A, %add3A_10 : vector<128x1xf32>
    %rsqrt3A = math.rsqrt %add3A_11 : vector<128x1xf32>
    %swap3A = arith.constant 0 : index
    %swap3A_12 = arith.constant 0 : index
    %swap3A_13 = vector.load %arg3[%swap3A, %swap3A_12] : memref<128x1xf32, #tpu.memory_space<vmem>>, vector<128x1xf32>
    tpu.vector_store %arg3[%swap3A, %swap3A_12], %rsqrt3A {strides = array<i32>} : memref<128x1xf32, #tpu.memory_space<vmem>>, vector<128x1xf32>,
    %get3A_14 = arith.constant 0 : index
    %get3A_15 = arith.constant 0 : index
    %get3A_16 = vector.load %arg2[%get3A_14, %get3A_15] : memref<128x128xf32, #tpu.memory_space<vmem>>, vector<128x128xf32>
    %mul3A = vector.broadcast %rsqrt3A : vector<128x1xf32> to vector<128x128xf32>
    %mul3A_17 = arith.mulf %get3A_16, %mul3A : vector<128x128xf32>
    %swap3A_18 = arith.constant 0 : index
    %swap3A_19 = arith.constant 0 : index
    %swap3A_20 = vector.load %arg4[%swap3A_18, %swap3A_19] : memref<128x128xf32, #tpu.memory_space<vmem>>, vector<128x128xf32>
    tpu.vector_store %arg4[%swap3A_18, %swap3A_19], %mul3A_17 {strides = array<i32>} : memref<128x128xf32, #tpu.memory_space<vmem>>, vector<128x128xf32>,
    return
  }
  func.func @transform_0(%arg0: i32) -> (i32, i32, i32) {
    %c0_i32 = arith.constant 0 : i32
    %c0_i32_0 = arith.constant 0 : i32
    %c0_i32_1 = arith.constant 0 : i32
    return %c0_i32, %arg0, %c0_i32_0 : i32, i32, i32
  }
  func.func @transform_1(%arg0: i32) -> (i32, i32) {
    %c0_i32 = arith.constant 0 : i32
    %c0_i32_0 = arith.constant 0 : i32
    return %arg0, %c0_i32 : i32, i32
  }
  func.func @transform_2(%arg0: i32) -> (i32, i32) {
    %c0_i32 = arith.constant 0 : i32
    %c0_i32_0 = arith.constant 0 : i32
    return %arg0, %c0_i32 : i32, i32
  }
  func.func @transform_3(%arg0: i32) -> (i32, i32) {
    %c0_i32 = arith.constant 0 : i32
    %c0_i32_0 = arith.constant 0 : i32
    return %arg0, %c0_i32 : i32, i32
  }
}

module attributes {stable_mosaic.version = 14 : i64} {
  func.func @_tc2_body(%arg0: i32, %arg1: memref<2x128x128xf32, #tpu.memory_space<vmem>>, %arg2: memref<128x128xf32, #tpu.memory_space<vmem>>, %arg3: memref<128x1xf32, #tpu.memory_space<vmem>>, %arg4: memref<128x128xf32, #tpu.memory_space<vmem>>) attributes {dimension_semantics = [#tpu.dimension_semantics<arbitrary>], iteration_bounds = array<i64: 79>, scalar_prefetch = 0 : i64, scratch_operands = 0 : i64, tpu.core_type = #tpu.core_type<tc>, window_params = [{transform_indices = @transform_0, window_bounds = array<i64: 2, 128, 128>}, {transform_indices = @transform_1, window_bounds = array<i64: 128, 128>}, {transform_indices = @transform_2, window_bounds = array<i64: 128, 1>}, {transform_indices = @transform_3, window_bounds = array<i64: 128, 128>}]} {
    %get3A = arith.constant 0 : index
    %get3A_0 = arith.constant 0 : index
    %get3A_1 = vector.load %arg3[%get3A, %get3A_0] : memref<128x1xf32, #tpu.memory_space<vmem>>, vector<128x1xf32>
    %mul3A = arith.mulf %get3A_1, %get3A_1 : vector<128x1xf32>
    %get3A_2 = arith.constant 0 : index
    %get3A_3 = arith.constant 0 : index
    %get3A_4 = arith.constant 0 : index
    %get3A_5 = vector.load %arg1[%get3A_2, %get3A_3, %get3A_4] : memref<2x128x128xf32, #tpu.memory_space<vmem>>, vector<1x128x128xf32>
    %get3A_6 = vector.shape_cast %get3A_5 : vector<1x128x128xf32> to vector<128x128xf32>
    %get3A_7 = arith.constant 1 : index
    %get3A_8 = arith.constant 0 : index
    %get3A_9 = arith.constant 0 : index
    %get3A_10 = vector.load %arg1[%get3A_7, %get3A_8, %get3A_9] : memref<2x128x128xf32, #tpu.memory_space<vmem>>, vector<1x128x128xf32>
    %get3A_11 = vector.shape_cast %get3A_10 : vector<1x128x128xf32> to vector<128x128xf32>
    %add3A = arith.addf %get3A_6, %get3A_11 : vector<128x128xf32>
    %get3A_12 = arith.constant 0 : index
    %get3A_13 = arith.constant 0 : index
    %get3A_14 = vector.load %arg2[%get3A_12, %get3A_13] : memref<128x128xf32, #tpu.memory_space<vmem>>, vector<128x128xf32>
    %add3A_15 = arith.addf %add3A, %get3A_14 : vector<128x128xf32>
    %mul3A_16 = vector.broadcast %mul3A : vector<128x1xf32> to vector<128x128xf32>
    %mul3A_17 = arith.mulf %add3A_15, %mul3A_16 : vector<128x128xf32>
    %swap3A = arith.constant 0 : index
    %swap3A_18 = arith.constant 0 : index
    %swap3A_19 = vector.load %arg4[%swap3A, %swap3A_18] : memref<128x128xf32, #tpu.memory_space<vmem>>, vector<128x128xf32>
    tpu.vector_store %arg4[%swap3A, %swap3A_18], %mul3A_17 {strides = array<i32>} : memref<128x128xf32, #tpu.memory_space<vmem>>, vector<128x128xf32>,
    return
  }
  func.func @transform_0(%arg0: i32) -> (i32, i32, i32) {
    %c0_i32 = arith.constant 0 : i32
    %c0_i32_0 = arith.constant 0 : i32
    %c0_i32_1 = arith.constant 0 : i32
    return %c0_i32, %arg0, %c0_i32_0 : i32, i32, i32
  }
  func.func @transform_1(%arg0: i32) -> (i32, i32) {
    %c0_i32 = arith.constant 0 : i32
    %c0_i32_0 = arith.constant 0 : i32
    return %arg0, %c0_i32 : i32, i32
  }
  func.func @transform_2(%arg0: i32) -> (i32, i32) {
    %c0_i32 = arith.constant 0 : i32
    %c0_i32_0 = arith.constant 0 : i32
    return %arg0, %c0_i32 : i32, i32
  }
  func.func @transform_3(%arg0: i32) -> (i32, i32) {
    %c0_i32 = arith.constant 0 : i32
    %c0_i32_0 = arith.constant 0 : i32
    return %arg0, %c0_i32 : i32, i32
  }
}

module attributes {stable_mosaic.version = 14 : i64} {
  func.func @_tc3_body(%arg0: i32, %arg1: memref<2x128x128xf32, #tpu.memory_space<vmem>>, %arg2: memref<128x128xf32, #tpu.memory_space<vmem>>, %arg3: memref<128x1xf32, #tpu.memory_space<vmem>>, %arg4: memref<128x128xf32, #tpu.memory_space<vmem>>, %arg5: memref<1x128xf32, #tpu.memory_space<vmem>>, %arg6: memref<128x128xf32, #tpu.memory_space<vmem>>, %arg7: memref<128x128xf32, #tpu.memory_space<vmem>>) attributes {dimension_semantics = [#tpu.dimension_semantics<arbitrary>], iteration_bounds = array<i64: 79>, scalar_prefetch = 0 : i64, scratch_operands = 0 : i64, tpu.core_type = #tpu.core_type<tc>, window_params = [{transform_indices = @transform_0, window_bounds = array<i64: 2, 128, 128>}, {transform_indices = @transform_1, window_bounds = array<i64: 128, 128>}, {transform_indices = @transform_2, window_bounds = array<i64: 128, 1>}, {pipeline_mode = #tpu.pipeline_mode<synchronous>, transform_indices = @transform_3, window_bounds = array<i64: 128, 128>}, {pipeline_mode = #tpu.pipeline_mode<synchronous>, transform_indices = @transform_4, window_bounds = array<i64: 1, 128>}, {pipeline_mode = #tpu.pipeline_mode<synchronous>, transform_indices = @transform_5, window_bounds = array<i64: 128, 128>}, {transform_indices = @transform_6, window_bounds = array<i64: 128, 128>}]} {
    %get3A = arith.constant 0 : index
    %get3A_0 = arith.constant 0 : index
    %get3A_1 = vector.load %arg3[%get3A, %get3A_0] : memref<128x1xf32, #tpu.memory_space<vmem>>, vector<128x1xf32>
    %get3A_2 = arith.constant 0 : index
    %get3A_3 = arith.constant 0 : index
    %get3A_4 = arith.constant 0 : index
    %get3A_5 = vector.load %arg1[%get3A_2, %get3A_3, %get3A_4] : memref<2x128x128xf32, #tpu.memory_space<vmem>>, vector<1x128x128xf32>
    %get3A_6 = vector.shape_cast %get3A_5 : vector<1x128x128xf32> to vector<128x128xf32>
    %get3A_7 = arith.constant 1 : index
    %get3A_8 = arith.constant 0 : index
    %get3A_9 = arith.constant 0 : index
    %get3A_10 = vector.load %arg1[%get3A_7, %get3A_8, %get3A_9] : memref<2x128x128xf32, #tpu.memory_space<vmem>>, vector<1x128x128xf32>
    %get3A_11 = vector.shape_cast %get3A_10 : vector<1x128x128xf32> to vector<128x128xf32>
    %add3A = arith.addf %get3A_6, %get3A_11 : vector<128x128xf32>
    %get3A_12 = arith.constant 0 : index
    %get3A_13 = arith.constant 0 : index
    %get3A_14 = vector.load %arg2[%get3A_12, %get3A_13] : memref<128x128xf32, #tpu.memory_space<vmem>>, vector<128x128xf32>
    %add3A_15 = arith.addf %add3A, %get3A_14 : vector<128x128xf32>
    %mul3A = vector.broadcast %get3A_1 : vector<128x1xf32> to vector<128x128xf32>
    %mul3A_16 = arith.mulf %add3A_15, %mul3A : vector<128x128xf32>
    %get3A_17 = arith.constant 0 : index
    %get3A_18 = arith.constant 0 : index
    %get3A_19 = vector.load %arg4[%get3A_17, %get3A_18] : memref<128x128xf32, #tpu.memory_space<vmem>>, vector<128x128xf32>
    %dot_general3A = arith.constant dense<0.000000e+00> : vector<128x128xf32>
    %dot_general3A_20 = tpu.matmul %mul3A_16, %get3A_19, %dot_general3A {dimension_numbers = #tpu.dot_dimension_numbers<[1], [0], [0], [1], [0, 0, 1, 1], [], []>, transpose_lhs_hint = false} : vector<128x128xf32>, vector<128x128xf32>, vector<128x128xf32> -> vector<128x128xf32>
    %get3A_21 = arith.constant 0 : index
    %get3A_22 = arith.constant 0 : index
    %get3A_23 = vector.load %arg5[%get3A_21, %get3A_22] : memref<1x128xf32, #tpu.memory_space<vmem>>, vector<1x128xf32>
    %add3A_24 = vector.broadcast %get3A_23 : vector<1x128xf32> to vector<128x128xf32>
    %add3A_25 = arith.addf %dot_general3A_20, %add3A_24 : vector<128x128xf32>
    %max3A = arith.constant 0.000000e+00 : f32
    %max3A_26 = vector.broadcast %max3A : f32 to vector<128x128xf32>
    %max3A_27 = arith.maximumf %add3A_25, %max3A_26 : vector<128x128xf32>
    %get3A_28 = arith.constant 0 : index
    %get3A_29 = arith.constant 0 : index
    %get3A_30 = vector.load %arg6[%get3A_28, %get3A_29] : memref<128x128xf32, #tpu.memory_space<vmem>>, vector<128x128xf32>
    %dot_general3A_31 = arith.constant dense<0.000000e+00> : vector<128x128xf32>
    %dot_general3A_32 = tpu.matmul %max3A_27, %get3A_30, %dot_general3A_31 {dimension_numbers = #tpu.dot_dimension_numbers<[1], [0], [0], [1], [0, 0, 1, 1], [], []>, transpose_lhs_hint = false} : vector<128x128xf32>, vector<128x128xf32>, vector<128x128xf32> -> vector<128x128xf32>
    %mul3A_33 = vector.broadcast %get3A_1 : vector<128x1xf32> to vector<128x128xf32>
    %mul3A_34 = arith.mulf %dot_general3A_32, %mul3A_33 : vector<128x128xf32>
    %swap3A = arith.constant 0 : index
    %swap3A_35 = arith.constant 0 : index
    %swap3A_36 = vector.load %arg7[%swap3A, %swap3A_35] : memref<128x128xf32, #tpu.memory_space<vmem>>, vector<128x128xf32>
    tpu.vector_store %arg7[%swap3A, %swap3A_35], %mul3A_34 {strides = array<i32>} : memref<128x128xf32, #tpu.memory_space<vmem>>, vector<128x128xf32>,
    return
  }
  func.func @transform_0(%arg0: i32) -> (i32, i32, i32) {
    %c0_i32 = arith.constant 0 : i32
    %c0_i32_0 = arith.constant 0 : i32
    %c0_i32_1 = arith.constant 0 : i32
    return %c0_i32, %arg0, %c0_i32_0 : i32, i32, i32
  }
  func.func @transform_1(%arg0: i32) -> (i32, i32) {
    %c0_i32 = arith.constant 0 : i32
    %c0_i32_0 = arith.constant 0 : i32
    return %arg0, %c0_i32 : i32, i32
  }
  func.func @transform_2(%arg0: i32) -> (i32, i32) {
    %c0_i32 = arith.constant 0 : i32
    %c0_i32_0 = arith.constant 0 : i32
    return %arg0, %c0_i32 : i32, i32
  }
  func.func @transform_3(%arg0: i32) -> (i32, i32) {
    %c0_i32 = arith.constant 0 : i32
    %c0_i32_0 = arith.constant 0 : i32
    %c0_i32_1 = arith.constant 0 : i32
    return %c0_i32, %c0_i32_0 : i32, i32
  }
  func.func @transform_4(%arg0: i32) -> (i32, i32) {
    %c0_i32 = arith.constant 0 : i32
    %c0_i32_0 = arith.constant 0 : i32
    %c0_i32_1 = arith.constant 0 : i32
    return %c0_i32, %c0_i32_0 : i32, i32
  }
  func.func @transform_5(%arg0: i32) -> (i32, i32) {
    %c0_i32 = arith.constant 0 : i32
    %c0_i32_0 = arith.constant 0 : i32
    %c0_i32_1 = arith.constant 0 : i32
    return %c0_i32, %c0_i32_0 : i32, i32
  }
  func.func @transform_6(%arg0: i32) -> (i32, i32) {
    %c0_i32 = arith.constant 0 : i32
    %c0_i32_0 = arith.constant 0 : i32
    return %arg0, %c0_i32 : i32, i32
  }
}

module attributes {stable_mosaic.version = 14 : i64} {
  func.func @_tc45_body(%arg0: i32, %arg1: memref<2x128x128xf32, #tpu.memory_space<vmem>>, %arg2: memref<128x128xf32, #tpu.memory_space<vmem>>, %arg3: memref<128x1xf32, #tpu.memory_space<vmem>>, %arg4: memref<1x128xf32, #tpu.memory_space<vmem>>, %arg5: memref<128x128xf32, #tpu.memory_space<vmem>>, %arg6: memref<128x128xf32, #tpu.memory_space<vmem>>) attributes {dimension_semantics = [#tpu.dimension_semantics<arbitrary>], iteration_bounds = array<i64: 79>, scalar_prefetch = 0 : i64, scratch_operands = 0 : i64, tpu.core_type = #tpu.core_type<tc>, window_params = [{transform_indices = @transform_0, window_bounds = array<i64: 2, 128, 128>}, {transform_indices = @transform_1, window_bounds = array<i64: 128, 128>}, {transform_indices = @transform_2, window_bounds = array<i64: 128, 1>}, {pipeline_mode = #tpu.pipeline_mode<synchronous>, transform_indices = @transform_3, window_bounds = array<i64: 1, 128>}, {pipeline_mode = #tpu.pipeline_mode<synchronous>, transform_indices = @transform_4, window_bounds = array<i64: 128, 128>}, {transform_indices = @transform_5, window_bounds = array<i64: 128, 128>}]} {
    %get3A = arith.constant 0 : index
    %get3A_0 = arith.constant 0 : index
    %get3A_1 = vector.load %arg3[%get3A, %get3A_0] : memref<128x1xf32, #tpu.memory_space<vmem>>, vector<128x1xf32>
    %get3A_2 = arith.constant 0 : index
    %get3A_3 = arith.constant 0 : index
    %get3A_4 = arith.constant 0 : index
    %get3A_5 = vector.load %arg1[%get3A_2, %get3A_3, %get3A_4] : memref<2x128x128xf32, #tpu.memory_space<vmem>>, vector<1x128x128xf32>
    %get3A_6 = vector.shape_cast %get3A_5 : vector<1x128x128xf32> to vector<128x128xf32>
    %get3A_7 = arith.constant 1 : index
    %get3A_8 = arith.constant 0 : index
    %get3A_9 = arith.constant 0 : index
    %get3A_10 = vector.load %arg1[%get3A_7, %get3A_8, %get3A_9] : memref<2x128x128xf32, #tpu.memory_space<vmem>>, vector<1x128x128xf32>
    %get3A_11 = vector.shape_cast %get3A_10 : vector<1x128x128xf32> to vector<128x128xf32>
    %add3A = arith.addf %get3A_6, %get3A_11 : vector<128x128xf32>
    %get3A_12 = arith.constant 0 : index
    %get3A_13 = arith.constant 0 : index
    %get3A_14 = vector.load %arg2[%get3A_12, %get3A_13] : memref<128x128xf32, #tpu.memory_space<vmem>>, vector<128x128xf32>
    %add3A_15 = arith.addf %add3A, %get3A_14 : vector<128x128xf32>
    %mul3A = vector.broadcast %get3A_1 : vector<128x1xf32> to vector<128x128xf32>
    %mul3A_16 = arith.mulf %add3A_15, %mul3A : vector<128x128xf32>
    %get3A_17 = arith.constant 0 : index
    %get3A_18 = arith.constant 0 : index
    %get3A_19 = vector.load %arg4[%get3A_17, %get3A_18] : memref<1x128xf32, #tpu.memory_space<vmem>>, vector<1x128xf32>
    %add3A_20 = vector.broadcast %get3A_19 : vector<1x128xf32> to vector<128x128xf32>
    %add3A_21 = arith.addf %mul3A_16, %add3A_20 : vector<128x128xf32>
    %max3A = arith.constant 0.000000e+00 : f32
    %max3A_22 = vector.broadcast %max3A : f32 to vector<128x128xf32>
    %max3A_23 = arith.maximumf %add3A_21, %max3A_22 : vector<128x128xf32>
    %get3A_24 = arith.constant 0 : index
    %get3A_25 = arith.constant 0 : index
    %get3A_26 = vector.load %arg5[%get3A_24, %get3A_25] : memref<128x128xf32, #tpu.memory_space<vmem>>, vector<128x128xf32>
    %dot_general3A = arith.constant dense<0.000000e+00> : vector<128x128xf32>
    %dot_general3A_27 = tpu.matmul %max3A_23, %get3A_26, %dot_general3A {dimension_numbers = #tpu.dot_dimension_numbers<[1], [0], [0], [1], [0, 0, 1, 1], [], []>, transpose_lhs_hint = false} : vector<128x128xf32>, vector<128x128xf32>, vector<128x128xf32> -> vector<128x128xf32>
    %mul3A_28 = vector.broadcast %get3A_1 : vector<128x1xf32> to vector<128x128xf32>
    %mul3A_29 = arith.mulf %dot_general3A_27, %mul3A_28 : vector<128x128xf32>
    %swap3A = arith.constant 0 : index
    %swap3A_30 = arith.constant 0 : index
    %swap3A_31 = vector.load %arg6[%swap3A, %swap3A_30] : memref<128x128xf32, #tpu.memory_space<vmem>>, vector<128x128xf32>
    tpu.vector_store %arg6[%swap3A, %swap3A_30], %mul3A_29 {strides = array<i32>} : memref<128x128xf32, #tpu.memory_space<vmem>>, vector<128x128xf32>,
    return
  }
  func.func @transform_0(%arg0: i32) -> (i32, i32, i32) {
    %c0_i32 = arith.constant 0 : i32
    %c0_i32_0 = arith.constant 0 : i32
    %c0_i32_1 = arith.constant 0 : i32
    return %c0_i32, %arg0, %c0_i32_0 : i32, i32, i32
  }
  func.func @transform_1(%arg0: i32) -> (i32, i32) {
    %c0_i32 = arith.constant 0 : i32
    %c0_i32_0 = arith.constant 0 : i32
    return %arg0, %c0_i32 : i32, i32
  }
  func.func @transform_2(%arg0: i32) -> (i32, i32) {
    %c0_i32 = arith.constant 0 : i32
    %c0_i32_0 = arith.constant 0 : i32
    return %arg0, %c0_i32 : i32, i32
  }
  func.func @transform_3(%arg0: i32) -> (i32, i32) {
    %c0_i32 = arith.constant 0 : i32
    %c0_i32_0 = arith.constant 0 : i32
    %c0_i32_1 = arith.constant 0 : i32
    return %c0_i32, %c0_i32_0 : i32, i32
  }
  func.func @transform_4(%arg0: i32) -> (i32, i32) {
    %c0_i32 = arith.constant 0 : i32
    %c0_i32_0 = arith.constant 0 : i32
    %c0_i32_1 = arith.constant 0 : i32
    return %c0_i32, %c0_i32_0 : i32, i32
  }
  func.func @transform_5(%arg0: i32) -> (i32, i32) {
    %c0_i32 = arith.constant 0 : i32
    %c0_i32_0 = arith.constant 0 : i32
    return %arg0, %c0_i32 : i32, i32
  }
}

module attributes {stable_mosaic.version = 14 : i64} {
  func.func @_tc6_body(%arg0: i32, %arg1: memref<2x128x128xf32, #tpu.memory_space<vmem>>, %arg2: memref<128x128xf32, #tpu.memory_space<vmem>>, %arg3: memref<128x1xf32, #tpu.memory_space<vmem>>, %arg4: memref<1x128xf32, #tpu.memory_space<vmem>>, %arg5: memref<1x1x128xi32, #tpu.memory_space<vmem>>, %arg6: memref<128x128xf32, #tpu.memory_space<vmem>>, %arg7: memref<1x128xf32, #tpu.memory_space<vmem>>, %arg8: memref<128x64xf32, #tpu.memory_space<vmem>>, %arg9: memref<1x64xf32, #tpu.memory_space<vmem>>, %arg10: memref<64x10xf32, #tpu.memory_space<vmem>>, %arg11: memref<1x10xf32, #tpu.memory_space<vmem>>, %arg12: memref<64x10xf32, #tpu.memory_space<vmem>>, %arg13: memref<64x128xf32, #tpu.memory_space<vmem>>) attributes {dimension_semantics = [#tpu.dimension_semantics<arbitrary>], iteration_bounds = array<i64: 79>, scalar_prefetch = 0 : i64, scratch_operands = 1 : i64, tpu.core_type = #tpu.core_type<tc>, window_params = [{transform_indices = @transform_0, window_bounds = array<i64: 2, 128, 128>}, {transform_indices = @transform_1, window_bounds = array<i64: 128, 128>}, {transform_indices = @transform_2, window_bounds = array<i64: 128, 1>}, {pipeline_mode = #tpu.pipeline_mode<synchronous>, transform_indices = @transform_3, window_bounds = array<i64: 1, 128>}, {transform_indices = @transform_4, window_bounds = array<i64: 1, 1, 128>}, {pipeline_mode = #tpu.pipeline_mode<synchronous>, transform_indices = @transform_5, window_bounds = array<i64: 128, 128>}, {pipeline_mode = #tpu.pipeline_mode<synchronous>, transform_indices = @transform_6, window_bounds = array<i64: 1, 128>}, {pipeline_mode = #tpu.pipeline_mode<synchronous>, transform_indices = @transform_7, window_bounds = array<i64: 128, 64>}, {pipeline_mode = #tpu.pipeline_mode<synchronous>, transform_indices = @transform_8, window_bounds = array<i64: 1, 64>}, {pipeline_mode = #tpu.pipeline_mode<synchronous>, transform_indices = @transform_9, window_bounds = array<i64: 64, 10>}, {pipeline_mode = #tpu.pipeline_mode<synchronous>, transform_indices = @transform_10, window_bounds = array<i64: 1, 10>}, {pipeline_mode = #tpu.pipeline_mode<synchronous>, transform_indices = @transform_11, window_bounds = array<i64: 64, 10>}]} {
    %eq3A = arith.constant 0 : i32
    %eq3A_0 = arith.cmpi eq, %arg0, %eq3A : i32
    %convert_element_type3A = arith.extui %eq3A_0 : i1 to i32
    %cond3A = arith.constant 0 : i32
    %cond3A_1 = arith.cmpi ne, %convert_element_type3A, %cond3A : i32
    scf.if %cond3A_1 {
      %broadcast_in_dim3A = arith.constant 0.000000e+00 : f32
      %broadcast_in_dim3A_48 = vector.broadcast %broadcast_in_dim3A : f32 to vector<64x128xf32>
      %swap3A_49 = arith.constant 0 : index
      %swap3A_50 = arith.constant 0 : index
      %swap3A_51 = vector.load %arg13[%swap3A_49, %swap3A_50] : memref<64x128xf32, #tpu.memory_space<vmem>>, vector<64x128xf32>
      tpu.vector_store %arg13[%swap3A_49, %swap3A_50], %broadcast_in_dim3A_48 {strides = array<i32>} : memref<64x128xf32, #tpu.memory_space<vmem>>, vector<64x128xf32>,
    } else {
    }
    %get3A = arith.constant 0 : index
    %get3A_2 = arith.constant 0 : index
    %get3A_3 = vector.load %arg3[%get3A, %get3A_2] : memref<128x1xf32, #tpu.memory_space<vmem>>, vector<128x1xf32>
    %get3A_4 = arith.constant 0 : index
    %get3A_5 = arith.constant 0 : index
    %get3A_6 = arith.constant 0 : index
    %get3A_7 = vector.load %arg1[%get3A_4, %get3A_5, %get3A_6] : memref<2x128x128xf32, #tpu.memory_space<vmem>>, vector<1x128x128xf32>
    %get3A_8 = vector.shape_cast %get3A_7 : vector<1x128x128xf32> to vector<128x128xf32>
    %get3A_9 = arith.constant 1 : index
    %get3A_10 = arith.constant 0 : index
    %get3A_11 = arith.constant 0 : index
    %get3A_12 = vector.load %arg1[%get3A_9, %get3A_10, %get3A_11] : memref<2x128x128xf32, #tpu.memory_space<vmem>>, vector<1x128x128xf32>
    %get3A_13 = vector.shape_cast %get3A_12 : vector<1x128x128xf32> to vector<128x128xf32>
    %add3A = arith.addf %get3A_8, %get3A_13 : vector<128x128xf32>
    %get3A_14 = arith.constant 0 : index
    %get3A_15 = arith.constant 0 : index
    %get3A_16 = vector.load %arg2[%get3A_14, %get3A_15] : memref<128x128xf32, #tpu.memory_space<vmem>>, vector<128x128xf32>
    %add3A_17 = arith.addf %add3A, %get3A_16 : vector<128x128xf32>
    %mul3A = vector.broadcast %get3A_3 : vector<128x1xf32> to vector<128x128xf32>
    %mul3A_18 = arith.mulf %add3A_17, %mul3A : vector<128x128xf32>
    %get3A_19 = arith.constant 0 : index
    %get3A_20 = arith.constant 0 : index
    %get3A_21 = vector.load %arg4[%get3A_19, %get3A_20] : memref<1x128xf32, #tpu.memory_space<vmem>>, vector<1x128xf32>
    %add3A_22 = vector.broadcast %get3A_21 : vector<1x128xf32> to vector<128x128xf32>
    %add3A_23 = arith.addf %mul3A_18, %add3A_22 : vector<128x128xf32>
    %max3A = arith.constant 0.000000e+00 : f32
    %max3A_24 = vector.broadcast %max3A : f32 to vector<128x128xf32>
    %max3A_25 = arith.maximumf %add3A_23, %max3A_24 : vector<128x128xf32>
    %iota3A = tpu.iota {dimensions = array<i32: 0>} : vector<64x1xi32>
    %get3A_26 = arith.constant 0 : index
    %get3A_27 = arith.constant 0 : index
    %get3A_28 = arith.constant 0 : index
    %get3A_29 = vector.load %arg5[%get3A_26, %get3A_27, %get3A_28] : memref<1x1x128xi32, #tpu.memory_space<vmem>>, vector<1x1x128xi32>
    %get3A_30 = vector.shape_cast %get3A_29 : vector<1x1x128xi32> to vector<1x128xi32>
    %eq3A_31 = vector.broadcast %get3A_30 : vector<1x128xi32> to vector<64x128xi32>
    %eq3A_32 = vector.broadcast %iota3A : vector<64x1xi32> to vector<64x128xi32>
    %eq3A_33 = arith.cmpi eq, %eq3A_31, %eq3A_32 : vector<64x128xi32>
    %convert_element_type3A_34 = arith.extui %eq3A_33 : vector<64x128xi1> to vector<64x128xi32>
    %convert_element_type3A_35 = arith.sitofp %convert_element_type3A_34 : vector<64x128xi32> to vector<64x128xf32>
    %get3A_36 = arith.constant 0 : index
    %get3A_37 = arith.constant 0 : index
    %get3A_38 = vector.load %arg13[%get3A_36, %get3A_37] : memref<64x128xf32, #tpu.memory_space<vmem>>, vector<64x128xf32>
    %dot_general3A = arith.constant dense<0.000000e+00> : vector<64x128xf32>
    %dot_general3A_39 = tpu.matmul %convert_element_type3A_35, %max3A_25, %dot_general3A {dimension_numbers = #tpu.dot_dimension_numbers<[1], [0], [0], [1], [0, 0, 1, 1], [], []>, transpose_lhs_hint = false} : vector<64x128xf32>, vector<128x128xf32>, vector<64x128xf32> -> vector<64x128xf32>
    %add3A_40 = arith.addf %get3A_38, %dot_general3A_39 : vector<64x128xf32>
    %swap3A = arith.constant 0 : index
    %swap3A_41 = arith.constant 0 : index
    %swap3A_42 = vector.load %arg13[%swap3A, %swap3A_41] : memref<64x128xf32, #tpu.memory_space<vmem>>, vector<64x128xf32>
    tpu.vector_store %arg13[%swap3A, %swap3A_41], %add3A_40 {strides = array<i32>} : memref<64x128xf32, #tpu.memory_space<vmem>>, vector<64x128xf32>,
    %eq3A_43 = arith.constant 78 : i32
    %eq3A_44 = arith.cmpi eq, %arg0, %eq3A_43 : i32
    %convert_element_type3A_45 = arith.extui %eq3A_44 : i1 to i32
    %cond3A_46 = arith.constant 0 : i32
    %cond3A_47 = arith.cmpi ne, %convert_element_type3A_45, %cond3A_46 : i32
    scf.if %cond3A_47 {
      %get3A_48 = arith.constant 0 : index
      %get3A_49 = arith.constant 0 : index
      %get3A_50 = vector.load %arg13[%get3A_48, %get3A_49] : memref<64x128xf32, #tpu.memory_space<vmem>>, vector<64x128xf32>
      %get3A_51 = arith.constant 0 : index
      %get3A_52 = arith.constant 0 : index
      %get3A_53 = vector.load %arg6[%get3A_51, %get3A_52] : memref<128x128xf32, #tpu.memory_space<vmem>>, vector<128x128xf32>
      %dot_general3A_54 = arith.constant dense<0.000000e+00> : vector<64x128xf32>
      %dot_general3A_55 = tpu.matmul %get3A_50, %get3A_53, %dot_general3A_54 {dimension_numbers = #tpu.dot_dimension_numbers<[1], [0], [0], [1], [0, 0, 1, 1], [], []>, transpose_lhs_hint = false} : vector<64x128xf32>, vector<128x128xf32>, vector<64x128xf32> -> vector<64x128xf32>
      %get3A_56 = arith.constant 0 : index
      %get3A_57 = arith.constant 0 : index
      %get3A_58 = vector.load %arg7[%get3A_56, %get3A_57] : memref<1x128xf32, #tpu.memory_space<vmem>>, vector<1x128xf32>
      %add3A_59 = vector.broadcast %get3A_58 : vector<1x128xf32> to vector<64x128xf32>
      %add3A_60 = arith.addf %dot_general3A_55, %add3A_59 : vector<64x128xf32>
      %max3A_61 = arith.constant 0.000000e+00 : f32
      %max3A_62 = vector.broadcast %max3A_61 : f32 to vector<64x128xf32>
      %max3A_63 = arith.maximumf %add3A_60, %max3A_62 : vector<64x128xf32>
      %get3A_64 = arith.constant 0 : index
      %get3A_65 = arith.constant 0 : index
      %get3A_66 = vector.load %arg8[%get3A_64, %get3A_65] : memref<128x64xf32, #tpu.memory_space<vmem>>, vector<128x64xf32>
      %dot_general3A_67 = arith.constant dense<0.000000e+00> : vector<64x64xf32>
      %dot_general3A_68 = tpu.matmul %max3A_63, %get3A_66, %dot_general3A_67 {dimension_numbers = #tpu.dot_dimension_numbers<[1], [0], [0], [1], [0, 0, 1, 1], [], []>, transpose_lhs_hint = false} : vector<64x128xf32>, vector<128x64xf32>, vector<64x64xf32> -> vector<64x64xf32>
      %get3A_69 = arith.constant 0 : index
      %get3A_70 = arith.constant 0 : index
      %get3A_71 = vector.load %arg9[%get3A_69, %get3A_70] : memref<1x64xf32, #tpu.memory_space<vmem>>, vector<1x64xf32>
      %add3A_72 = vector.broadcast %get3A_71 : vector<1x64xf32> to vector<64x64xf32>
      %add3A_73 = arith.addf %dot_general3A_68, %add3A_72 : vector<64x64xf32>
      %max3A_74 = arith.constant 0.000000e+00 : f32
      %max3A_75 = vector.broadcast %max3A_74 : f32 to vector<64x64xf32>
      %max3A_76 = arith.maximumf %add3A_73, %max3A_75 : vector<64x64xf32>
      %get3A_77 = arith.constant 0 : index
      %get3A_78 = arith.constant 0 : index
      %get3A_79 = vector.load %arg10[%get3A_77, %get3A_78] : memref<64x10xf32, #tpu.memory_space<vmem>>, vector<64x10xf32>
      %dot_general3A_80 = arith.constant dense<0.000000e+00> : vector<64x10xf32>
      %dot_general3A_81 = tpu.matmul %max3A_76, %get3A_79, %dot_general3A_80 {dimension_numbers = #tpu.dot_dimension_numbers<[1], [0], [0], [1], [0, 0, 1, 1], [], []>, transpose_lhs_hint = false} : vector<64x64xf32>, vector<64x10xf32>, vector<64x10xf32> -> vector<64x10xf32>
      %get3A_82 = arith.constant 0 : index
      %get3A_83 = arith.constant 0 : index
      %get3A_84 = vector.load %arg11[%get3A_82, %get3A_83] : memref<1x10xf32, #tpu.memory_space<vmem>>, vector<1x10xf32>
      %add3A_85 = vector.broadcast %get3A_84 : vector<1x10xf32> to vector<64x10xf32>
      %add3A_86 = arith.addf %dot_general3A_81, %add3A_85 : vector<64x10xf32>
      %swap3A_87 = arith.constant 0 : index
      %swap3A_88 = arith.constant 0 : index
      %swap3A_89 = vector.load %arg12[%swap3A_87, %swap3A_88] : memref<64x10xf32, #tpu.memory_space<vmem>>, vector<64x10xf32>
      tpu.vector_store %arg12[%swap3A_87, %swap3A_88], %add3A_86 {strides = array<i32>} : memref<64x10xf32, #tpu.memory_space<vmem>>, vector<64x10xf32>,
    } else {
    }
    return
  }
  func.func @transform_0(%arg0: i32) -> (i32, i32, i32) {
    %c0_i32 = arith.constant 0 : i32
    %c0_i32_0 = arith.constant 0 : i32
    %c0_i32_1 = arith.constant 0 : i32
    return %c0_i32, %arg0, %c0_i32_0 : i32, i32, i32
  }
  func.func @transform_1(%arg0: i32) -> (i32, i32) {
    %c0_i32 = arith.constant 0 : i32
    %c0_i32_0 = arith.constant 0 : i32
    return %arg0, %c0_i32 : i32, i32
  }
  func.func @transform_2(%arg0: i32) -> (i32, i32) {
    %c0_i32 = arith.constant 0 : i32
    %c0_i32_0 = arith.constant 0 : i32
    return %arg0, %c0_i32 : i32, i32
  }
  func.func @transform_3(%arg0: i32) -> (i32, i32) {
    %c0_i32 = arith.constant 0 : i32
    %c0_i32_0 = arith.constant 0 : i32
    %c0_i32_1 = arith.constant 0 : i32
    return %c0_i32, %c0_i32_0 : i32, i32
  }
  func.func @transform_4(%arg0: i32) -> (i32, i32, i32) {
    %c0_i32 = arith.constant 0 : i32
    %c0_i32_0 = arith.constant 0 : i32
    %c0_i32_1 = arith.constant 0 : i32
    return %arg0, %c0_i32, %c0_i32_0 : i32, i32, i32
  }
  func.func @transform_5(%arg0: i32) -> (i32, i32) {
    %c0_i32 = arith.constant 0 : i32
    %c0_i32_0 = arith.constant 0 : i32
    %c0_i32_1 = arith.constant 0 : i32
    return %c0_i32, %c0_i32_0 : i32, i32
  }
  func.func @transform_6(%arg0: i32) -> (i32, i32) {
    %c0_i32 = arith.constant 0 : i32
    %c0_i32_0 = arith.constant 0 : i32
    %c0_i32_1 = arith.constant 0 : i32
    return %c0_i32, %c0_i32_0 : i32, i32
  }
  func.func @transform_7(%arg0: i32) -> (i32, i32) {
    %c0_i32 = arith.constant 0 : i32
    %c0_i32_0 = arith.constant 0 : i32
    %c0_i32_1 = arith.constant 0 : i32
    return %c0_i32, %c0_i32_0 : i32, i32
  }
  func.func @transform_8(%arg0: i32) -> (i32, i32) {
    %c0_i32 = arith.constant 0 : i32
    %c0_i32_0 = arith.constant 0 : i32
    %c0_i32_1 = arith.constant 0 : i32
    return %c0_i32, %c0_i32_0 : i32, i32
  }
  func.func @transform_9(%arg0: i32) -> (i32, i32) {
    %c0_i32 = arith.constant 0 : i32
    %c0_i32_0 = arith.constant 0 : i32
    %c0_i32_1 = arith.constant 0 : i32
    return %c0_i32, %c0_i32_0 : i32, i32
  }
  func.func @transform_10(%arg0: i32) -> (i32, i32) {
    %c0_i32 = arith.constant 0 : i32
    %c0_i32_0 = arith.constant 0 : i32
    %c0_i32_1 = arith.constant 0 : i32
    return %c0_i32, %c0_i32_0 : i32, i32
  }
  func.func @transform_11(%arg0: i32) -> (i32, i32) {
    %c0_i32 = arith.constant 0 : i32
    %c0_i32_0 = arith.constant 0 : i32
    %c0_i32_1 = arith.constant 0 : i32
    return %c0_i32, %c0_i32_0 : i32, i32
  }
}

</mosaic_0001>

<sc_bundles>
// kernel: kernel.14.cloned.1.call-start
scs
__scs_entry_jumppad:
0x0: {  	(pc) =	sbr.rel $0x88, $3  }
0x1: {  	(tag) =	ssettag $0x0;
	lr =	simm.s32 $0x1  }
0x2: {  	[smem:$0x3F90] =	sst lr;
	_ =	strace $0xD0000000  }
0x3: {  	_ = 	snop  }
0x4: {  	_ = 	snop  }
0x5: {  	_ = 	snop  }
0x6: {  	_ = 	snop  }
0x7: {  	_ = 	snop  }
__scs_overlays_trampoline_lowered:
0x8: {  	[smem:$0x3F9F] =	sst s0  }
0x9: {  	[smem:$0x3FA0] =	sst s1  }
0xa: {  	[smem:$0x3FA1] =	sst s2  }
0xb: {  	[smem:$0x3FA2] =	sst s3  }
0xc: {  	[smem:$0x3FA3] =	sst s4  }
0xd: {  	[smem:$0x3FA4] =	sst s5  }
0xe: {  	[smem:$0x3FA5] =	sst s6  }
0xf: {  	[smem:$0x3FA6] =	sst s7  }
0x10: {  	[smem:$0x3FA7] =	sst s8  }
0x11: {  	[smem:$0x3FA8] =	sst s9;
	s0 =	simm.s32 @!p0 $0x0  }
0x12: {  	s1 =	sld [smem:$0x3F8E];
	s0 =	simm.s32 @p0 $0x1  }
0x13: {  	[smem:$0x3FA9] =	sst s0;
	s0 =	simm.s32 @!p1 $0x0  }
0x14: {  	s2 =	sld [smem:$0x3F8D];
	s0 =	simm.s32 @p1 $0x1  }
0x15: {  	[smem:$0x3FAA] =	sst s0;
	s0 =	simm.s32 @!p2 $0x0  }
0x16: {  	s3 =	sld [smem:$0x3FDB];
	s0 =	simm.s32 @p2 $0x1  }
0x17: {  	s4 =	simm.s32 $0x1BF5;
	[smem:$0x3FAC] =	sst s0  }
0x18: {  	s0 =	sld [smem:$0x3F8F];
	_ =	swait.ge [sflag:s4], $0x0  }
0x19: {  	s7 =	sld [smem:$0x3F90]  }
0x1a: {  	s8 =	sadd.s32 $0xFFFFE003, lr  }
0x1b: {  	s9 =	sadd.s32 $0xFFFFFEF7, lr;
	s5 =	simm.s32 $0xFFFFFFFF;
	p2 =	slt.u32 s8, $0xFFFFF086  }
0x1c: {  	p1 =	slt.u32 s9, $0xF7A;
	s5 =	simm.s32 @!p2 $0x0  }
0x1d: {  	s5 =	simm.s32 @p1 $0x1;
	p0 =	seq.s32 s7, s2  }
0x1e: {  	s7 =	smul.u32 @!p0 $0xF7A, s2;
	p2 =	seq.s32 @!p0 s5, $0x0  }
0x1f: {  	s9 =	smul.u32 $0xF7A, s1;
	s8 =	simm.s32 @!p0 $0x1BF5;
	p2 =	por !p2, p0  }
0x20: {  	[sflag:s8] =	ssyncset.s32 @!p0 $0xFFFFF086;
	s6 =	sadd.s32 @!p0 s3, s7;
	s7 =	simm.s32 @!p0 $0x108  }
0x21: {  	s3 =	sadd.s32 s3, s9;
	s6 =	sadd.s32 @!p0 $0x88, s6;
	s7 =	simm.s32 @p2 $0x1082  }
0x22: {  	[simem:s7], [sflag:s8] =	dma.local @!p0 [hbm:s6], $0xF7A  }
0x23: {  	s9 =	sor.u32 $0xD0000000, s2;
	s6 =	simm.s32 $0x108;
	_ =	swait.ge @!p0 [sflag:s8], $0x0  }
0x24: {  	s3 =	sadd.s32 $0x88, s3;
	s6 =	simm.s32 @!p1 $0x1082;
	[sflag:s4] =	ssyncset.s32 $0xFFFFF086  }
0x25: {  	[simem:s6], [sflag:s4] =	dma.local [hbm:s3], $0xF7A  }
0x26: {  	[smem:$0x3F90] =	sst s1;
	(tag) =	ssettag s2;
	_ =	strace s9  }
0x27: {  	s1 =	sld [smem:$0x3FA0]  }
0x28: {  	s2 =	sld [smem:$0x3FA1]  }
0x29: {  	s4 =	sld [smem:$0x3FA3]  }
0x2a: {  	p0 =	seq.s32 s5, $0x0;
	s5 =	sld [smem:$0x3FA4]  }
0x2b: {  	s6 =	sld [smem:$0x3FA5]  }
0x2c: {  	s7 =	sld [smem:$0x3FA6]  }
0x2d: {  	s3 =	simm.s32 $0x108;
	s8 =	sld [smem:$0x3FA7]  }
0x2e: {  	s3 =	simm.s32 @!p0 $0x1082;
	s9 =	sld [smem:$0x3FA8]  }
0x2f: {  	lr =	sadd.s32 s0, s3;
	s0 =	sld [smem:$0x3F9F]  }
0x30: {  	s3 =	sld [smem:$0x3FA2]  }
0x31: {  	[smem:$0x3FAB] =	sst s10  }
0x32: {  	s10 =	sld [smem:$0x3FA9];
	_ =	sdelay $0x3  }
0x33: {  	p0 =	seq.s32 s10, $0x1;
	s10 =	sld [smem:$0x3FAB];
	_ =	sdelay $0x3  }
0x34: {  	[smem:$0x3FAB] =	sst s10  }
0x35: {  	s10 =	sld [smem:$0x3FAA];
	_ =	sdelay $0x3  }
0x36: {  	p1 =	seq.s32 s10, $0x1;
	s10 =	sld [smem:$0x3FAB];
	_ =	sdelay $0x3  }
0x37: {  	[smem:$0x3FAB] =	sst s10  }
0x38: {  	s10 =	sld [smem:$0x3FAC]  }
0x39: {  	_ = 	snop;
	(pc) =	sbr.ind lr, $3  }
0x3a: {  	_ = 	snop  }
0x3b: {  	_ = 	snop  }
0x3c: {  	p2 =	seq.s32 s10, $0x1;
	s10 =	sld [smem:$0x3FAB]  }
0x3d: {  	_ =	shalt  }
0x3e: {  	_ =	shalt  }
0x3f: {  	_ =	shalt  }
0x40: {  	_ =	shalt  }
0x41: {  	_ =	shalt  }
0x42: {  	_ =	shalt  }
0x43: {  	_ =	shalt  }
0x44: {  	_ =	shalt  }
0x45: {  	_ =	shalt  }
0x46: {  	_ =	shalt  }
0x47: {  	_ =	shalt  }
0x48: {  	_ =	shalt  }
0x49: {  	_ =	shalt  }
0x4a: {  	_ =	shalt  }
0x4b: {  	_ =	shalt  }
0x4c: {  	_ =	shalt  }
0x4d: {  	_ =	shalt  }
0x4e: {  	_ =	shalt  }
0x4f: {  	_ =	shalt  }
0x50: {  	_ =	shalt  }
0x51: {  	_ =	shalt  }
0x52: {  	_ =	shalt  }
0x53: {  	_ =	shalt  }
0x54: {  	_ =	shalt  }
0x55: {  	_ =	shalt  }
0x56: {  	_ =	shalt  }
0x57: {  	_ =	shalt  }
0x58: {  	_ =	shalt  }
0x59: {  	_ =	shalt  }
0x5a: {  	_ =	shalt  }
0x5b: {  	_ =	shalt  }
0x5c: {  	_ =	shalt  }
0x5d: {  	_ =	shalt  }
0x5e: {  	_ =	shalt  }
0x5f: {  	_ =	shalt  }
0x60: {  	_ =	shalt  }
0x61: {  	_ =	shalt  }
0x62: {  	_ =	shalt  }
0x63: {  	_ =	shalt  }
0x64: {  	_ =	shalt  }
0x65: {  	_ =	shalt  }
0x66: {  	_ =	shalt  }
0x67: {  	_ =	shalt  }
0x68: {  	_ =	shalt  }
0x69: {  	_ =	shalt  }
0x6a: {  	_ =	shalt  }
0x6b: {  	_ =	shalt  }
0x6c: {  	_ =	shalt  }
0x6d: {  	_ =	shalt  }
0x6e: {  	_ =	shalt  }
0x6f: {  	_ =	shalt  }
0x70: {  	_ =	shalt  }
0x71: {  	_ =	shalt  }
0x72: {  	_ =	shalt  }
0x73: {  	_ =	shalt  }
0x74: {  	_ =	shalt  }
0x75: {  	_ =	shalt  }
0x76: {  	_ =	shalt  }
0x77: {  	_ =	shalt  }
0x78: {  	_ =	shalt  }
0x79: {  	_ =	shalt  }
0x7a: {  	_ =	shalt  }
0x7b: {  	_ =	shalt  }
0x7c: {  	_ =	shalt  }
0x7d: {  	_ =	shalt  }
0x7e: {  	_ =	shalt  }
0x7f: {  	_ =	shalt  }
0x80: {  	_ =	shalt  }
0x81: {  	_ =	shalt  }
0x82: {  	_ =	shalt  }
0x83: {  	_ =	shalt  }
0x84: {  	_ =	shalt  }
0x85: {  	_ =	shalt  }
0x86: {  	_ =	shalt  }
0x87: {  	_ =	shalt  }
.Lfunc_end0:
.L_simem_size_0:
called_computation_lowered:
.L_overlay_start_0:
0x88: {  	s2 =	sld [smem:$0x3FD9]  }
0x89: {  	s3 =	sld [smem:$0x3FFE];
	_ =	sdelay $0x1  }
0x8a: {  	s1 =	srdreg.scid  }
0x8b: {  	s0 =	sand.u32 $0x1, s1  }
0x8c: {  	s16 =	sshll.u32 s0, $0xA;
	s2 =	sadd.s32 s3, s2  }
0x8d: {  	s2 =	sadd.s32 s2, s16  }
0x8e: {  	[smem:$0x3FB7] =	sst s2  }
0x8f: {  	_ = 	snop  }
0x90: {  	(tm) =	ssettm $0x1  }
0x91: {  	s17 =	sld [smem:$0x3FFB];
	_ =	sdelay $0x3  }
0x92: {  	_ =	strace s17  }
0x93: {  	s2 =	sld [smem:$0x3FFC];
	_ =	sdelay $0x3  }
0x94: {  	_ =	strace s2  }
0x95: {  	s2 =	sld [smem:$0x3FFD];
	_ =	sdelay $0x3  }
0x96: {  	_ =	strace s2  }
0x97: {  	_ =	strace $0x8FFFFFFF  }
0x98: {  	s18 =	sld [smem:$0x3FDB];
	_ =	sdelay $0x1  }
0x99: {  	s19 =	simm.s32 $_scs_section_size  }
0x9a: {  	s4 =	simm.s32 $_size__tile_overlayer_lowered;
	s5 =	simm.s32 $_tile_overlayer_lowered  }
0x9b: {  	s22 =	simm.s32 $0x1BFF;
	s21 =	sshll.u32 s5, $0x1;
	s2 =	sadd.s32 s19, s18  }
0x9c: {  	s6 =	simm.s32 $0x0;
	s20 =	sshll.u32 s4, $0x1;
	s4 =	sadd.s32 s21, s2  }
0x9d: {  	[timem:s6], [sflag:s22] =	dma.local [hbm:s4], s20  }
0x9e: {  	_ =	swait.ge [sflag:s22], s20  }
0x9f: {  	s3 =	ssub.s32 $0x0, s20;
	[sflag:s22] =	ssyncset.done $0x0  }
0xa0: {  	[sflag:s22] =	ssyncadd.s32 s3;
	_ =	sdelay $0x1  }
0xa1: {  	s23 =	simm.s32 $0x1B8B  }
0xa2: {  	_ =	swait.ge [sflag:s23], $0x1  }
0xa3: {  	[sflag:s23] =	ssyncset.done $0x0  }
0xa4: {  	s25 =	simm.s32 $0x1B8E;
	s24 =	sld [smem:$0x3FFE];
	[sflag:s23] =	ssyncadd.s32 $0xFFFFFFFF  }
0xa5: {  	s26 =	simm.s32 $execute0_lowered;
	[smem:$0x3FD2] =	sst s25  }
0xa6: {  	s4 =	sshll.u32 s26, $0x1;
	_ =	strace $0x80000046;
	[dreg:$0x1] =	wrdreg $0xFFFFFFFF  }
0xa7: {  	s28 =	simm.s32 $_size_execute0_lowered;
	s2 =	sadd.s32 s2, s4;
	[dreg:$0x0] =	wrdreg $0x0  }
0xa8: {  	s4 =	sshll.u32 s28, $0x1;
	[dreg:$0x2] =	wrdreg s2  }
0xa9: {  	[dreg:$0x3] =	wrdreg s4  }
0xaa: {  	[dreg:$0x4] =	wrdreg $0xC0  }
0xab: {  	_ =	task [dreg:s6], $0x5FFFF  }
0xac: {  	[dreg:$0x1] =	wrdreg $0xFFFFFFFF  }
0xad: {  	[dreg:$0x0] =	wrdreg $0x60  }
0xae: {  	[dreg:$0x2] =	wrdreg s24  }
0xaf: {  	[dreg:$0x3] =	wrdreg $0xB8000  }
0xb0: {  	[dreg:$0x4] =	wrdreg $0x9  }
0xb1: {  	_ =	task.clear_ibuf [dreg:s6], $0x5FFFF;
	_ =	strace $0x90000046  }
0xb2: {  	s29 =	simm.s32 $0x9;
	_ =	strace $0x80000048  }
0xb3: {  	_ =	swait.ge [sflag:s29], $0x1  }
0xb4: {  	[sflag:s29] =	ssyncadd.s32 $0xFFFFFFFF  }
0xb5: {  	_ =	strace $0x90000048  }
0xb6: {  	_ =	sfence  }
0xb7: {  	s30 =	sld [smem:$0x0];
	_ =	sdelay $0x2  }
0xb8: {  	s31 =	sshll.u32 s1, $0xD;
	s1 =	sshrl.u32 s1, $0x2  }
0xb9: {  	s3 =	sand.u32 $0x4000, s31;
	s1 =	sadd.s32 s1, s30  }
0xba: {  	s0 =	sor.u32 s3, s0;
	s1 =	sshll.u32 s1, $0x11  }
0xbb: {  	s0 =	sor.u32 s1, s0  }
0xbc: {  	s0 =	sadd.s32 $0x8F2B, s0  }
0xbd: {  	[sflag:s0] =	ssyncadd.remote.s32 $0x1  }
0xbe: {  	_ =	sfence.sel $0xFFFF  }
0xbf: {  	[dreg:$0x0] =	wrdreg $0xFFFFFFFF;
	(pc) =	sbr.abs _section_cstart, $3  }
0xc0: {  	[dreg:$0x1] =	wrdreg $0xFFFFFFFF  }
0xc1: {  	_ =	task.clear_ibuf [dreg:s6], $0x2FFFF;
	_ =	strace $0x9FFFFFFF  }
0xc2: {  	(tm) =	ssettm $0x7FFFFFFF  }
0xc3: {  	_ =	shalt  }
tec
execute0_lowered:
.L_overlay_start_1:
0x0: {  	(tag) =	ssettag $0x1  }
0x1: {  	s5 =	rddreg [dreg:$0x0]  }
0x2: {  	s0 =	srdreg.scid;
	s2 =	rddreg [dreg:$0x1];
	s3 =	simm.s32 $0x0  }
0x3: {  	s11 =	simm.s32 $0x6800;
	s12 =	simm.s32 $0x80;
	s4 =	sand.u32 $0x1, s0  }
0x4: {  	s13 =	simm.s32 $0x2800;
	s0 =	stileid.u32;
	s7 =	smul.u32 $0x27800, s4  }
0x5: {  	s17 =	simm.s32 $0x0;
	[smem:$0x7FF] =	sst s3;
	s8 =	smul.u32 $0x4F000, s0  }
0x6: {  	s1 =	sshll.u32 s4, $0x4;
	s4 =	ssub.s32 $0x2, s4;
	s15 =	smul.u32 $0x2780, s0  }
0x7: {  	s31 =	sshll.u32 s0, $0x6;
	s1 =	sor.u32 s0, s1;
	s29 =	sshrl.u32 s4, $0x1  }
0x8: {  	s6 =	smul.u32 $0x500, s1;
	s1 =	rddreg [dreg:$0x2];
	_ =	strace $0x80000047  }
0x9: {  	s9 =	sadd.s32 s7, s5;
	s30 =	sshrl.u32 s8, $0x2;
	s10 =	ssub.s32 s4, s29  }
0xa: {  	s14 =	sadd.s32 $0xEE00, s9;
	s9 =	smax.u32 s10, $0x1;
	s10 =	simm.s32 $0x1  }
0xb: {  	s6 =	sadd.s32 s6, s5;
	s5 =	sadd.s32 s30, s2;
	s14 =	sadd.s32 s15, s14  }
0xc: {  	s15 =	sor.u32 $0x1C01, s31;
	s4 =	sadd.s32 $0x4E00, s6;
	s6 =	sadd.s32 $0x4F00, s5  }
0xd: {  	v0 =	vimm.f32 $0.0e+00;
	v1 =	vimm.f32 $1.000000000e+00;
	s7 =	sadd.s32 $0x9E00, s5;
	s8 =	sadd.s32 $0xED00, s5;
	s16 =	sshrl.u32 s5, $0x3  }
.LBB2_1:
0xe: {  	[tilespmem:s3], [sflag:$0x1] =	stream.linear.gather [hbm4b:s4+s3], $0x2780, $0x38;
	[tilespmem:$0xDF80] =	vst v63  }
0xf: {  	_ =	swait.ge [sflag:s10], $0x2780  }
0x10: {  	[sflag:s10] =	ssyncset.done $0x0  }
0x11: {  	s18 =	simm.s32 $0x0;
	[sflag:s10] =	ssyncadd.s32 $0xFFFFD880  }
.LBB2_2:
0x12: {  	p0 =	sne.s32 s18, $0x13A00  }
.Ltmp0:
0x13: {  	_ = 	snop;
	(pc) =	sbr.rel @p0 .LBB2_2-.Ltmp0, $3  }
0x14: {  	_ =	sdelay $0x1  }
0x15: {  	s19 =	sshra.s32 s18, $0x2  }
0x16: {  	s18 =	sadd.s32 $0x200, s18;
	[tilespmem:s19+$0x6800] =	vst v0  }
0x17: {  	s18 =	simm.s32 $0x200;
	s19 =	simm.s32 $0x0  }
.LBB2_4:
0x18: {  	p0 =	sne.s32 s18, $0xFE00;
	[tilespmem:s19+$0x2800] =	vst v1;
	s19 =	smov.u32 s18;
	s18 =	sadd.s32 $0x200, s18  }
.Ltmp1:
0x19: {  	(pc) =	sbr.rel @p0 .LBB2_4-.Ltmp1, $2  }
0x1a: {  	_ =	sdelay $0x2  }
0x1b: {  	s19 =	sshra.s32 s19, $0x2  }
0x1c: {  	[tilespmem:s19+$0x2800] =	vst v1  }
0x1d: {  	[spmem:s5] =	stream.linear.scatter [tilespmem:s11], [sflag:$0x1], $0x4F00, $0x38;
	[tilespmem:$0xDF80] =	vst v63  }
0x1e: {  	_ =	swait.ge [sflag:s10], $0x4F00  }
0x1f: {  	[sflag:s10] =	ssyncset.done $0x0  }
0x20: {  	[sflag:s10] =	ssyncadd.s32 $0xFFFFB100  }
0x21: {  	[spmem:s6] =	stream.linear.scatter [tilespmem:s11], [sflag:$0x1], $0x4F00, $0x38;
	[tilespmem:$0xDF80] =	vst v63  }
0x22: {  	_ =	swait.ge [sflag:s10], $0x4F00  }
0x23: {  	[sflag:s10] =	ssyncset.done $0x0  }
0x24: {  	[sflag:s10] =	ssyncadd.s32 $0xFFFFB100  }
0x25: {  	[spmem:s7] =	stream.linear.scatter [tilespmem:s11], [sflag:$0x1], $0x4F00, $0x38;
	[tilespmem:$0xDF80] =	vst v63  }
0x26: {  	_ =	swait.ge [sflag:s10], $0x4F00  }
0x27: {  	[sflag:s10] =	ssyncset.done $0x0  }
0x28: {  	[sflag:s10] =	ssyncadd.s32 $0xFFFFB100  }
0x29: {  	[spmem:s8] =	stream.linear.scatter [tilespmem:s11], [sflag:$0x1], $0x4F00, $0x38;
	[tilespmem:$0xDF80] =	vst v63  }
0x2a: {  	_ =	swait.ge [sflag:s10], $0x4F00  }
0x2b: {  	[sflag:s10] =	ssyncset.done $0x0  }
0x2c: {  	[sflag:s10] =	ssyncadd.s32 $0xFFFFB100  }
0x2d: {  	s18 =	simm.s32 $0x0;
	[bflag:$0x0] =	sbarrier.arrive $0xFFFF  }
0x2e: {  	[spmem:s2] =	stream.indirect.scatter.add.f32 [tilespmem:s13], [sflag:$0x1], $0x10, s18, s12, $0xb8;
	[tilespmem:$0xDF80] =	vst v63  }
0x2f: {  	_ =	swait.ge [sflag:s10], $0x800  }
0x30: {  	s18 =	simm.s32 $0x200;
	[sflag:s10] =	ssyncset.done $0x0  }
.LBB2_6:
0x31: {  	s19 =	sshra.s32 s18, $0x2;
	[sflag:s10] =	ssyncadd.s32 $0xFFFFF800;
	p0 =	sne.s32 s18, $0x9C00  }
0x32: {  	[spmem:s2] =	stream.indirect.scatter.add.f32 [tilespmem:s13], [sflag:$0x1], $0x10, s19, s12, $0xb8;
	[tilespmem:$0xDF80] =	vst v63  }
.Ltmp2:
0x33: {  	_ = 	snop;
	(pc) =	sbr.rel @p0 .LBB2_6-.Ltmp2, $4  }
0x34: {  	_ = 	snop  }
0x35: {  	s18 =	sadd.s32 $0x200, s18  }
0x36: {  	_ =	swait.ge [sflag:s10], $0x800  }
0x37: {  	[sflag:s10] =	ssyncset.done $0x0  }
0x38: {  	[sflag:s10] =	ssyncadd.s32 $0xFFFFF800;
	s17 =	sadd.s32 $0x1, s17  }
0x39: {  	[bflag:$0x0] =	sbarrier.arrive $0xFFFF;
	p0 =	sne.s32 s17, s9  }
0x3a: {  	[hbm:s14], [sflag:s15] =	dma.local [spmem:s16], $0x2780  }
.Ltmp3:
0x3b: {  	_ =	swait.ge [sflag:s10], $0x2780;
	(pc) =	sbr.rel @p0 .LBB2_1-.Ltmp3, $3  }
0x3c: {  	[sflag:s10] =	ssyncset.done $0x0  }
0x3d: {  	[sflag:s10] =	ssyncadd.s32 $0xFFFFD880  }
0x3e: {  	[bflag:$0x0] =	sbarrier.arrive $0xFFFF;
	_ =	sdelay $0x1  }
0x3f: {  	_ =	sfence.sel $0x180000  }
0x40: {  	[bflag:$0x0] =	sbarrier.arrive $0xFFFF  }
0x41: {  	p0 =	sne.s32 s0, $0x0;
	_ =	strace $0x90000047  }
0x42: {  	s0 =	sadd.s32 @!p0 $0x100000, s1;
	[bflag:$0x2] =	sbarrier.arrive $0xFFFF  }
0x43: {  	[sflag:s0] =	ssyncadd.tile.s32 @!p0 $0x1;
	_ =	shalt  }
.Lfunc_end2:
_tile_overlayer_lowered:
.L_overlay_start_2:
0x44: {  	(tag) =	ssettag $0x2  }
0x45: {  	s0 =	rddreg [dreg:$0x0];
	s2 =	stileid.u32  }
0x46: {  	s1 =	rddreg [dreg:$0x1];
	p0 =	sne.s32 s2, $0x0  }
0x47: {  	s3 =	rddreg [dreg:$0x2];
	[bflag:$0x3] =	sbarrier.arrive $0xFFFF;
	s2 =	simm.s32 @!p0 $0x1C01  }
0x48: {  	[timem:s3], [sflag:s2] =	dma.local @!p0 [hbm:s0], s1  }
0x49: {  	s0 =	simm.s32 @!p0 $0x1  }
0x4a: {  	_ =	swait.ge @!p0 [sflag:s0], s1  }
0x4b: {  	s1 =	ssub.s32 @!p0 $0x0, s1;
	[sflag:s0] =	ssyncset.done @!p0 $0x0  }
0x4c: {  	[sflag:s0] =	ssyncadd.s32 @!p0 s1  }
0x4d: {  	[bflag:$0x3] =	sbarrier.arrive $0xFFFF  }
0x4e: {  	_ =	shalt  }

// kernel: kernel.17.cloned.1.call-start
scs
__scs_entry_jumppad:
0x0: {  	(pc) =	sbr.rel $0x88, $3  }
0x1: {  	(tag) =	ssettag $0x0;
	lr =	simm.s32 $0x1  }
0x2: {  	[smem:$0x3F90] =	sst lr;
	_ =	strace $0xD0000000  }
0x3: {  	_ = 	snop  }
0x4: {  	_ = 	snop  }
0x5: {  	_ = 	snop  }
0x6: {  	_ = 	snop  }
0x7: {  	_ = 	snop  }
__scs_overlays_trampoline_lowered:
0x8: {  	[smem:$0x3F9F] =	sst s0  }
0x9: {  	[smem:$0x3FA0] =	sst s1  }
0xa: {  	[smem:$0x3FA1] =	sst s2  }
0xb: {  	[smem:$0x3FA2] =	sst s3  }
0xc: {  	[smem:$0x3FA3] =	sst s4  }
0xd: {  	[smem:$0x3FA4] =	sst s5  }
0xe: {  	[smem:$0x3FA5] =	sst s6  }
0xf: {  	[smem:$0x3FA6] =	sst s7  }
0x10: {  	[smem:$0x3FA7] =	sst s8  }
0x11: {  	[smem:$0x3FA8] =	sst s9;
	s0 =	simm.s32 @!p0 $0x0  }
0x12: {  	s1 =	sld [smem:$0x3F8E];
	s0 =	simm.s32 @p0 $0x1  }
0x13: {  	[smem:$0x3FA9] =	sst s0;
	s0 =	simm.s32 @!p1 $0x0  }
0x14: {  	s2 =	sld [smem:$0x3F8D];
	s0 =	simm.s32 @p1 $0x1  }
0x15: {  	[smem:$0x3FAA] =	sst s0;
	s0 =	simm.s32 @!p2 $0x0  }
0x16: {  	s3 =	sld [smem:$0x3FDB];
	s0 =	simm.s32 @p2 $0x1  }
0x17: {  	s4 =	simm.s32 $0x1BF5;
	[smem:$0x3FAC] =	sst s0  }
0x18: {  	s0 =	sld [smem:$0x3F8F];
	_ =	swait.ge [sflag:s4], $0x0  }
0x19: {  	s7 =	sld [smem:$0x3F90]  }
0x1a: {  	s8 =	sadd.s32 $0xFFFFE003, lr  }
0x1b: {  	s9 =	sadd.s32 $0xFFFFFEF7, lr;
	s5 =	simm.s32 $0xFFFFFFFF;
	p2 =	slt.u32 s8, $0xFFFFF086  }
0x1c: {  	p1 =	slt.u32 s9, $0xF7A;
	s5 =	simm.s32 @!p2 $0x0  }
0x1d: {  	s5 =	simm.s32 @p1 $0x1;
	p0 =	seq.s32 s7, s2  }
0x1e: {  	s7 =	smul.u32 @!p0 $0xF7A, s2;
	p2 =	seq.s32 @!p0 s5, $0x0  }
0x1f: {  	s9 =	smul.u32 $0xF7A, s1;
	s8 =	simm.s32 @!p0 $0x1BF5;
	p2 =	por !p2, p0  }
0x20: {  	[sflag:s8] =	ssyncset.s32 @!p0 $0xFFFFF086;
	s6 =	sadd.s32 @!p0 s3, s7;
	s7 =	simm.s32 @!p0 $0x108  }
0x21: {  	s3 =	sadd.s32 s3, s9;
	s6 =	sadd.s32 @!p0 $0x88, s6;
	s7 =	simm.s32 @p2 $0x1082  }
0x22: {  	[simem:s7], [sflag:s8] =	dma.local @!p0 [hbm:s6], $0xF7A  }
0x23: {  	s9 =	sor.u32 $0xD0000000, s2;
	s6 =	simm.s32 $0x108;
	_ =	swait.ge @!p0 [sflag:s8], $0x0  }
0x24: {  	s3 =	sadd.s32 $0x88, s3;
	s6 =	simm.s32 @!p1 $0x1082;
	[sflag:s4] =	ssyncset.s32 $0xFFFFF086  }
0x25: {  	[simem:s6], [sflag:s4] =	dma.local [hbm:s3], $0xF7A  }
0x26: {  	[smem:$0x3F90] =	sst s1;
	(tag) =	ssettag s2;
	_ =	strace s9  }
0x27: {  	s1 =	sld [smem:$0x3FA0]  }
0x28: {  	s2 =	sld [smem:$0x3FA1]  }
0x29: {  	s4 =	sld [smem:$0x3FA3]  }
0x2a: {  	p0 =	seq.s32 s5, $0x0;
	s5 =	sld [smem:$0x3FA4]  }
0x2b: {  	s6 =	sld [smem:$0x3FA5]  }
0x2c: {  	s7 =	sld [smem:$0x3FA6]  }
0x2d: {  	s3 =	simm.s32 $0x108;
	s8 =	sld [smem:$0x3FA7]  }
0x2e: {  	s3 =	simm.s32 @!p0 $0x1082;
	s9 =	sld [smem:$0x3FA8]  }
0x2f: {  	lr =	sadd.s32 s0, s3;
	s0 =	sld [smem:$0x3F9F]  }
0x30: {  	s3 =	sld [smem:$0x3FA2]  }
0x31: {  	[smem:$0x3FAB] =	sst s10  }
0x32: {  	s10 =	sld [smem:$0x3FA9];
	_ =	sdelay $0x3  }
0x33: {  	p0 =	seq.s32 s10, $0x1;
	s10 =	sld [smem:$0x3FAB];
	_ =	sdelay $0x3  }
0x34: {  	[smem:$0x3FAB] =	sst s10  }
0x35: {  	s10 =	sld [smem:$0x3FAA];
	_ =	sdelay $0x3  }
0x36: {  	p1 =	seq.s32 s10, $0x1;
	s10 =	sld [smem:$0x3FAB];
	_ =	sdelay $0x3  }
0x37: {  	[smem:$0x3FAB] =	sst s10  }
0x38: {  	s10 =	sld [smem:$0x3FAC]  }
0x39: {  	_ = 	snop;
	(pc) =	sbr.ind lr, $3  }
0x3a: {  	_ = 	snop  }
0x3b: {  	_ = 	snop  }
0x3c: {  	p2 =	seq.s32 s10, $0x1;
	s10 =	sld [smem:$0x3FAB]  }
0x3d: {  	_ =	shalt  }
0x3e: {  	_ =	shalt  }
0x3f: {  	_ =	shalt  }
0x40: {  	_ =	shalt  }
0x41: {  	_ =	shalt  }
0x42: {  	_ =	shalt  }
0x43: {  	_ =	shalt  }
0x44: {  	_ =	shalt  }
0x45: {  	_ =	shalt  }
0x46: {  	_ =	shalt  }
0x47: {  	_ =	shalt  }
0x48: {  	_ =	shalt  }
0x49: {  	_ =	shalt  }
0x4a: {  	_ =	shalt  }
0x4b: {  	_ =	shalt  }
0x4c: {  	_ =	shalt  }
0x4d: {  	_ =	shalt  }
0x4e: {  	_ =	shalt  }
0x4f: {  	_ =	shalt  }
0x50: {  	_ =	shalt  }
0x51: {  	_ =	shalt  }
0x52: {  	_ =	shalt  }
0x53: {  	_ =	shalt  }
0x54: {  	_ =	shalt  }
0x55: {  	_ =	shalt  }
0x56: {  	_ =	shalt  }
0x57: {  	_ =	shalt  }
0x58: {  	_ =	shalt  }
0x59: {  	_ =	shalt  }
0x5a: {  	_ =	shalt  }
0x5b: {  	_ =	shalt  }
0x5c: {  	_ =	shalt  }
0x5d: {  	_ =	shalt  }
0x5e: {  	_ =	shalt  }
0x5f: {  	_ =	shalt  }
0x60: {  	_ =	shalt  }
0x61: {  	_ =	shalt  }
0x62: {  	_ =	shalt  }
0x63: {  	_ =	shalt  }
0x64: {  	_ =	shalt  }
0x65: {  	_ =	shalt  }
0x66: {  	_ =	shalt  }
0x67: {  	_ =	shalt  }
0x68: {  	_ =	shalt  }
0x69: {  	_ =	shalt  }
0x6a: {  	_ =	shalt  }
0x6b: {  	_ =	shalt  }
0x6c: {  	_ =	shalt  }
0x6d: {  	_ =	shalt  }
0x6e: {  	_ =	shalt  }
0x6f: {  	_ =	shalt  }
0x70: {  	_ =	shalt  }
0x71: {  	_ =	shalt  }
0x72: {  	_ =	shalt  }
0x73: {  	_ =	shalt  }
0x74: {  	_ =	shalt  }
0x75: {  	_ =	shalt  }
0x76: {  	_ =	shalt  }
0x77: {  	_ =	shalt  }
0x78: {  	_ =	shalt  }
0x79: {  	_ =	shalt  }
0x7a: {  	_ =	shalt  }
0x7b: {  	_ =	shalt  }
0x7c: {  	_ =	shalt  }
0x7d: {  	_ =	shalt  }
0x7e: {  	_ =	shalt  }
0x7f: {  	_ =	shalt  }
0x80: {  	_ =	shalt  }
0x81: {  	_ =	shalt  }
0x82: {  	_ =	shalt  }
0x83: {  	_ =	shalt  }
0x84: {  	_ =	shalt  }
0x85: {  	_ =	shalt  }
0x86: {  	_ =	shalt  }
0x87: {  	_ =	shalt  }
.Lfunc_end0:
.L_simem_size_0:
called_computation.1_lowered:
.L_overlay_start_0:
0x88: {  	s2 =	sld [smem:$0x3FD9]  }
0x89: {  	s3 =	sld [smem:$0x3FFE];
	_ =	sdelay $0x1  }
0x8a: {  	s1 =	srdreg.scid  }
0x8b: {  	s0 =	sand.u32 $0x1, s1  }
0x8c: {  	s16 =	sshll.u32 s0, $0xA;
	s2 =	sadd.s32 s3, s2  }
0x8d: {  	s2 =	sadd.s32 s2, s16  }
0x8e: {  	[smem:$0x3FB7] =	sst s2  }
0x8f: {  	_ = 	snop  }
0x90: {  	(tm) =	ssettm $0x1  }
0x91: {  	s17 =	sld [smem:$0x3FFB];
	_ =	sdelay $0x3  }
0x92: {  	_ =	strace s17  }
0x93: {  	s2 =	sld [smem:$0x3FFC];
	_ =	sdelay $0x3  }
0x94: {  	_ =	strace s2  }
0x95: {  	s2 =	sld [smem:$0x3FFD];
	_ =	sdelay $0x3  }
0x96: {  	_ =	strace s2  }
0x97: {  	_ =	strace $0x8FFFFFFF  }
0x98: {  	s18 =	sld [smem:$0x3FDB];
	_ =	sdelay $0x1  }
0x99: {  	s19 =	simm.s32 $_scs_section_size  }
0x9a: {  	s4 =	simm.s32 $_size__tile_overlayer_lowered;
	s5 =	simm.s32 $_tile_overlayer_lowered  }
0x9b: {  	s22 =	simm.s32 $0x1BFF;
	s21 =	sshll.u32 s5, $0x1;
	s2 =	sadd.s32 s19, s18  }
0x9c: {  	s6 =	simm.s32 $0x0;
	s20 =	sshll.u32 s4, $0x1;
	s4 =	sadd.s32 s21, s2  }
0x9d: {  	[timem:s6], [sflag:s22] =	dma.local [hbm:s4], s20  }
0x9e: {  	_ =	swait.ge [sflag:s22], s20  }
0x9f: {  	s3 =	ssub.s32 $0x0, s20;
	[sflag:s22] =	ssyncset.done $0x0  }
0xa0: {  	[sflag:s22] =	ssyncadd.s32 s3;
	_ =	sdelay $0x1  }
0xa1: {  	s23 =	simm.s32 $0x1B8B  }
0xa2: {  	_ =	swait.ge [sflag:s23], $0x1  }
0xa3: {  	[sflag:s23] =	ssyncset.done $0x0  }
0xa4: {  	s25 =	simm.s32 $0x1B8E;
	s24 =	sld [smem:$0x3FFE];
	[sflag:s23] =	ssyncadd.s32 $0xFFFFFFFF  }
0xa5: {  	s26 =	simm.s32 $execute0_lowered;
	[smem:$0x3FD2] =	sst s25  }
0xa6: {  	s4 =	sshll.u32 s26, $0x1;
	_ =	strace $0x80000049;
	[dreg:$0x1] =	wrdreg $0xFFFFFFFF  }
0xa7: {  	s28 =	simm.s32 $_size_execute0_lowered;
	s2 =	sadd.s32 s2, s4;
	[dreg:$0x0] =	wrdreg $0x0  }
0xa8: {  	s4 =	sshll.u32 s28, $0x1;
	[dreg:$0x2] =	wrdreg s2  }
0xa9: {  	[dreg:$0x3] =	wrdreg s4  }
0xaa: {  	[dreg:$0x4] =	wrdreg $0xC0  }
0xab: {  	_ =	task [dreg:s6], $0x5FFFF  }
0xac: {  	[dreg:$0x1] =	wrdreg $0xFFFFFFFF  }
0xad: {  	[dreg:$0x0] =	wrdreg $0x60  }
0xae: {  	[dreg:$0x2] =	wrdreg s24  }
0xaf: {  	[dreg:$0x3] =	wrdreg $0x90000  }
0xb0: {  	[dreg:$0x4] =	wrdreg $0x9  }
0xb1: {  	_ =	task.clear_ibuf [dreg:s6], $0x5FFFF;
	_ =	strace $0x90000049  }
0xb2: {  	s29 =	simm.s32 $0x9;
	_ =	strace $0x8000004B  }
0xb3: {  	_ =	swait.ge [sflag:s29], $0x1  }
0xb4: {  	[sflag:s29] =	ssyncadd.s32 $0xFFFFFFFF  }
0xb5: {  	_ =	strace $0x9000004B  }
0xb6: {  	_ =	sfence  }
0xb7: {  	s30 =	sld [smem:$0x0];
	_ =	sdelay $0x2  }
0xb8: {  	s31 =	sshll.u32 s1, $0xD;
	s1 =	sshrl.u32 s1, $0x2  }
0xb9: {  	s3 =	sand.u32 $0x4000, s31;
	s1 =	sadd.s32 s1, s30  }
0xba: {  	s0 =	sor.u32 s3, s0;
	s1 =	sshll.u32 s1, $0x11  }
0xbb: {  	s0 =	sor.u32 s1, s0  }
0xbc: {  	s0 =	sadd.s32 $0x8F2B, s0  }
0xbd: {  	[sflag:s0] =	ssyncadd.remote.s32 $0x1  }
0xbe: {  	_ =	sfence.sel $0xFFFF  }
0xbf: {  	[dreg:$0x0] =	wrdreg $0xFFFFFFFF;
	(pc) =	sbr.abs _section_cstart, $3  }
0xc0: {  	[dreg:$0x1] =	wrdreg $0xFFFFFFFF  }
0xc1: {  	_ =	task.clear_ibuf [dreg:s6], $0x2FFFF;
	_ =	strace $0x9FFFFFFF  }
0xc2: {  	(tm) =	ssettm $0x7FFFFFFF  }
0xc3: {  	_ =	shalt  }
tec
execute0_lowered:
.L_overlay_start_1:
0x0: {  	(tag) =	ssettag $0x1  }
0x1: {  	s5 =	rddreg [dreg:$0x0]  }
0x2: {  	s0 =	srdreg.scid;
	s2 =	rddreg [dreg:$0x1]  }
0x3: {  	s1 =	stileid.u32;
	s3 =	simm.s32 $0x0;
	s13 =	simm.s32 $0x80  }
0x4: {  	s14 =	simm.s32 $0x5000;
	s6 =	sand.u32 $0x1, s0;
	s0 =	rddreg [dreg:$0x2]  }
0x5: {  	s15 =	simm.s32 $0x1;
	s16 =	smul.u32 $0x2780, s1;
	[smem:$0x7FF] =	sst s3  }
0x6: {  	s10 =	smul.u32 $0x4F000, s1;
	s31 =	sshll.u32 s1, $0x6;
	s4 =	sshll.u32 s6, $0x4  }
0x7: {  	_ =	strace $0x8000004A;
	s8 =	smul.u32 $0x27800, s6;
	s6 =	ssub.s32 $0x2, s6  }
0x8: {  	s4 =	sor.u32 s1, s4;
	s9 =	sadd.s32 s16, s5;
	s30 =	sshrl.u32 s6, $0x1  }
0x9: {  	s10 =	sshrl.u32 s10, $0x2;
	s7 =	smul.u32 $0x500, s4;
	s4 =	sadd.s32 $0xEE00, s5  }
0xa: {  	s8 =	sadd.s32 s8, s5;
	s11 =	ssub.s32 s6, s30;
	s12 =	sadd.s32 s10, s2  }
0xb: {  	s10 =	simm.s32 $0x2800;
	s17 =	sadd.s32 $0x67E00, s8;
	s8 =	smax.u32 s11, $0x1  }
0xc: {  	s11 =	sor.u32 $0x1C02, s31;
	s12 =	sshrl.u32 s12, $0x3;
	s7 =	sadd.s32 s7, s5  }
0xd: {  	s16 =	sadd.s32 s16, s17;
	s17 =	simm.s32 $0x0;
	s5 =	sadd.s32 $0x5DE00, s7  }
0xe: {  	s6 =	sadd.s32 $0x4E00, s7;
	s7 =	sadd.s32 $0x36600, s9;
	s9 =	simm.s32 $0x2  }
.LBB2_1:
0xf: {  	[tilespmem:s3], [sflag:$0x2] =	stream.linear.gather [hbm4b:s5+s3], $0x2780, $0x38;
	[tilespmem:$0x1CC00] =	vst v63  }
0x10: {  	_ =	swait.ge [sflag:s9], $0x2780  }
0x11: {  	[sflag:s9] =	ssyncset.done $0x0  }
0x12: {  	[sflag:s9] =	ssyncadd.s32 $0xFFFFD880  }
0x13: {  	[tilespmem:s10], [sflag:$0x2] =	stream.linear.gather [hbm4b:s6+s3], $0x2780, $0x38;
	[tilespmem:$0x1CC00] =	vst v63  }
0x14: {  	_ =	swait.ge [sflag:s9], $0x2780  }
0x15: {  	[sflag:s9] =	ssyncset.done $0x0  }
0x16: {  	[sflag:s9] =	ssyncadd.s32 $0xFFFFD880  }
0x17: {  	[spmem:s12], [sflag:s11] =	dma.local [hbm:s7], $0x2780  }
0x18: {  	_ =	swait.ge [sflag:s9], $0x2780  }
0x19: {  	[sflag:s9] =	ssyncset.done $0x0  }
0x1a: {  	[sflag:s9] =	ssyncadd.s32 $0xFFFFD880  }
0x1b: {  	s18 =	simm.s32 $0x0;
	[bflag:$0x0] =	sbarrier.arrive $0xFFFF  }
0x1c: {  	[tilespmem:s14], [sflag:$0x1] =	stream.indirect.gather [hbm4b:s4+s13], $0x80, s18, s13, $0xb8;
	[tilespmem:$0x1CC00] =	vst v63  }
0x1d: {  	_ =	swait.ge [sflag:s15], $0x4000  }
0x1e: {  	[sflag:s15] =	ssyncset.done $0x0  }
0x1f: {  	s31 =	simm.s32 $0x2800;
	[sflag:s15] =	ssyncadd.s32 $0xFFFFC000  }
0x20: {  	[spmem:s2] =	stream.indirect.scatter.add.f32 [tilespmem:s14], [sflag:$0x2], $0x80, s31, s13, $0xb8;
	[tilespmem:$0x1CC00] =	vst v63  }
0x21: {  	_ =	swait.ge [sflag:s9], $0x4000  }
0x22: {  	s19 =	simm.s32 $0x400;
	s18 =	simm.s32 $0x200;
	[sflag:s9] =	ssyncset.done $0x0  }
.LBB2_2:
0x23: {  	s20 =	sshra.s32 s18, $0x2  }
0x24: {  	[sflag:s9] =	ssyncadd.s32 $0xFFFFC000;
	s18 =	smov.u32 s19;
	s21 =	sadd.s32 $0x200, s19  }
0x25: {  	[tilespmem:s14], [sflag:$0x1] =	stream.indirect.gather [hbm4b:s4+s13], $0x80, s20, s13, $0xb8;
	[tilespmem:$0x1CC00] =	vst v63  }
0x26: {  	p0 =	sne.s32 s19, $0x9C00;
	_ =	swait.ge [sflag:s15], $0x4000  }
.Ltmp0:
0x27: {  	[sflag:s15] =	ssyncset.done $0x0;
	(pc) =	sbr.rel @p0 .LBB2_2-.Ltmp0, $4  }
0x28: {  	s19 =	sadd.s32 $0x2800, s20;
	[sflag:s15] =	ssyncadd.s32 $0xFFFFC000  }
0x29: {  	[spmem:s2] =	stream.indirect.scatter.add.f32 [tilespmem:s14], [sflag:$0x2], $0x80, s19, s13, $0xb8;
	[tilespmem:$0x1CC00] =	vst v63  }
0x2a: {  	_ =	swait.ge [sflag:s9], $0x4000  }
0x2b: {  	s19 =	smov.u32 s21;
	[sflag:s9] =	ssyncset.done $0x0  }
0x2c: {  	s18 =	sshra.s32 s18, $0x2;
	[sflag:s9] =	ssyncadd.s32 $0xFFFFC000  }
0x2d: {  	[tilespmem:s14], [sflag:$0x1] =	stream.indirect.gather [hbm4b:s4+s13], $0x80, s18, s13, $0xb8;
	[tilespmem:$0x1CC00] =	vst v63  }
0x2e: {  	_ =	swait.ge [sflag:s15], $0x4000  }
0x2f: {  	[sflag:s15] =	ssyncset.done $0x0  }
0x30: {  	s18 =	sadd.s32 $0x2800, s18;
	[sflag:s15] =	ssyncadd.s32 $0xFFFFC000  }
0x31: {  	[spmem:s2] =	stream.indirect.scatter.add.f32 [tilespmem:s14], [sflag:$0x2], $0x80, s18, s13, $0xb8;
	[tilespmem:$0x1CC00] =	vst v63  }
0x32: {  	_ =	swait.ge [sflag:s9], $0x4000  }
0x33: {  	[sflag:s9] =	ssyncset.done $0x0  }
0x34: {  	s17 =	sadd.s32 $0x1, s17;
	[sflag:s9] =	ssyncadd.s32 $0xFFFFC000  }
0x35: {  	p0 =	sne.s32 s17, s8;
	[bflag:$0x0] =	sbarrier.arrive $0xFFFF  }
0x36: {  	[hbm:s16], [sflag:s11] =	dma.local [spmem:s12], $0x2780  }
.Ltmp1:
0x37: {  	_ =	swait.ge [sflag:s9], $0x2780;
	(pc) =	sbr.rel @p0 .LBB2_1-.Ltmp1, $3  }
0x38: {  	[sflag:s9] =	ssyncset.done $0x0  }
0x39: {  	[sflag:s9] =	ssyncadd.s32 $0xFFFFD880  }
0x3a: {  	[bflag:$0x0] =	sbarrier.arrive $0xFFFF;
	_ =	sdelay $0x1  }
0x3b: {  	_ =	sfence.sel $0x180000  }
0x3c: {  	[bflag:$0x0] =	sbarrier.arrive $0xFFFF  }
0x3d: {  	p0 =	sne.s32 s1, $0x0;
	_ =	strace $0x9000004A  }
0x3e: {  	s0 =	sadd.s32 @!p0 $0x100000, s0;
	[bflag:$0x2] =	sbarrier.arrive $0xFFFF  }
0x3f: {  	[sflag:s0] =	ssyncadd.tile.s32 @!p0 $0x1;
	_ =	shalt  }
.Lfunc_end2:
_tile_overlayer_lowered:
.L_overlay_start_2:
0x40: {  	(tag) =	ssettag $0x2  }
0x41: {  	s0 =	rddreg [dreg:$0x0];
	s2 =	stileid.u32  }
0x42: {  	s1 =	rddreg [dreg:$0x1];
	p0 =	sne.s32 s2, $0x0  }
0x43: {  	s3 =	rddreg [dreg:$0x2];
	[bflag:$0x3] =	sbarrier.arrive $0xFFFF;
	s2 =	simm.s32 @!p0 $0x1C02  }
0x44: {  	[timem:s3], [sflag:s2] =	dma.local @!p0 [hbm:s0], s1  }
0x45: {  	s0 =	simm.s32 @!p0 $0x2  }
0x46: {  	_ =	swait.ge @!p0 [sflag:s0], s1  }
0x47: {  	s1 =	ssub.s32 @!p0 $0x0, s1;
	[sflag:s0] =	ssyncset.done @!p0 $0x0  }
0x48: {  	[sflag:s0] =	ssyncadd.s32 @!p0 s1  }
0x49: {  	[bflag:$0x3] =	sbarrier.arrive $0xFFFF  }
0x4a: {  	_ =	shalt  }

// kernel: kernel.20.cloned.1.call-start
scs
__scs_entry_jumppad:
0x0: {  	(pc) =	sbr.rel $0x88, $3  }
0x1: {  	(tag) =	ssettag $0x0;
	lr =	simm.s32 $0x1  }
0x2: {  	[smem:$0x3F90] =	sst lr;
	_ =	strace $0xD0000000  }
0x3: {  	_ = 	snop  }
0x4: {  	_ = 	snop  }
0x5: {  	_ = 	snop  }
0x6: {  	_ = 	snop  }
0x7: {  	_ = 	snop  }
__scs_overlays_trampoline_lowered:
0x8: {  	[smem:$0x3F9F] =	sst s0  }
0x9: {  	[smem:$0x3FA0] =	sst s1  }
0xa: {  	[smem:$0x3FA1] =	sst s2  }
0xb: {  	[smem:$0x3FA2] =	sst s3  }
0xc: {  	[smem:$0x3FA3] =	sst s4  }
0xd: {  	[smem:$0x3FA4] =	sst s5  }
0xe: {  	[smem:$0x3FA5] =	sst s6  }
0xf: {  	[smem:$0x3FA6] =	sst s7  }
0x10: {  	[smem:$0x3FA7] =	sst s8  }
0x11: {  	[smem:$0x3FA8] =	sst s9;
	s0 =	simm.s32 @!p0 $0x0  }
0x12: {  	s1 =	sld [smem:$0x3F8E];
	s0 =	simm.s32 @p0 $0x1  }
0x13: {  	[smem:$0x3FA9] =	sst s0;
	s0 =	simm.s32 @!p1 $0x0  }
0x14: {  	s2 =	sld [smem:$0x3F8D];
	s0 =	simm.s32 @p1 $0x1  }
0x15: {  	[smem:$0x3FAA] =	sst s0;
	s0 =	simm.s32 @!p2 $0x0  }
0x16: {  	s3 =	sld [smem:$0x3FDB];
	s0 =	simm.s32 @p2 $0x1  }
0x17: {  	s4 =	simm.s32 $0x1BF5;
	[smem:$0x3FAC] =	sst s0  }
0x18: {  	s0 =	sld [smem:$0x3F8F];
	_ =	swait.ge [sflag:s4], $0x0  }
0x19: {  	s7 =	sld [smem:$0x3F90]  }
0x1a: {  	s8 =	sadd.s32 $0xFFFFE003, lr  }
0x1b: {  	s9 =	sadd.s32 $0xFFFFFEF7, lr;
	s5 =	simm.s32 $0xFFFFFFFF;
	p2 =	slt.u32 s8, $0xFFFFF086  }
0x1c: {  	p1 =	slt.u32 s9, $0xF7A;
	s5 =	simm.s32 @!p2 $0x0  }
0x1d: {  	s5 =	simm.s32 @p1 $0x1;
	p0 =	seq.s32 s7, s2  }
0x1e: {  	s7 =	smul.u32 @!p0 $0xF7A, s2;
	p2 =	seq.s32 @!p0 s5, $0x0  }
0x1f: {  	s9 =	smul.u32 $0xF7A, s1;
	s8 =	simm.s32 @!p0 $0x1BF5;
	p2 =	por !p2, p0  }
0x20: {  	[sflag:s8] =	ssyncset.s32 @!p0 $0xFFFFF086;
	s6 =	sadd.s32 @!p0 s3, s7;
	s7 =	simm.s32 @!p0 $0x108  }
0x21: {  	s3 =	sadd.s32 s3, s9;
	s6 =	sadd.s32 @!p0 $0x88, s6;
	s7 =	simm.s32 @p2 $0x1082  }
0x22: {  	[simem:s7], [sflag:s8] =	dma.local @!p0 [hbm:s6], $0xF7A  }
0x23: {  	s9 =	sor.u32 $0xD0000000, s2;
	s6 =	simm.s32 $0x108;
	_ =	swait.ge @!p0 [sflag:s8], $0x0  }
0x24: {  	s3 =	sadd.s32 $0x88, s3;
	s6 =	simm.s32 @!p1 $0x1082;
	[sflag:s4] =	ssyncset.s32 $0xFFFFF086  }
0x25: {  	[simem:s6], [sflag:s4] =	dma.local [hbm:s3], $0xF7A  }
0x26: {  	[smem:$0x3F90] =	sst s1;
	(tag) =	ssettag s2;
	_ =	strace s9  }
0x27: {  	s1 =	sld [smem:$0x3FA0]  }
0x28: {  	s2 =	sld [smem:$0x3FA1]  }
0x29: {  	s4 =	sld [smem:$0x3FA3]  }
0x2a: {  	p0 =	seq.s32 s5, $0x0;
	s5 =	sld [smem:$0x3FA4]  }
0x2b: {  	s6 =	sld [smem:$0x3FA5]  }
0x2c: {  	s7 =	sld [smem:$0x3FA6]  }
0x2d: {  	s3 =	simm.s32 $0x108;
	s8 =	sld [smem:$0x3FA7]  }
0x2e: {  	s3 =	simm.s32 @!p0 $0x1082;
	s9 =	sld [smem:$0x3FA8]  }
0x2f: {  	lr =	sadd.s32 s0, s3;
	s0 =	sld [smem:$0x3F9F]  }
0x30: {  	s3 =	sld [smem:$0x3FA2]  }
0x31: {  	[smem:$0x3FAB] =	sst s10  }
0x32: {  	s10 =	sld [smem:$0x3FA9];
	_ =	sdelay $0x3  }
0x33: {  	p0 =	seq.s32 s10, $0x1;
	s10 =	sld [smem:$0x3FAB];
	_ =	sdelay $0x3  }
0x34: {  	[smem:$0x3FAB] =	sst s10  }
0x35: {  	s10 =	sld [smem:$0x3FAA];
	_ =	sdelay $0x3  }
0x36: {  	p1 =	seq.s32 s10, $0x1;
	s10 =	sld [smem:$0x3FAB];
	_ =	sdelay $0x3  }
0x37: {  	[smem:$0x3FAB] =	sst s10  }
0x38: {  	s10 =	sld [smem:$0x3FAC]  }
0x39: {  	_ = 	snop;
	(pc) =	sbr.ind lr, $3  }
0x3a: {  	_ = 	snop  }
0x3b: {  	_ = 	snop  }
0x3c: {  	p2 =	seq.s32 s10, $0x1;
	s10 =	sld [smem:$0x3FAB]  }
0x3d: {  	_ =	shalt  }
0x3e: {  	_ =	shalt  }
0x3f: {  	_ =	shalt  }
0x40: {  	_ =	shalt  }
0x41: {  	_ =	shalt  }
0x42: {  	_ =	shalt  }
0x43: {  	_ =	shalt  }
0x44: {  	_ =	shalt  }
0x45: {  	_ =	shalt  }
0x46: {  	_ =	shalt  }
0x47: {  	_ =	shalt  }
0x48: {  	_ =	shalt  }
0x49: {  	_ =	shalt  }
0x4a: {  	_ =	shalt  }
0x4b: {  	_ =	shalt  }
0x4c: {  	_ =	shalt  }
0x4d: {  	_ =	shalt  }
0x4e: {  	_ =	shalt  }
0x4f: {  	_ =	shalt  }
0x50: {  	_ =	shalt  }
0x51: {  	_ =	shalt  }
0x52: {  	_ =	shalt  }
0x53: {  	_ =	shalt  }
0x54: {  	_ =	shalt  }
0x55: {  	_ =	shalt  }
0x56: {  	_ =	shalt  }
0x57: {  	_ =	shalt  }
0x58: {  	_ =	shalt  }
0x59: {  	_ =	shalt  }
0x5a: {  	_ =	shalt  }
0x5b: {  	_ =	shalt  }
0x5c: {  	_ =	shalt  }
0x5d: {  	_ =	shalt  }
0x5e: {  	_ =	shalt  }
0x5f: {  	_ =	shalt  }
0x60: {  	_ =	shalt  }
0x61: {  	_ =	shalt  }
0x62: {  	_ =	shalt  }
0x63: {  	_ =	shalt  }
0x64: {  	_ =	shalt  }
0x65: {  	_ =	shalt  }
0x66: {  	_ =	shalt  }
0x67: {  	_ =	shalt  }
0x68: {  	_ =	shalt  }
0x69: {  	_ =	shalt  }
0x6a: {  	_ =	shalt  }
0x6b: {  	_ =	shalt  }
0x6c: {  	_ =	shalt  }
0x6d: {  	_ =	shalt  }
0x6e: {  	_ =	shalt  }
0x6f: {  	_ =	shalt  }
0x70: {  	_ =	shalt  }
0x71: {  	_ =	shalt  }
0x72: {  	_ =	shalt  }
0x73: {  	_ =	shalt  }
0x74: {  	_ =	shalt  }
0x75: {  	_ =	shalt  }
0x76: {  	_ =	shalt  }
0x77: {  	_ =	shalt  }
0x78: {  	_ =	shalt  }
0x79: {  	_ =	shalt  }
0x7a: {  	_ =	shalt  }
0x7b: {  	_ =	shalt  }
0x7c: {  	_ =	shalt  }
0x7d: {  	_ =	shalt  }
0x7e: {  	_ =	shalt  }
0x7f: {  	_ =	shalt  }
0x80: {  	_ =	shalt  }
0x81: {  	_ =	shalt  }
0x82: {  	_ =	shalt  }
0x83: {  	_ =	shalt  }
0x84: {  	_ =	shalt  }
0x85: {  	_ =	shalt  }
0x86: {  	_ =	shalt  }
0x87: {  	_ =	shalt  }
.Lfunc_end0:
.L_simem_size_0:
called_computation.2_lowered:
.L_overlay_start_0:
0x88: {  	s2 =	sld [smem:$0x3FD9]  }
0x89: {  	s3 =	sld [smem:$0x3FFE];
	_ =	sdelay $0x1  }
0x8a: {  	s1 =	srdreg.scid  }
0x8b: {  	s0 =	sand.u32 $0x1, s1  }
0x8c: {  	s16 =	sshll.u32 s0, $0xA;
	s2 =	sadd.s32 s3, s2  }
0x8d: {  	s2 =	sadd.s32 s2, s16  }
0x8e: {  	[smem:$0x3FB7] =	sst s2  }
0x8f: {  	_ = 	snop  }
0x90: {  	(tm) =	ssettm $0x1  }
0x91: {  	s17 =	sld [smem:$0x3FFB];
	_ =	sdelay $0x3  }
0x92: {  	_ =	strace s17  }
0x93: {  	s2 =	sld [smem:$0x3FFC];
	_ =	sdelay $0x3  }
0x94: {  	_ =	strace s2  }
0x95: {  	s2 =	sld [smem:$0x3FFD];
	_ =	sdelay $0x3  }
0x96: {  	_ =	strace s2  }
0x97: {  	_ =	strace $0x8FFFFFFF  }
0x98: {  	s18 =	sld [smem:$0x3FDB];
	_ =	sdelay $0x1  }
0x99: {  	s19 =	simm.s32 $_scs_section_size  }
0x9a: {  	s4 =	simm.s32 $_size__tile_overlayer_lowered;
	s5 =	simm.s32 $_tile_overlayer_lowered  }
0x9b: {  	s22 =	simm.s32 $0x1BFF;
	s21 =	sshll.u32 s5, $0x1;
	s2 =	sadd.s32 s19, s18  }
0x9c: {  	s6 =	simm.s32 $0x0;
	s20 =	sshll.u32 s4, $0x1;
	s4 =	sadd.s32 s21, s2  }
0x9d: {  	[timem:s6], [sflag:s22] =	dma.local [hbm:s4], s20  }
0x9e: {  	_ =	swait.ge [sflag:s22], s20  }
0x9f: {  	s3 =	ssub.s32 $0x0, s20;
	[sflag:s22] =	ssyncset.done $0x0  }
0xa0: {  	[sflag:s22] =	ssyncadd.s32 s3;
	_ =	sdelay $0x1  }
0xa1: {  	s23 =	simm.s32 $0x1B8B  }
0xa2: {  	_ =	swait.ge [sflag:s23], $0x1  }
0xa3: {  	[sflag:s23] =	ssyncset.done $0x0  }
0xa4: {  	s25 =	simm.s32 $0x1B8E;
	s24 =	sld [smem:$0x3FFE];
	[sflag:s23] =	ssyncadd.s32 $0xFFFFFFFF  }
0xa5: {  	s26 =	simm.s32 $execute0_lowered;
	[smem:$0x3FD2] =	sst s25  }
0xa6: {  	s4 =	sshll.u32 s26, $0x1;
	_ =	strace $0x8000004C;
	[dreg:$0x1] =	wrdreg $0xFFFFFFFF  }
0xa7: {  	s28 =	simm.s32 $_size_execute0_lowered;
	s2 =	sadd.s32 s2, s4;
	[dreg:$0x0] =	wrdreg $0x0  }
0xa8: {  	s4 =	sshll.u32 s28, $0x1;
	[dreg:$0x2] =	wrdreg s2  }
0xa9: {  	[dreg:$0x3] =	wrdreg s4  }
0xaa: {  	[dreg:$0x4] =	wrdreg $0xC0  }
0xab: {  	_ =	task [dreg:s6], $0x5FFFF  }
0xac: {  	[dreg:$0x1] =	wrdreg $0xFFFFFFFF  }
0xad: {  	[dreg:$0x0] =	wrdreg $0x60  }
0xae: {  	[dreg:$0x2] =	wrdreg s24  }
0xaf: {  	[dreg:$0x3] =	wrdreg $0x90000  }
0xb0: {  	[dreg:$0x4] =	wrdreg $0x9  }
0xb1: {  	_ =	task.clear_ibuf [dreg:s6], $0x5FFFF;
	_ =	strace $0x9000004C  }
0xb2: {  	s29 =	simm.s32 $0x9;
	_ =	strace $0x8000004E  }
0xb3: {  	_ =	swait.ge [sflag:s29], $0x1  }
0xb4: {  	[sflag:s29] =	ssyncadd.s32 $0xFFFFFFFF  }
0xb5: {  	_ =	strace $0x9000004E  }
0xb6: {  	_ =	sfence  }
0xb7: {  	s30 =	sld [smem:$0x0];
	_ =	sdelay $0x2  }
0xb8: {  	s31 =	sshll.u32 s1, $0xD;
	s1 =	sshrl.u32 s1, $0x2  }
0xb9: {  	s3 =	sand.u32 $0x4000, s31;
	s1 =	sadd.s32 s1, s30  }
0xba: {  	s0 =	sor.u32 s3, s0;
	s1 =	sshll.u32 s1, $0x11  }
0xbb: {  	s0 =	sor.u32 s1, s0  }
0xbc: {  	s0 =	sadd.s32 $0x8F2B, s0  }
0xbd: {  	[sflag:s0] =	ssyncadd.remote.s32 $0x1  }
0xbe: {  	_ =	sfence.sel $0xFFFF  }
0xbf: {  	[dreg:$0x0] =	wrdreg $0xFFFFFFFF;
	(pc) =	sbr.abs _section_cstart, $3  }
0xc0: {  	[dreg:$0x1] =	wrdreg $0xFFFFFFFF  }
0xc1: {  	_ =	task.clear_ibuf [dreg:s6], $0x2FFFF;
	_ =	strace $0x9FFFFFFF  }
0xc2: {  	(tm) =	ssettm $0x7FFFFFFF  }
0xc3: {  	_ =	shalt  }
tec
execute0_lowered:
.L_overlay_start_1:
0x0: {  	(tag) =	ssettag $0x1  }
0x1: {  	s5 =	rddreg [dreg:$0x0]  }
0x2: {  	s0 =	srdreg.scid;
	s2 =	rddreg [dreg:$0x1]  }
0x3: {  	s1 =	stileid.u32;
	s3 =	simm.s32 $0x0;
	s13 =	simm.s32 $0x80  }
0x4: {  	s14 =	simm.s32 $0x5000;
	s6 =	sand.u32 $0x1, s0;
	s0 =	rddreg [dreg:$0x2]  }
0x5: {  	s15 =	simm.s32 $0x1;
	s16 =	smul.u32 $0x2780, s1;
	[smem:$0x7FF] =	sst s3  }
0x6: {  	s10 =	smul.u32 $0x4F000, s1;
	s31 =	sshll.u32 s1, $0x6;
	s4 =	sshll.u32 s6, $0x4  }
0x7: {  	_ =	strace $0x8000004D;
	s8 =	smul.u32 $0x27800, s6;
	s6 =	ssub.s32 $0x2, s6  }
0x8: {  	s4 =	sor.u32 s1, s4;
	s9 =	sadd.s32 s16, s5;
	s30 =	sshrl.u32 s6, $0x1  }
0x9: {  	s10 =	sshrl.u32 s10, $0x2;
	s7 =	smul.u32 $0x500, s4;
	s4 =	sadd.s32 $0xEE00, s5  }
0xa: {  	s8 =	sadd.s32 s8, s5;
	s11 =	ssub.s32 s6, s30;
	s12 =	sadd.s32 s10, s2  }
0xb: {  	s10 =	simm.s32 $0x2800;
	s17 =	sadd.s32 $0x67E00, s8;
	s8 =	smax.u32 s11, $0x1  }
0xc: {  	s11 =	sor.u32 $0x1C02, s31;
	s12 =	sshrl.u32 s12, $0x3;
	s7 =	sadd.s32 s7, s5  }
0xd: {  	s16 =	sadd.s32 s16, s17;
	s17 =	simm.s32 $0x0;
	s5 =	sadd.s32 $0x5DE00, s7  }
0xe: {  	s6 =	sadd.s32 $0x4E00, s7;
	s7 =	sadd.s32 $0x36600, s9;
	s9 =	simm.s32 $0x2  }
.LBB2_1:
0xf: {  	[tilespmem:s3], [sflag:$0x2] =	stream.linear.gather [hbm4b:s5+s3], $0x2780, $0x38;
	[tilespmem:$0x1CC00] =	vst v63  }
0x10: {  	_ =	swait.ge [sflag:s9], $0x2780  }
0x11: {  	[sflag:s9] =	ssyncset.done $0x0  }
0x12: {  	[sflag:s9] =	ssyncadd.s32 $0xFFFFD880  }
0x13: {  	[tilespmem:s10], [sflag:$0x2] =	stream.linear.gather [hbm4b:s6+s3], $0x2780, $0x38;
	[tilespmem:$0x1CC00] =	vst v63  }
0x14: {  	_ =	swait.ge [sflag:s9], $0x2780  }
0x15: {  	[sflag:s9] =	ssyncset.done $0x0  }
0x16: {  	[sflag:s9] =	ssyncadd.s32 $0xFFFFD880  }
0x17: {  	[spmem:s12], [sflag:s11] =	dma.local [hbm:s7], $0x2780  }
0x18: {  	_ =	swait.ge [sflag:s9], $0x2780  }
0x19: {  	[sflag:s9] =	ssyncset.done $0x0  }
0x1a: {  	[sflag:s9] =	ssyncadd.s32 $0xFFFFD880  }
0x1b: {  	s18 =	simm.s32 $0x0;
	[bflag:$0x0] =	sbarrier.arrive $0xFFFF  }
0x1c: {  	[tilespmem:s14], [sflag:$0x1] =	stream.indirect.gather [hbm4b:s4+s13], $0x80, s18, s13, $0xb8;
	[tilespmem:$0x1CC00] =	vst v63  }
0x1d: {  	_ =	swait.ge [sflag:s15], $0x4000  }
0x1e: {  	[sflag:s15] =	ssyncset.done $0x0  }
0x1f: {  	s31 =	simm.s32 $0x2800;
	[sflag:s15] =	ssyncadd.s32 $0xFFFFC000  }
0x20: {  	[spmem:s2] =	stream.indirect.scatter.add.f32 [tilespmem:s14], [sflag:$0x2], $0x80, s31, s13, $0xb8;
	[tilespmem:$0x1CC00] =	vst v63  }
0x21: {  	_ =	swait.ge [sflag:s9], $0x4000  }
0x22: {  	s19 =	simm.s32 $0x400;
	s18 =	simm.s32 $0x200;
	[sflag:s9] =	ssyncset.done $0x0  }
.LBB2_2:
0x23: {  	s20 =	sshra.s32 s18, $0x2  }
0x24: {  	[sflag:s9] =	ssyncadd.s32 $0xFFFFC000;
	s18 =	smov.u32 s19;
	s21 =	sadd.s32 $0x200, s19  }
0x25: {  	[tilespmem:s14], [sflag:$0x1] =	stream.indirect.gather [hbm4b:s4+s13], $0x80, s20, s13, $0xb8;
	[tilespmem:$0x1CC00] =	vst v63  }
0x26: {  	p0 =	sne.s32 s19, $0x9C00;
	_ =	swait.ge [sflag:s15], $0x4000  }
.Ltmp0:
0x27: {  	[sflag:s15] =	ssyncset.done $0x0;
	(pc) =	sbr.rel @p0 .LBB2_2-.Ltmp0, $4  }
0x28: {  	s19 =	sadd.s32 $0x2800, s20;
	[sflag:s15] =	ssyncadd.s32 $0xFFFFC000  }
0x29: {  	[spmem:s2] =	stream.indirect.scatter.add.f32 [tilespmem:s14], [sflag:$0x2], $0x80, s19, s13, $0xb8;
	[tilespmem:$0x1CC00] =	vst v63  }
0x2a: {  	_ =	swait.ge [sflag:s9], $0x4000  }
0x2b: {  	s19 =	smov.u32 s21;
	[sflag:s9] =	ssyncset.done $0x0  }
0x2c: {  	s18 =	sshra.s32 s18, $0x2;
	[sflag:s9] =	ssyncadd.s32 $0xFFFFC000  }
0x2d: {  	[tilespmem:s14], [sflag:$0x1] =	stream.indirect.gather [hbm4b:s4+s13], $0x80, s18, s13, $0xb8;
	[tilespmem:$0x1CC00] =	vst v63  }
0x2e: {  	_ =	swait.ge [sflag:s15], $0x4000  }
0x2f: {  	[sflag:s15] =	ssyncset.done $0x0  }
0x30: {  	s18 =	sadd.s32 $0x2800, s18;
	[sflag:s15] =	ssyncadd.s32 $0xFFFFC000  }
0x31: {  	[spmem:s2] =	stream.indirect.scatter.add.f32 [tilespmem:s14], [sflag:$0x2], $0x80, s18, s13, $0xb8;
	[tilespmem:$0x1CC00] =	vst v63  }
0x32: {  	_ =	swait.ge [sflag:s9], $0x4000  }
0x33: {  	[sflag:s9] =	ssyncset.done $0x0  }
0x34: {  	s17 =	sadd.s32 $0x1, s17;
	[sflag:s9] =	ssyncadd.s32 $0xFFFFC000  }
0x35: {  	p0 =	sne.s32 s17, s8;
	[bflag:$0x0] =	sbarrier.arrive $0xFFFF  }
0x36: {  	[hbm:s16], [sflag:s11] =	dma.local [spmem:s12], $0x2780  }
.Ltmp1:
0x37: {  	_ =	swait.ge [sflag:s9], $0x2780;
	(pc) =	sbr.rel @p0 .LBB2_1-.Ltmp1, $3  }
0x38: {  	[sflag:s9] =	ssyncset.done $0x0  }
0x39: {  	[sflag:s9] =	ssyncadd.s32 $0xFFFFD880  }
0x3a: {  	[bflag:$0x0] =	sbarrier.arrive $0xFFFF;
	_ =	sdelay $0x1  }
0x3b: {  	_ =	sfence.sel $0x180000  }
0x3c: {  	[bflag:$0x0] =	sbarrier.arrive $0xFFFF  }
0x3d: {  	p0 =	sne.s32 s1, $0x0;
	_ =	strace $0x9000004D  }
0x3e: {  	s0 =	sadd.s32 @!p0 $0x100000, s0;
	[bflag:$0x2] =	sbarrier.arrive $0xFFFF  }
0x3f: {  	[sflag:s0] =	ssyncadd.tile.s32 @!p0 $0x1;
	_ =	shalt  }
.Lfunc_end2:
_tile_overlayer_lowered:
.L_overlay_start_2:
0x40: {  	(tag) =	ssettag $0x2  }
0x41: {  	s0 =	rddreg [dreg:$0x0];
	s2 =	stileid.u32  }
0x42: {  	s1 =	rddreg [dreg:$0x1];
	p0 =	sne.s32 s2, $0x0  }
0x43: {  	s3 =	rddreg [dreg:$0x2];
	[bflag:$0x3] =	sbarrier.arrive $0xFFFF;
	s2 =	simm.s32 @!p0 $0x1C02  }
0x44: {  	[timem:s3], [sflag:s2] =	dma.local @!p0 [hbm:s0], s1  }
0x45: {  	s0 =	simm.s32 @!p0 $0x2  }
0x46: {  	_ =	swait.ge @!p0 [sflag:s0], s1  }
0x47: {  	s1 =	ssub.s32 @!p0 $0x0, s1;
	[sflag:s0] =	ssyncset.done @!p0 $0x0  }
0x48: {  	[sflag:s0] =	ssyncadd.s32 @!p0 s1  }
0x49: {  	[bflag:$0x3] =	sbarrier.arrive $0xFFFF  }
0x4a: {  	_ =	shalt  }

// kernel: kernel.23.cloned.1.call-start
scs
__scs_entry_jumppad:
0x0: {  	(pc) =	sbr.rel $0x88, $3  }
0x1: {  	(tag) =	ssettag $0x0;
	lr =	simm.s32 $0x1  }
0x2: {  	[smem:$0x3F90] =	sst lr;
	_ =	strace $0xD0000000  }
0x3: {  	_ = 	snop  }
0x4: {  	_ = 	snop  }
0x5: {  	_ = 	snop  }
0x6: {  	_ = 	snop  }
0x7: {  	_ = 	snop  }
__scs_overlays_trampoline_lowered:
0x8: {  	[smem:$0x3F9F] =	sst s0  }
0x9: {  	[smem:$0x3FA0] =	sst s1  }
0xa: {  	[smem:$0x3FA1] =	sst s2  }
0xb: {  	[smem:$0x3FA2] =	sst s3  }
0xc: {  	[smem:$0x3FA3] =	sst s4  }
0xd: {  	[smem:$0x3FA4] =	sst s5  }
0xe: {  	[smem:$0x3FA5] =	sst s6  }
0xf: {  	[smem:$0x3FA6] =	sst s7  }
0x10: {  	[smem:$0x3FA7] =	sst s8  }
0x11: {  	[smem:$0x3FA8] =	sst s9;
	s0 =	simm.s32 @!p0 $0x0  }
0x12: {  	s1 =	sld [smem:$0x3F8E];
	s0 =	simm.s32 @p0 $0x1  }
0x13: {  	[smem:$0x3FA9] =	sst s0;
	s0 =	simm.s32 @!p1 $0x0  }
0x14: {  	s2 =	sld [smem:$0x3F8D];
	s0 =	simm.s32 @p1 $0x1  }
0x15: {  	[smem:$0x3FAA] =	sst s0;
	s0 =	simm.s32 @!p2 $0x0  }
0x16: {  	s3 =	sld [smem:$0x3FDB];
	s0 =	simm.s32 @p2 $0x1  }
0x17: {  	s4 =	simm.s32 $0x1BF5;
	[smem:$0x3FAC] =	sst s0  }
0x18: {  	s0 =	sld [smem:$0x3F8F];
	_ =	swait.ge [sflag:s4], $0x0  }
0x19: {  	s7 =	sld [smem:$0x3F90]  }
0x1a: {  	s8 =	sadd.s32 $0xFFFFE003, lr  }
0x1b: {  	s9 =	sadd.s32 $0xFFFFFEF7, lr;
	s5 =	simm.s32 $0xFFFFFFFF;
	p2 =	slt.u32 s8, $0xFFFFF086  }
0x1c: {  	p1 =	slt.u32 s9, $0xF7A;
	s5 =	simm.s32 @!p2 $0x0  }
0x1d: {  	s5 =	simm.s32 @p1 $0x1;
	p0 =	seq.s32 s7, s2  }
0x1e: {  	s7 =	smul.u32 @!p0 $0xF7A, s2;
	p2 =	seq.s32 @!p0 s5, $0x0  }
0x1f: {  	s9 =	smul.u32 $0xF7A, s1;
	s8 =	simm.s32 @!p0 $0x1BF5;
	p2 =	por !p2, p0  }
0x20: {  	[sflag:s8] =	ssyncset.s32 @!p0 $0xFFFFF086;
	s6 =	sadd.s32 @!p0 s3, s7;
	s7 =	simm.s32 @!p0 $0x108  }
0x21: {  	s3 =	sadd.s32 s3, s9;
	s6 =	sadd.s32 @!p0 $0x88, s6;
	s7 =	simm.s32 @p2 $0x1082  }
0x22: {  	[simem:s7], [sflag:s8] =	dma.local @!p0 [hbm:s6], $0xF7A  }
0x23: {  	s9 =	sor.u32 $0xD0000000, s2;
	s6 =	simm.s32 $0x108;
	_ =	swait.ge @!p0 [sflag:s8], $0x0  }
0x24: {  	s3 =	sadd.s32 $0x88, s3;
	s6 =	simm.s32 @!p1 $0x1082;
	[sflag:s4] =	ssyncset.s32 $0xFFFFF086  }
0x25: {  	[simem:s6], [sflag:s4] =	dma.local [hbm:s3], $0xF7A  }
0x26: {  	[smem:$0x3F90] =	sst s1;
	(tag) =	ssettag s2;
	_ =	strace s9  }
0x27: {  	s1 =	sld [smem:$0x3FA0]  }
0x28: {  	s2 =	sld [smem:$0x3FA1]  }
0x29: {  	s4 =	sld [smem:$0x3FA3]  }
0x2a: {  	p0 =	seq.s32 s5, $0x0;
	s5 =	sld [smem:$0x3FA4]  }
0x2b: {  	s6 =	sld [smem:$0x3FA5]  }
0x2c: {  	s7 =	sld [smem:$0x3FA6]  }
0x2d: {  	s3 =	simm.s32 $0x108;
	s8 =	sld [smem:$0x3FA7]  }
0x2e: {  	s3 =	simm.s32 @!p0 $0x1082;
	s9 =	sld [smem:$0x3FA8]  }
0x2f: {  	lr =	sadd.s32 s0, s3;
	s0 =	sld [smem:$0x3F9F]  }
0x30: {  	s3 =	sld [smem:$0x3FA2]  }
0x31: {  	[smem:$0x3FAB] =	sst s10  }
0x32: {  	s10 =	sld [smem:$0x3FA9];
	_ =	sdelay $0x3  }
0x33: {  	p0 =	seq.s32 s10, $0x1;
	s10 =	sld [smem:$0x3FAB];
	_ =	sdelay $0x3  }
0x34: {  	[smem:$0x3FAB] =	sst s10  }
0x35: {  	s10 =	sld [smem:$0x3FAA];
	_ =	sdelay $0x3  }
0x36: {  	p1 =	seq.s32 s10, $0x1;
	s10 =	sld [smem:$0x3FAB];
	_ =	sdelay $0x3  }
0x37: {  	[smem:$0x3FAB] =	sst s10  }
0x38: {  	s10 =	sld [smem:$0x3FAC]  }
0x39: {  	_ = 	snop;
	(pc) =	sbr.ind lr, $3  }
0x3a: {  	_ = 	snop  }
0x3b: {  	_ = 	snop  }
0x3c: {  	p2 =	seq.s32 s10, $0x1;
	s10 =	sld [smem:$0x3FAB]  }
0x3d: {  	_ =	shalt  }
0x3e: {  	_ =	shalt  }
0x3f: {  	_ =	shalt  }
0x40: {  	_ =	shalt  }
0x41: {  	_ =	shalt  }
0x42: {  	_ =	shalt  }
0x43: {  	_ =	shalt  }
0x44: {  	_ =	shalt  }
0x45: {  	_ =	shalt  }
0x46: {  	_ =	shalt  }
0x47: {  	_ =	shalt  }
0x48: {  	_ =	shalt  }
0x49: {  	_ =	shalt  }
0x4a: {  	_ =	shalt  }
0x4b: {  	_ =	shalt  }
0x4c: {  	_ =	shalt  }
0x4d: {  	_ =	shalt  }
0x4e: {  	_ =	shalt  }
0x4f: {  	_ =	shalt  }
0x50: {  	_ =	shalt  }
0x51: {  	_ =	shalt  }
0x52: {  	_ =	shalt  }
0x53: {  	_ =	shalt  }
0x54: {  	_ =	shalt  }
0x55: {  	_ =	shalt  }
0x56: {  	_ =	shalt  }
0x57: {  	_ =	shalt  }
0x58: {  	_ =	shalt  }
0x59: {  	_ =	shalt  }
0x5a: {  	_ =	shalt  }
0x5b: {  	_ =	shalt  }
0x5c: {  	_ =	shalt  }
0x5d: {  	_ =	shalt  }
0x5e: {  	_ =	shalt  }
0x5f: {  	_ =	shalt  }
0x60: {  	_ =	shalt  }
0x61: {  	_ =	shalt  }
0x62: {  	_ =	shalt  }
0x63: {  	_ =	shalt  }
0x64: {  	_ =	shalt  }
0x65: {  	_ =	shalt  }
0x66: {  	_ =	shalt  }
0x67: {  	_ =	shalt  }
0x68: {  	_ =	shalt  }
0x69: {  	_ =	shalt  }
0x6a: {  	_ =	shalt  }
0x6b: {  	_ =	shalt  }
0x6c: {  	_ =	shalt  }
0x6d: {  	_ =	shalt  }
0x6e: {  	_ =	shalt  }
0x6f: {  	_ =	shalt  }
0x70: {  	_ =	shalt  }
0x71: {  	_ =	shalt  }
0x72: {  	_ =	shalt  }
0x73: {  	_ =	shalt  }
0x74: {  	_ =	shalt  }
0x75: {  	_ =	shalt  }
0x76: {  	_ =	shalt  }
0x77: {  	_ =	shalt  }
0x78: {  	_ =	shalt  }
0x79: {  	_ =	shalt  }
0x7a: {  	_ =	shalt  }
0x7b: {  	_ =	shalt  }
0x7c: {  	_ =	shalt  }
0x7d: {  	_ =	shalt  }
0x7e: {  	_ =	shalt  }
0x7f: {  	_ =	shalt  }
0x80: {  	_ =	shalt  }
0x81: {  	_ =	shalt  }
0x82: {  	_ =	shalt  }
0x83: {  	_ =	shalt  }
0x84: {  	_ =	shalt  }
0x85: {  	_ =	shalt  }
0x86: {  	_ =	shalt  }
0x87: {  	_ =	shalt  }
.Lfunc_end0:
.L_simem_size_0:
called_computation.3_lowered:
.L_overlay_start_0:
0x88: {  	s2 =	sld [smem:$0x3FD9]  }
0x89: {  	s3 =	sld [smem:$0x3FFE];
	_ =	sdelay $0x1  }
0x8a: {  	s1 =	srdreg.scid  }
0x8b: {  	s0 =	sand.u32 $0x1, s1  }
0x8c: {  	s16 =	sshll.u32 s0, $0xA;
	s2 =	sadd.s32 s3, s2  }
0x8d: {  	s2 =	sadd.s32 s2, s16  }
0x8e: {  	[smem:$0x3FB7] =	sst s2  }
0x8f: {  	_ = 	snop  }
0x90: {  	(tm) =	ssettm $0x1  }
0x91: {  	s17 =	sld [smem:$0x3FFB];
	_ =	sdelay $0x3  }
0x92: {  	_ =	strace s17  }
0x93: {  	s2 =	sld [smem:$0x3FFC];
	_ =	sdelay $0x3  }
0x94: {  	_ =	strace s2  }
0x95: {  	s2 =	sld [smem:$0x3FFD];
	_ =	sdelay $0x3  }
0x96: {  	_ =	strace s2  }
0x97: {  	_ =	strace $0x8FFFFFFF  }
0x98: {  	s18 =	sld [smem:$0x3FDB];
	_ =	sdelay $0x1  }
0x99: {  	s19 =	simm.s32 $_scs_section_size  }
0x9a: {  	s4 =	simm.s32 $_size__tile_overlayer_lowered;
	s5 =	simm.s32 $_tile_overlayer_lowered  }
0x9b: {  	s22 =	simm.s32 $0x1BFF;
	s21 =	sshll.u32 s5, $0x1;
	s2 =	sadd.s32 s19, s18  }
0x9c: {  	s6 =	simm.s32 $0x0;
	s20 =	sshll.u32 s4, $0x1;
	s4 =	sadd.s32 s21, s2  }
0x9d: {  	[timem:s6], [sflag:s22] =	dma.local [hbm:s4], s20  }
0x9e: {  	_ =	swait.ge [sflag:s22], s20  }
0x9f: {  	s3 =	ssub.s32 $0x0, s20;
	[sflag:s22] =	ssyncset.done $0x0  }
0xa0: {  	[sflag:s22] =	ssyncadd.s32 s3;
	_ =	sdelay $0x1  }
0xa1: {  	s23 =	simm.s32 $0x1B8B  }
0xa2: {  	_ =	swait.ge [sflag:s23], $0x1  }
0xa3: {  	[sflag:s23] =	ssyncset.done $0x0  }
0xa4: {  	s25 =	simm.s32 $0x1B8E;
	s24 =	sld [smem:$0x3FFE];
	[sflag:s23] =	ssyncadd.s32 $0xFFFFFFFF  }
0xa5: {  	s26 =	simm.s32 $execute0_lowered;
	[smem:$0x3FD2] =	sst s25  }
0xa6: {  	s4 =	sshll.u32 s26, $0x1;
	_ =	strace $0x8000004F;
	[dreg:$0x1] =	wrdreg $0xFFFFFFFF  }
0xa7: {  	s28 =	simm.s32 $_size_execute0_lowered;
	s2 =	sadd.s32 s2, s4;
	[dreg:$0x0] =	wrdreg $0x0  }
0xa8: {  	s4 =	sshll.u32 s28, $0x1;
	[dreg:$0x2] =	wrdreg s2  }
0xa9: {  	[dreg:$0x3] =	wrdreg s4  }
0xaa: {  	[dreg:$0x4] =	wrdreg $0xC0  }
0xab: {  	_ =	task [dreg:s6], $0x5FFFF  }
0xac: {  	[dreg:$0x1] =	wrdreg $0xFFFFFFFF  }
0xad: {  	[dreg:$0x0] =	wrdreg $0x60  }
0xae: {  	[dreg:$0x2] =	wrdreg s24  }
0xaf: {  	[dreg:$0x3] =	wrdreg $0x90000  }
0xb0: {  	[dreg:$0x4] =	wrdreg $0x9  }
0xb1: {  	_ =	task.clear_ibuf [dreg:s6], $0x5FFFF;
	_ =	strace $0x9000004F  }
0xb2: {  	s29 =	simm.s32 $0x9;
	_ =	strace $0x80000051  }
0xb3: {  	_ =	swait.ge [sflag:s29], $0x1  }
0xb4: {  	[sflag:s29] =	ssyncadd.s32 $0xFFFFFFFF  }
0xb5: {  	_ =	strace $0x90000051  }
0xb6: {  	_ =	sfence  }
0xb7: {  	s30 =	sld [smem:$0x0];
	_ =	sdelay $0x2  }
0xb8: {  	s31 =	sshll.u32 s1, $0xD;
	s1 =	sshrl.u32 s1, $0x2  }
0xb9: {  	s3 =	sand.u32 $0x4000, s31;
	s1 =	sadd.s32 s1, s30  }
0xba: {  	s0 =	sor.u32 s3, s0;
	s1 =	sshll.u32 s1, $0x11  }
0xbb: {  	s0 =	sor.u32 s1, s0  }
0xbc: {  	s0 =	sadd.s32 $0x8F2B, s0  }
0xbd: {  	[sflag:s0] =	ssyncadd.remote.s32 $0x1  }
0xbe: {  	_ =	sfence.sel $0xFFFF  }
0xbf: {  	[dreg:$0x0] =	wrdreg $0xFFFFFFFF;
	(pc) =	sbr.abs _section_cstart, $3  }
0xc0: {  	[dreg:$0x1] =	wrdreg $0xFFFFFFFF  }
0xc1: {  	_ =	task.clear_ibuf [dreg:s6], $0x2FFFF;
	_ =	strace $0x9FFFFFFF  }
0xc2: {  	(tm) =	ssettm $0x7FFFFFFF  }
0xc3: {  	_ =	shalt  }
tec
execute0_lowered:
.L_overlay_start_1:
0x0: {  	(tag) =	ssettag $0x1  }
0x1: {  	s5 =	rddreg [dreg:$0x0]  }
0x2: {  	s0 =	srdreg.scid;
	s2 =	rddreg [dreg:$0x1]  }
0x3: {  	s1 =	stileid.u32;
	s3 =	simm.s32 $0x0;
	s13 =	simm.s32 $0x80  }
0x4: {  	s14 =	simm.s32 $0x5000;
	s6 =	sand.u32 $0x1, s0;
	s0 =	rddreg [dreg:$0x2]  }
0x5: {  	s15 =	simm.s32 $0x1;
	s16 =	smul.u32 $0x2780, s1;
	[smem:$0x7FF] =	sst s3  }
0x6: {  	s10 =	smul.u32 $0x4F000, s1;
	s31 =	sshll.u32 s1, $0x6;
	s4 =	sshll.u32 s6, $0x4  }
0x7: {  	_ =	strace $0x80000050;
	s8 =	smul.u32 $0x27800, s6;
	s6 =	ssub.s32 $0x2, s6  }
0x8: {  	s4 =	sor.u32 s1, s4;
	s9 =	sadd.s32 s16, s5;
	s30 =	sshrl.u32 s6, $0x1  }
0x9: {  	s10 =	sshrl.u32 s10, $0x2;
	s7 =	smul.u32 $0x500, s4;
	s4 =	sadd.s32 $0xEE00, s5  }
0xa: {  	s8 =	sadd.s32 s8, s5;
	s11 =	ssub.s32 s6, s30;
	s12 =	sadd.s32 s10, s2  }
0xb: {  	s10 =	simm.s32 $0x2800;
	s17 =	sadd.s32 $0x67E00, s8;
	s8 =	smax.u32 s11, $0x1  }
0xc: {  	s11 =	sor.u32 $0x1C02, s31;
	s12 =	sshrl.u32 s12, $0x3;
	s7 =	sadd.s32 s7, s5  }
0xd: {  	s16 =	sadd.s32 s16, s17;
	s17 =	simm.s32 $0x0;
	s5 =	sadd.s32 $0x5DE00, s7  }
0xe: {  	s6 =	sadd.s32 $0x4E00, s7;
	s7 =	sadd.s32 $0x36600, s9;
	s9 =	simm.s32 $0x2  }
.LBB2_1:
0xf: {  	[tilespmem:s3], [sflag:$0x2] =	stream.linear.gather [hbm4b:s5+s3], $0x2780, $0x38;
	[tilespmem:$0x1CC00] =	vst v63  }
0x10: {  	_ =	swait.ge [sflag:s9], $0x2780  }
0x11: {  	[sflag:s9] =	ssyncset.done $0x0  }
0x12: {  	[sflag:s9] =	ssyncadd.s32 $0xFFFFD880  }
0x13: {  	[tilespmem:s10], [sflag:$0x2] =	stream.linear.gather [hbm4b:s6+s3], $0x2780, $0x38;
	[tilespmem:$0x1CC00] =	vst v63  }
0x14: {  	_ =	swait.ge [sflag:s9], $0x2780  }
0x15: {  	[sflag:s9] =	ssyncset.done $0x0  }
0x16: {  	[sflag:s9] =	ssyncadd.s32 $0xFFFFD880  }
0x17: {  	[spmem:s12], [sflag:s11] =	dma.local [hbm:s7], $0x2780  }
0x18: {  	_ =	swait.ge [sflag:s9], $0x2780  }
0x19: {  	[sflag:s9] =	ssyncset.done $0x0  }
0x1a: {  	[sflag:s9] =	ssyncadd.s32 $0xFFFFD880  }
0x1b: {  	s18 =	simm.s32 $0x0;
	[bflag:$0x0] =	sbarrier.arrive $0xFFFF  }
0x1c: {  	[tilespmem:s14], [sflag:$0x1] =	stream.indirect.gather [hbm4b:s4+s13], $0x80, s18, s13, $0xb8;
	[tilespmem:$0x1CC00] =	vst v63  }
0x1d: {  	_ =	swait.ge [sflag:s15], $0x4000  }
0x1e: {  	[sflag:s15] =	ssyncset.done $0x0  }
0x1f: {  	s31 =	simm.s32 $0x2800;
	[sflag:s15] =	ssyncadd.s32 $0xFFFFC000  }
0x20: {  	[spmem:s2] =	stream.indirect.scatter.add.f32 [tilespmem:s14], [sflag:$0x2], $0x80, s31, s13, $0xb8;
	[tilespmem:$0x1CC00] =	vst v63  }
0x21: {  	_ =	swait.ge [sflag:s9], $0x4000  }
0x22: {  	s19 =	simm.s32 $0x400;
	s18 =	simm.s32 $0x200;
	[sflag:s9] =	ssyncset.done $0x0  }
.LBB2_2:
0x23: {  	s20 =	sshra.s32 s18, $0x2  }
0x24: {  	[sflag:s9] =	ssyncadd.s32 $0xFFFFC000;
	s18 =	smov.u32 s19;
	s21 =	sadd.s32 $0x200, s19  }
0x25: {  	[tilespmem:s14], [sflag:$0x1] =	stream.indirect.gather [hbm4b:s4+s13], $0x80, s20, s13, $0xb8;
	[tilespmem:$0x1CC00] =	vst v63  }
0x26: {  	p0 =	sne.s32 s19, $0x9C00;
	_ =	swait.ge [sflag:s15], $0x4000  }
.Ltmp0:
0x27: {  	[sflag:s15] =	ssyncset.done $0x0;
	(pc) =	sbr.rel @p0 .LBB2_2-.Ltmp0, $4  }
0x28: {  	s19 =	sadd.s32 $0x2800, s20;
	[sflag:s15] =	ssyncadd.s32 $0xFFFFC000  }
0x29: {  	[spmem:s2] =	stream.indirect.scatter.add.f32 [tilespmem:s14], [sflag:$0x2], $0x80, s19, s13, $0xb8;
	[tilespmem:$0x1CC00] =	vst v63  }
0x2a: {  	_ =	swait.ge [sflag:s9], $0x4000  }
0x2b: {  	s19 =	smov.u32 s21;
	[sflag:s9] =	ssyncset.done $0x0  }
0x2c: {  	s18 =	sshra.s32 s18, $0x2;
	[sflag:s9] =	ssyncadd.s32 $0xFFFFC000  }
0x2d: {  	[tilespmem:s14], [sflag:$0x1] =	stream.indirect.gather [hbm4b:s4+s13], $0x80, s18, s13, $0xb8;
	[tilespmem:$0x1CC00] =	vst v63  }
0x2e: {  	_ =	swait.ge [sflag:s15], $0x4000  }
0x2f: {  	[sflag:s15] =	ssyncset.done $0x0  }
0x30: {  	s18 =	sadd.s32 $0x2800, s18;
	[sflag:s15] =	ssyncadd.s32 $0xFFFFC000  }
0x31: {  	[spmem:s2] =	stream.indirect.scatter.add.f32 [tilespmem:s14], [sflag:$0x2], $0x80, s18, s13, $0xb8;
	[tilespmem:$0x1CC00] =	vst v63  }
0x32: {  	_ =	swait.ge [sflag:s9], $0x4000  }
0x33: {  	[sflag:s9] =	ssyncset.done $0x0  }
0x34: {  	s17 =	sadd.s32 $0x1, s17;
	[sflag:s9] =	ssyncadd.s32 $0xFFFFC000  }
0x35: {  	p0 =	sne.s32 s17, s8;
	[bflag:$0x0] =	sbarrier.arrive $0xFFFF  }
0x36: {  	[hbm:s16], [sflag:s11] =	dma.local [spmem:s12], $0x2780  }
.Ltmp1:
0x37: {  	_ =	swait.ge [sflag:s9], $0x2780;
	(pc) =	sbr.rel @p0 .LBB2_1-.Ltmp1, $3  }
0x38: {  	[sflag:s9] =	ssyncset.done $0x0  }
0x39: {  	[sflag:s9] =	ssyncadd.s32 $0xFFFFD880  }
0x3a: {  	[bflag:$0x0] =	sbarrier.arrive $0xFFFF;
	_ =	sdelay $0x1  }
0x3b: {  	_ =	sfence.sel $0x180000  }
0x3c: {  	[bflag:$0x0] =	sbarrier.arrive $0xFFFF  }
0x3d: {  	p0 =	sne.s32 s1, $0x0;
	_ =	strace $0x90000050  }
0x3e: {  	s0 =	sadd.s32 @!p0 $0x100000, s0;
	[bflag:$0x2] =	sbarrier.arrive $0xFFFF  }
0x3f: {  	[sflag:s0] =	ssyncadd.tile.s32 @!p0 $0x1;
	_ =	shalt  }
.Lfunc_end2:
_tile_overlayer_lowered:
.L_overlay_start_2:
0x40: {  	(tag) =	ssettag $0x2  }
0x41: {  	s0 =	rddreg [dreg:$0x0];
	s2 =	stileid.u32  }
0x42: {  	s1 =	rddreg [dreg:$0x1];
	p0 =	sne.s32 s2, $0x0  }
0x43: {  	s3 =	rddreg [dreg:$0x2];
	[bflag:$0x3] =	sbarrier.arrive $0xFFFF;
	s2 =	simm.s32 @!p0 $0x1C02  }
0x44: {  	[timem:s3], [sflag:s2] =	dma.local @!p0 [hbm:s0], s1  }
0x45: {  	s0 =	simm.s32 @!p0 $0x2  }
0x46: {  	_ =	swait.ge @!p0 [sflag:s0], s1  }
0x47: {  	s1 =	ssub.s32 @!p0 $0x0, s1;
	[sflag:s0] =	ssyncset.done @!p0 $0x0  }
0x48: {  	[sflag:s0] =	ssyncadd.s32 @!p0 s1  }
0x49: {  	[bflag:$0x3] =	sbarrier.arrive $0xFFFF  }
0x4a: {  	_ =	shalt  }

// kernel: kernel.26.cloned.1.call-start
scs
__scs_entry_jumppad:
0x0: {  	(pc) =	sbr.rel $0x88, $3  }
0x1: {  	(tag) =	ssettag $0x0;
	lr =	simm.s32 $0x1  }
0x2: {  	[smem:$0x3F90] =	sst lr;
	_ =	strace $0xD0000000  }
0x3: {  	_ = 	snop  }
0x4: {  	_ = 	snop  }
0x5: {  	_ = 	snop  }
0x6: {  	_ = 	snop  }
0x7: {  	_ = 	snop  }
__scs_overlays_trampoline_lowered:
0x8: {  	[smem:$0x3F9F] =	sst s0  }
0x9: {  	[smem:$0x3FA0] =	sst s1  }
0xa: {  	[smem:$0x3FA1] =	sst s2  }
0xb: {  	[smem:$0x3FA2] =	sst s3  }
0xc: {  	[smem:$0x3FA3] =	sst s4  }
0xd: {  	[smem:$0x3FA4] =	sst s5  }
0xe: {  	[smem:$0x3FA5] =	sst s6  }
0xf: {  	[smem:$0x3FA6] =	sst s7  }
0x10: {  	[smem:$0x3FA7] =	sst s8  }
0x11: {  	[smem:$0x3FA8] =	sst s9;
	s0 =	simm.s32 @!p0 $0x0  }
0x12: {  	s1 =	sld [smem:$0x3F8E];
	s0 =	simm.s32 @p0 $0x1  }
0x13: {  	[smem:$0x3FA9] =	sst s0;
	s0 =	simm.s32 @!p1 $0x0  }
0x14: {  	s2 =	sld [smem:$0x3F8D];
	s0 =	simm.s32 @p1 $0x1  }
0x15: {  	[smem:$0x3FAA] =	sst s0;
	s0 =	simm.s32 @!p2 $0x0  }
0x16: {  	s3 =	sld [smem:$0x3FDB];
	s0 =	simm.s32 @p2 $0x1  }
0x17: {  	s4 =	simm.s32 $0x1BF5;
	[smem:$0x3FAC] =	sst s0  }
0x18: {  	s0 =	sld [smem:$0x3F8F];
	_ =	swait.ge [sflag:s4], $0x0  }
0x19: {  	s7 =	sld [smem:$0x3F90]  }
0x1a: {  	s8 =	sadd.s32 $0xFFFFE003, lr  }
0x1b: {  	s9 =	sadd.s32 $0xFFFFFEF7, lr;
	s5 =	simm.s32 $0xFFFFFFFF;
	p2 =	slt.u32 s8, $0xFFFFF086  }
0x1c: {  	p1 =	slt.u32 s9, $0xF7A;
	s5 =	simm.s32 @!p2 $0x0  }
0x1d: {  	s5 =	simm.s32 @p1 $0x1;
	p0 =	seq.s32 s7, s2  }
0x1e: {  	s7 =	smul.u32 @!p0 $0xF7A, s2;
	p2 =	seq.s32 @!p0 s5, $0x0  }
0x1f: {  	s9 =	smul.u32 $0xF7A, s1;
	s8 =	simm.s32 @!p0 $0x1BF5;
	p2 =	por !p2, p0  }
0x20: {  	[sflag:s8] =	ssyncset.s32 @!p0 $0xFFFFF086;
	s6 =	sadd.s32 @!p0 s3, s7;
	s7 =	simm.s32 @!p0 $0x108  }
0x21: {  	s3 =	sadd.s32 s3, s9;
	s6 =	sadd.s32 @!p0 $0x88, s6;
	s7 =	simm.s32 @p2 $0x1082  }
0x22: {  	[simem:s7], [sflag:s8] =	dma.local @!p0 [hbm:s6], $0xF7A  }
0x23: {  	s9 =	sor.u32 $0xD0000000, s2;
	s6 =	simm.s32 $0x108;
	_ =	swait.ge @!p0 [sflag:s8], $0x0  }
0x24: {  	s3 =	sadd.s32 $0x88, s3;
	s6 =	simm.s32 @!p1 $0x1082;
	[sflag:s4] =	ssyncset.s32 $0xFFFFF086  }
0x25: {  	[simem:s6], [sflag:s4] =	dma.local [hbm:s3], $0xF7A  }
0x26: {  	[smem:$0x3F90] =	sst s1;
	(tag) =	ssettag s2;
	_ =	strace s9  }
0x27: {  	s1 =	sld [smem:$0x3FA0]  }
0x28: {  	s2 =	sld [smem:$0x3FA1]  }
0x29: {  	s4 =	sld [smem:$0x3FA3]  }
0x2a: {  	p0 =	seq.s32 s5, $0x0;
	s5 =	sld [smem:$0x3FA4]  }
0x2b: {  	s6 =	sld [smem:$0x3FA5]  }
0x2c: {  	s7 =	sld [smem:$0x3FA6]  }
0x2d: {  	s3 =	simm.s32 $0x108;
	s8 =	sld [smem:$0x3FA7]  }
0x2e: {  	s3 =	simm.s32 @!p0 $0x1082;
	s9 =	sld [smem:$0x3FA8]  }
0x2f: {  	lr =	sadd.s32 s0, s3;
	s0 =	sld [smem:$0x3F9F]  }
0x30: {  	s3 =	sld [smem:$0x3FA2]  }
0x31: {  	[smem:$0x3FAB] =	sst s10  }
0x32: {  	s10 =	sld [smem:$0x3FA9];
	_ =	sdelay $0x3  }
0x33: {  	p0 =	seq.s32 s10, $0x1;
	s10 =	sld [smem:$0x3FAB];
	_ =	sdelay $0x3  }
0x34: {  	[smem:$0x3FAB] =	sst s10  }
0x35: {  	s10 =	sld [smem:$0x3FAA];
	_ =	sdelay $0x3  }
0x36: {  	p1 =	seq.s32 s10, $0x1;
	s10 =	sld [smem:$0x3FAB];
	_ =	sdelay $0x3  }
0x37: {  	[smem:$0x3FAB] =	sst s10  }
0x38: {  	s10 =	sld [smem:$0x3FAC]  }
0x39: {  	_ = 	snop;
	(pc) =	sbr.ind lr, $3  }
0x3a: {  	_ = 	snop  }
0x3b: {  	_ = 	snop  }
0x3c: {  	p2 =	seq.s32 s10, $0x1;
	s10 =	sld [smem:$0x3FAB]  }
0x3d: {  	_ =	shalt  }
0x3e: {  	_ =	shalt  }
0x3f: {  	_ =	shalt  }
0x40: {  	_ =	shalt  }
0x41: {  	_ =	shalt  }
0x42: {  	_ =	shalt  }
0x43: {  	_ =	shalt  }
0x44: {  	_ =	shalt  }
0x45: {  	_ =	shalt  }
0x46: {  	_ =	shalt  }
0x47: {  	_ =	shalt  }
0x48: {  	_ =	shalt  }
0x49: {  	_ =	shalt  }
0x4a: {  	_ =	shalt  }
0x4b: {  	_ =	shalt  }
0x4c: {  	_ =	shalt  }
0x4d: {  	_ =	shalt  }
0x4e: {  	_ =	shalt  }
0x4f: {  	_ =	shalt  }
0x50: {  	_ =	shalt  }
0x51: {  	_ =	shalt  }
0x52: {  	_ =	shalt  }
0x53: {  	_ =	shalt  }
0x54: {  	_ =	shalt  }
0x55: {  	_ =	shalt  }
0x56: {  	_ =	shalt  }
0x57: {  	_ =	shalt  }
0x58: {  	_ =	shalt  }
0x59: {  	_ =	shalt  }
0x5a: {  	_ =	shalt  }
0x5b: {  	_ =	shalt  }
0x5c: {  	_ =	shalt  }
0x5d: {  	_ =	shalt  }
0x5e: {  	_ =	shalt  }
0x5f: {  	_ =	shalt  }
0x60: {  	_ =	shalt  }
0x61: {  	_ =	shalt  }
0x62: {  	_ =	shalt  }
0x63: {  	_ =	shalt  }
0x64: {  	_ =	shalt  }
0x65: {  	_ =	shalt  }
0x66: {  	_ =	shalt  }
0x67: {  	_ =	shalt  }
0x68: {  	_ =	shalt  }
0x69: {  	_ =	shalt  }
0x6a: {  	_ =	shalt  }
0x6b: {  	_ =	shalt  }
0x6c: {  	_ =	shalt  }
0x6d: {  	_ =	shalt  }
0x6e: {  	_ =	shalt  }
0x6f: {  	_ =	shalt  }
0x70: {  	_ =	shalt  }
0x71: {  	_ =	shalt  }
0x72: {  	_ =	shalt  }
0x73: {  	_ =	shalt  }
0x74: {  	_ =	shalt  }
0x75: {  	_ =	shalt  }
0x76: {  	_ =	shalt  }
0x77: {  	_ =	shalt  }
0x78: {  	_ =	shalt  }
0x79: {  	_ =	shalt  }
0x7a: {  	_ =	shalt  }
0x7b: {  	_ =	shalt  }
0x7c: {  	_ =	shalt  }
0x7d: {  	_ =	shalt  }
0x7e: {  	_ =	shalt  }
0x7f: {  	_ =	shalt  }
0x80: {  	_ =	shalt  }
0x81: {  	_ =	shalt  }
0x82: {  	_ =	shalt  }
0x83: {  	_ =	shalt  }
0x84: {  	_ =	shalt  }
0x85: {  	_ =	shalt  }
0x86: {  	_ =	shalt  }
0x87: {  	_ =	shalt  }
.Lfunc_end0:
.L_simem_size_0:
called_computation.4_lowered:
.L_overlay_start_0:
0x88: {  	s2 =	sld [smem:$0x3FD9]  }
0x89: {  	s3 =	sld [smem:$0x3FFE];
	_ =	sdelay $0x1  }
0x8a: {  	s1 =	srdreg.scid  }
0x8b: {  	s0 =	sand.u32 $0x1, s1  }
0x8c: {  	s16 =	sshll.u32 s0, $0xA;
	s2 =	sadd.s32 s3, s2  }
0x8d: {  	s2 =	sadd.s32 s2, s16  }
0x8e: {  	[smem:$0x3FB7] =	sst s2  }
0x8f: {  	_ = 	snop  }
0x90: {  	(tm) =	ssettm $0x1  }
0x91: {  	s17 =	sld [smem:$0x3FFB];
	_ =	sdelay $0x3  }
0x92: {  	_ =	strace s17  }
0x93: {  	s2 =	sld [smem:$0x3FFC];
	_ =	sdelay $0x3  }
0x94: {  	_ =	strace s2  }
0x95: {  	s2 =	sld [smem:$0x3FFD];
	_ =	sdelay $0x3  }
0x96: {  	_ =	strace s2  }
0x97: {  	_ =	strace $0x8FFFFFFF  }
0x98: {  	s18 =	sld [smem:$0x3FDB];
	_ =	sdelay $0x1  }
0x99: {  	s19 =	simm.s32 $_scs_section_size  }
0x9a: {  	s4 =	simm.s32 $_size__tile_overlayer_lowered;
	s5 =	simm.s32 $_tile_overlayer_lowered  }
0x9b: {  	s22 =	simm.s32 $0x1BFF;
	s21 =	sshll.u32 s5, $0x1;
	s2 =	sadd.s32 s19, s18  }
0x9c: {  	s6 =	simm.s32 $0x0;
	s20 =	sshll.u32 s4, $0x1;
	s4 =	sadd.s32 s21, s2  }
0x9d: {  	[timem:s6], [sflag:s22] =	dma.local [hbm:s4], s20  }
0x9e: {  	_ =	swait.ge [sflag:s22], s20  }
0x9f: {  	s3 =	ssub.s32 $0x0, s20;
	[sflag:s22] =	ssyncset.done $0x0  }
0xa0: {  	[sflag:s22] =	ssyncadd.s32 s3;
	_ =	sdelay $0x1  }
0xa1: {  	s23 =	simm.s32 $0x1B8B  }
0xa2: {  	_ =	swait.ge [sflag:s23], $0x1  }
0xa3: {  	[sflag:s23] =	ssyncset.done $0x0  }
0xa4: {  	s25 =	simm.s32 $0x1B8E;
	s24 =	sld [smem:$0x3FFE];
	[sflag:s23] =	ssyncadd.s32 $0xFFFFFFFF  }
0xa5: {  	s26 =	simm.s32 $execute0_lowered;
	[smem:$0x3FD2] =	sst s25  }
0xa6: {  	s4 =	sshll.u32 s26, $0x1;
	_ =	strace $0x80000052;
	[dreg:$0x1] =	wrdreg $0xFFFFFFFF  }
0xa7: {  	s28 =	simm.s32 $_size_execute0_lowered;
	s2 =	sadd.s32 s2, s4;
	[dreg:$0x0] =	wrdreg $0x0  }
0xa8: {  	s4 =	sshll.u32 s28, $0x1;
	[dreg:$0x2] =	wrdreg s2  }
0xa9: {  	[dreg:$0x3] =	wrdreg s4  }
0xaa: {  	[dreg:$0x4] =	wrdreg $0xC0  }
0xab: {  	_ =	task [dreg:s6], $0x5FFFF  }
0xac: {  	[dreg:$0x1] =	wrdreg $0xFFFFFFFF  }
0xad: {  	[dreg:$0x0] =	wrdreg $0x60  }
0xae: {  	[dreg:$0x2] =	wrdreg s24  }
0xaf: {  	[dreg:$0x3] =	wrdreg $0x90000  }
0xb0: {  	[dreg:$0x4] =	wrdreg $0x9  }
0xb1: {  	_ =	task.clear_ibuf [dreg:s6], $0x5FFFF;
	_ =	strace $0x90000052  }
0xb2: {  	s29 =	simm.s32 $0x9;
	_ =	strace $0x80000054  }
0xb3: {  	_ =	swait.ge [sflag:s29], $0x1  }
0xb4: {  	[sflag:s29] =	ssyncadd.s32 $0xFFFFFFFF  }
0xb5: {  	_ =	strace $0x90000054  }
0xb6: {  	_ =	sfence  }
0xb7: {  	s30 =	sld [smem:$0x0];
	_ =	sdelay $0x2  }
0xb8: {  	s31 =	sshll.u32 s1, $0xD;
	s1 =	sshrl.u32 s1, $0x2  }
0xb9: {  	s3 =	sand.u32 $0x4000, s31;
	s1 =	sadd.s32 s1, s30  }
0xba: {  	s0 =	sor.u32 s3, s0;
	s1 =	sshll.u32 s1, $0x11  }
0xbb: {  	s0 =	sor.u32 s1, s0  }
0xbc: {  	s0 =	sadd.s32 $0x8F2B, s0  }
0xbd: {  	[sflag:s0] =	ssyncadd.remote.s32 $0x1  }
0xbe: {  	_ =	sfence.sel $0xFFFF  }
0xbf: {  	[dreg:$0x0] =	wrdreg $0xFFFFFFFF;
	(pc) =	sbr.abs _section_cstart, $3  }
0xc0: {  	[dreg:$0x1] =	wrdreg $0xFFFFFFFF  }
0xc1: {  	_ =	task.clear_ibuf [dreg:s6], $0x2FFFF;
	_ =	strace $0x9FFFFFFF  }
0xc2: {  	(tm) =	ssettm $0x7FFFFFFF  }
0xc3: {  	_ =	shalt  }
tec
execute0_lowered:
.L_overlay_start_1:
0x0: {  	(tag) =	ssettag $0x1  }
0x1: {  	s5 =	rddreg [dreg:$0x0]  }
0x2: {  	s0 =	srdreg.scid;
	s2 =	rddreg [dreg:$0x1]  }
0x3: {  	s1 =	stileid.u32;
	s3 =	simm.s32 $0x0;
	s13 =	simm.s32 $0x80  }
0x4: {  	s14 =	simm.s32 $0x5000;
	s6 =	sand.u32 $0x1, s0;
	s0 =	rddreg [dreg:$0x2]  }
0x5: {  	s15 =	simm.s32 $0x1;
	s16 =	smul.u32 $0x2780, s1;
	[smem:$0x7FF] =	sst s3  }
0x6: {  	s10 =	smul.u32 $0x4F000, s1;
	s31 =	sshll.u32 s1, $0x6;
	s4 =	sshll.u32 s6, $0x4  }
0x7: {  	_ =	strace $0x80000053;
	s8 =	smul.u32 $0x27800, s6;
	s6 =	ssub.s32 $0x2, s6  }
0x8: {  	s4 =	sor.u32 s1, s4;
	s9 =	sadd.s32 s16, s5;
	s30 =	sshrl.u32 s6, $0x1  }
0x9: {  	s10 =	sshrl.u32 s10, $0x2;
	s7 =	smul.u32 $0x500, s4;
	s4 =	sadd.s32 $0xEE00, s5  }
0xa: {  	s8 =	sadd.s32 s8, s5;
	s11 =	ssub.s32 s6, s30;
	s12 =	sadd.s32 s10, s2  }
0xb: {  	s10 =	simm.s32 $0x2800;
	s17 =	sadd.s32 $0x67E00, s8;
	s8 =	smax.u32 s11, $0x1  }
0xc: {  	s11 =	sor.u32 $0x1C02, s31;
	s12 =	sshrl.u32 s12, $0x3;
	s7 =	sadd.s32 s7, s5  }
0xd: {  	s16 =	sadd.s32 s16, s17;
	s17 =	simm.s32 $0x0;
	s5 =	sadd.s32 $0x5DE00, s7  }
0xe: {  	s6 =	sadd.s32 $0x4E00, s7;
	s7 =	sadd.s32 $0x36600, s9;
	s9 =	simm.s32 $0x2  }
.LBB2_1:
0xf: {  	[tilespmem:s3], [sflag:$0x2] =	stream.linear.gather [hbm4b:s5+s3], $0x2780, $0x38;
	[tilespmem:$0x1CC00] =	vst v63  }
0x10: {  	_ =	swait.ge [sflag:s9], $0x2780  }
0x11: {  	[sflag:s9] =	ssyncset.done $0x0  }
0x12: {  	[sflag:s9] =	ssyncadd.s32 $0xFFFFD880  }
0x13: {  	[tilespmem:s10], [sflag:$0x2] =	stream.linear.gather [hbm4b:s6+s3], $0x2780, $0x38;
	[tilespmem:$0x1CC00] =	vst v63  }
0x14: {  	_ =	swait.ge [sflag:s9], $0x2780  }
0x15: {  	[sflag:s9] =	ssyncset.done $0x0  }
0x16: {  	[sflag:s9] =	ssyncadd.s32 $0xFFFFD880  }
0x17: {  	[spmem:s12], [sflag:s11] =	dma.local [hbm:s7], $0x2780  }
0x18: {  	_ =	swait.ge [sflag:s9], $0x2780  }
0x19: {  	[sflag:s9] =	ssyncset.done $0x0  }
0x1a: {  	[sflag:s9] =	ssyncadd.s32 $0xFFFFD880  }
0x1b: {  	s18 =	simm.s32 $0x0;
	[bflag:$0x0] =	sbarrier.arrive $0xFFFF  }
0x1c: {  	[tilespmem:s14], [sflag:$0x1] =	stream.indirect.gather [hbm4b:s4+s13], $0x80, s18, s13, $0xb8;
	[tilespmem:$0x1CC00] =	vst v63  }
0x1d: {  	_ =	swait.ge [sflag:s15], $0x4000  }
0x1e: {  	[sflag:s15] =	ssyncset.done $0x0  }
0x1f: {  	s31 =	simm.s32 $0x2800;
	[sflag:s15] =	ssyncadd.s32 $0xFFFFC000  }
0x20: {  	[spmem:s2] =	stream.indirect.scatter.add.f32 [tilespmem:s14], [sflag:$0x2], $0x80, s31, s13, $0xb8;
	[tilespmem:$0x1CC00] =	vst v63  }
0x21: {  	_ =	swait.ge [sflag:s9], $0x4000  }
0x22: {  	s19 =	simm.s32 $0x400;
	s18 =	simm.s32 $0x200;
	[sflag:s9] =	ssyncset.done $0x0  }
.LBB2_2:
0x23: {  	s20 =	sshra.s32 s18, $0x2  }
0x24: {  	[sflag:s9] =	ssyncadd.s32 $0xFFFFC000;
	s18 =	smov.u32 s19;
	s21 =	sadd.s32 $0x200, s19  }
0x25: {  	[tilespmem:s14], [sflag:$0x1] =	stream.indirect.gather [hbm4b:s4+s13], $0x80, s20, s13, $0xb8;
	[tilespmem:$0x1CC00] =	vst v63  }
0x26: {  	p0 =	sne.s32 s19, $0x9C00;
	_ =	swait.ge [sflag:s15], $0x4000  }
.Ltmp0:
0x27: {  	[sflag:s15] =	ssyncset.done $0x0;
	(pc) =	sbr.rel @p0 .LBB2_2-.Ltmp0, $4  }
0x28: {  	s19 =	sadd.s32 $0x2800, s20;
	[sflag:s15] =	ssyncadd.s32 $0xFFFFC000  }
0x29: {  	[spmem:s2] =	stream.indirect.scatter.add.f32 [tilespmem:s14], [sflag:$0x2], $0x80, s19, s13, $0xb8;
	[tilespmem:$0x1CC00] =	vst v63  }
0x2a: {  	_ =	swait.ge [sflag:s9], $0x4000  }
0x2b: {  	s19 =	smov.u32 s21;
	[sflag:s9] =	ssyncset.done $0x0  }
0x2c: {  	s18 =	sshra.s32 s18, $0x2;
	[sflag:s9] =	ssyncadd.s32 $0xFFFFC000  }
0x2d: {  	[tilespmem:s14], [sflag:$0x1] =	stream.indirect.gather [hbm4b:s4+s13], $0x80, s18, s13, $0xb8;
	[tilespmem:$0x1CC00] =	vst v63  }
0x2e: {  	_ =	swait.ge [sflag:s15], $0x4000  }
0x2f: {  	[sflag:s15] =	ssyncset.done $0x0  }
0x30: {  	s18 =	sadd.s32 $0x2800, s18;
	[sflag:s15] =	ssyncadd.s32 $0xFFFFC000  }
0x31: {  	[spmem:s2] =	stream.indirect.scatter.add.f32 [tilespmem:s14], [sflag:$0x2], $0x80, s18, s13, $0xb8;
	[tilespmem:$0x1CC00] =	vst v63  }
0x32: {  	_ =	swait.ge [sflag:s9], $0x4000  }
0x33: {  	[sflag:s9] =	ssyncset.done $0x0  }
0x34: {  	s17 =	sadd.s32 $0x1, s17;
	[sflag:s9] =	ssyncadd.s32 $0xFFFFC000  }
0x35: {  	p0 =	sne.s32 s17, s8;
	[bflag:$0x0] =	sbarrier.arrive $0xFFFF  }
0x36: {  	[hbm:s16], [sflag:s11] =	dma.local [spmem:s12], $0x2780  }
.Ltmp1:
0x37: {  	_ =	swait.ge [sflag:s9], $0x2780;
	(pc) =	sbr.rel @p0 .LBB2_1-.Ltmp1, $3  }
0x38: {  	[sflag:s9] =	ssyncset.done $0x0  }
0x39: {  	[sflag:s9] =	ssyncadd.s32 $0xFFFFD880  }
0x3a: {  	[bflag:$0x0] =	sbarrier.arrive $0xFFFF;
	_ =	sdelay $0x1  }
0x3b: {  	_ =	sfence.sel $0x180000  }
0x3c: {  	[bflag:$0x0] =	sbarrier.arrive $0xFFFF  }
0x3d: {  	p0 =	sne.s32 s1, $0x0;
	_ =	strace $0x90000053  }
0x3e: {  	s0 =	sadd.s32 @!p0 $0x100000, s0;
	[bflag:$0x2] =	sbarrier.arrive $0xFFFF  }
0x3f: {  	[sflag:s0] =	ssyncadd.tile.s32 @!p0 $0x1;
	_ =	shalt  }
.Lfunc_end2:
_tile_overlayer_lowered:
.L_overlay_start_2:
0x40: {  	(tag) =	ssettag $0x2  }
0x41: {  	s0 =	rddreg [dreg:$0x0];
	s2 =	stileid.u32  }
0x42: {  	s1 =	rddreg [dreg:$0x1];
	p0 =	sne.s32 s2, $0x0  }
0x43: {  	s3 =	rddreg [dreg:$0x2];
	[bflag:$0x3] =	sbarrier.arrive $0xFFFF;
	s2 =	simm.s32 @!p0 $0x1C02  }
0x44: {  	[timem:s3], [sflag:s2] =	dma.local @!p0 [hbm:s0], s1  }
0x45: {  	s0 =	simm.s32 @!p0 $0x2  }
0x46: {  	_ =	swait.ge @!p0 [sflag:s0], s1  }
0x47: {  	s1 =	ssub.s32 @!p0 $0x0, s1;
	[sflag:s0] =	ssyncset.done @!p0 $0x0  }
0x48: {  	[sflag:s0] =	ssyncadd.s32 @!p0 s1  }
0x49: {  	[bflag:$0x3] =	sbarrier.arrive $0xFFFF  }
0x4a: {  	_ =	shalt  }

// kernel: kernel.29.cloned.1.call-start
scs
__scs_entry_jumppad:
0x0: {  	(pc) =	sbr.rel $0x88, $3  }
0x1: {  	(tag) =	ssettag $0x0;
	lr =	simm.s32 $0x1  }
0x2: {  	[smem:$0x3F90] =	sst lr;
	_ =	strace $0xD0000000  }
0x3: {  	_ = 	snop  }
0x4: {  	_ = 	snop  }
0x5: {  	_ = 	snop  }
0x6: {  	_ = 	snop  }
0x7: {  	_ = 	snop  }
__scs_overlays_trampoline_lowered:
0x8: {  	[smem:$0x3F9F] =	sst s0  }
0x9: {  	[smem:$0x3FA0] =	sst s1  }
0xa: {  	[smem:$0x3FA1] =	sst s2  }
0xb: {  	[smem:$0x3FA2] =	sst s3  }
0xc: {  	[smem:$0x3FA3] =	sst s4  }
0xd: {  	[smem:$0x3FA4] =	sst s5  }
0xe: {  	[smem:$0x3FA5] =	sst s6  }
0xf: {  	[smem:$0x3FA6] =	sst s7  }
0x10: {  	[smem:$0x3FA7] =	sst s8  }
0x11: {  	[smem:$0x3FA8] =	sst s9;
	s0 =	simm.s32 @!p0 $0x0  }
0x12: {  	s1 =	sld [smem:$0x3F8E];
	s0 =	simm.s32 @p0 $0x1  }
0x13: {  	[smem:$0x3FA9] =	sst s0;
	s0 =	simm.s32 @!p1 $0x0  }
0x14: {  	s2 =	sld [smem:$0x3F8D];
	s0 =	simm.s32 @p1 $0x1  }
0x15: {  	[smem:$0x3FAA] =	sst s0;
	s0 =	simm.s32 @!p2 $0x0  }
0x16: {  	s3 =	sld [smem:$0x3FDB];
	s0 =	simm.s32 @p2 $0x1  }
0x17: {  	s4 =	simm.s32 $0x1BF5;
	[smem:$0x3FAC] =	sst s0  }
0x18: {  	s0 =	sld [smem:$0x3F8F];
	_ =	swait.ge [sflag:s4], $0x0  }
0x19: {  	s7 =	sld [smem:$0x3F90]  }
0x1a: {  	s8 =	sadd.s32 $0xFFFFE003, lr  }
0x1b: {  	s9 =	sadd.s32 $0xFFFFFEF7, lr;
	s5 =	simm.s32 $0xFFFFFFFF;
	p2 =	slt.u32 s8, $0xFFFFF086  }
0x1c: {  	p1 =	slt.u32 s9, $0xF7A;
	s5 =	simm.s32 @!p2 $0x0  }
0x1d: {  	s5 =	simm.s32 @p1 $0x1;
	p0 =	seq.s32 s7, s2  }
0x1e: {  	s7 =	smul.u32 @!p0 $0xF7A, s2;
	p2 =	seq.s32 @!p0 s5, $0x0  }
0x1f: {  	s9 =	smul.u32 $0xF7A, s1;
	s8 =	simm.s32 @!p0 $0x1BF5;
	p2 =	por !p2, p0  }
0x20: {  	[sflag:s8] =	ssyncset.s32 @!p0 $0xFFFFF086;
	s6 =	sadd.s32 @!p0 s3, s7;
	s7 =	simm.s32 @!p0 $0x108  }
0x21: {  	s3 =	sadd.s32 s3, s9;
	s6 =	sadd.s32 @!p0 $0x88, s6;
	s7 =	simm.s32 @p2 $0x1082  }
0x22: {  	[simem:s7], [sflag:s8] =	dma.local @!p0 [hbm:s6], $0xF7A  }
0x23: {  	s9 =	sor.u32 $0xD0000000, s2;
	s6 =	simm.s32 $0x108;
	_ =	swait.ge @!p0 [sflag:s8], $0x0  }
0x24: {  	s3 =	sadd.s32 $0x88, s3;
	s6 =	simm.s32 @!p1 $0x1082;
	[sflag:s4] =	ssyncset.s32 $0xFFFFF086  }
0x25: {  	[simem:s6], [sflag:s4] =	dma.local [hbm:s3], $0xF7A  }
0x26: {  	[smem:$0x3F90] =	sst s1;
	(tag) =	ssettag s2;
	_ =	strace s9  }
0x27: {  	s1 =	sld [smem:$0x3FA0]  }
0x28: {  	s2 =	sld [smem:$0x3FA1]  }
0x29: {  	s4 =	sld [smem:$0x3FA3]  }
0x2a: {  	p0 =	seq.s32 s5, $0x0;
	s5 =	sld [smem:$0x3FA4]  }
0x2b: {  	s6 =	sld [smem:$0x3FA5]  }
0x2c: {  	s7 =	sld [smem:$0x3FA6]  }
0x2d: {  	s3 =	simm.s32 $0x108;
	s8 =	sld [smem:$0x3FA7]  }
0x2e: {  	s3 =	simm.s32 @!p0 $0x1082;
	s9 =	sld [smem:$0x3FA8]  }
0x2f: {  	lr =	sadd.s32 s0, s3;
	s0 =	sld [smem:$0x3F9F]  }
0x30: {  	s3 =	sld [smem:$0x3FA2]  }
0x31: {  	[smem:$0x3FAB] =	sst s10  }
0x32: {  	s10 =	sld [smem:$0x3FA9];
	_ =	sdelay $0x3  }
0x33: {  	p0 =	seq.s32 s10, $0x1;
	s10 =	sld [smem:$0x3FAB];
	_ =	sdelay $0x3  }
0x34: {  	[smem:$0x3FAB] =	sst s10  }
0x35: {  	s10 =	sld [smem:$0x3FAA];
	_ =	sdelay $0x3  }
0x36: {  	p1 =	seq.s32 s10, $0x1;
	s10 =	sld [smem:$0x3FAB];
	_ =	sdelay $0x3  }
0x37: {  	[smem:$0x3FAB] =	sst s10  }
0x38: {  	s10 =	sld [smem:$0x3FAC]  }
0x39: {  	_ = 	snop;
	(pc) =	sbr.ind lr, $3  }
0x3a: {  	_ = 	snop  }
0x3b: {  	_ = 	snop  }
0x3c: {  	p2 =	seq.s32 s10, $0x1;
	s10 =	sld [smem:$0x3FAB]  }
0x3d: {  	_ =	shalt  }
0x3e: {  	_ =	shalt  }
0x3f: {  	_ =	shalt  }
0x40: {  	_ =	shalt  }
0x41: {  	_ =	shalt  }
0x42: {  	_ =	shalt  }
0x43: {  	_ =	shalt  }
0x44: {  	_ =	shalt  }
0x45: {  	_ =	shalt  }
0x46: {  	_ =	shalt  }
0x47: {  	_ =	shalt  }
0x48: {  	_ =	shalt  }
0x49: {  	_ =	shalt  }
0x4a: {  	_ =	shalt  }
0x4b: {  	_ =	shalt  }
0x4c: {  	_ =	shalt  }
0x4d: {  	_ =	shalt  }
0x4e: {  	_ =	shalt  }
0x4f: {  	_ =	shalt  }
0x50: {  	_ =	shalt  }
0x51: {  	_ =	shalt  }
0x52: {  	_ =	shalt  }
0x53: {  	_ =	shalt  }
0x54: {  	_ =	shalt  }
0x55: {  	_ =	shalt  }
0x56: {  	_ =	shalt  }
0x57: {  	_ =	shalt  }
0x58: {  	_ =	shalt  }
0x59: {  	_ =	shalt  }
0x5a: {  	_ =	shalt  }
0x5b: {  	_ =	shalt  }
0x5c: {  	_ =	shalt  }
0x5d: {  	_ =	shalt  }
0x5e: {  	_ =	shalt  }
0x5f: {  	_ =	shalt  }
0x60: {  	_ =	shalt  }
0x61: {  	_ =	shalt  }
0x62: {  	_ =	shalt  }
0x63: {  	_ =	shalt  }
0x64: {  	_ =	shalt  }
0x65: {  	_ =	shalt  }
0x66: {  	_ =	shalt  }
0x67: {  	_ =	shalt  }
0x68: {  	_ =	shalt  }
0x69: {  	_ =	shalt  }
0x6a: {  	_ =	shalt  }
0x6b: {  	_ =	shalt  }
0x6c: {  	_ =	shalt  }
0x6d: {  	_ =	shalt  }
0x6e: {  	_ =	shalt  }
0x6f: {  	_ =	shalt  }
0x70: {  	_ =	shalt  }
0x71: {  	_ =	shalt  }
0x72: {  	_ =	shalt  }
0x73: {  	_ =	shalt  }
0x74: {  	_ =	shalt  }
0x75: {  	_ =	shalt  }
0x76: {  	_ =	shalt  }
0x77: {  	_ =	shalt  }
0x78: {  	_ =	shalt  }
0x79: {  	_ =	shalt  }
0x7a: {  	_ =	shalt  }
0x7b: {  	_ =	shalt  }
0x7c: {  	_ =	shalt  }
0x7d: {  	_ =	shalt  }
0x7e: {  	_ =	shalt  }
0x7f: {  	_ =	shalt  }
0x80: {  	_ =	shalt  }
0x81: {  	_ =	shalt  }
0x82: {  	_ =	shalt  }
0x83: {  	_ =	shalt  }
0x84: {  	_ =	shalt  }
0x85: {  	_ =	shalt  }
0x86: {  	_ =	shalt  }
0x87: {  	_ =	shalt  }
.Lfunc_end0:
.L_simem_size_0:
called_computation.5_lowered:
.L_overlay_start_0:
0x88: {  	s2 =	sld [smem:$0x3FD9]  }
0x89: {  	s3 =	sld [smem:$0x3FFE];
	_ =	sdelay $0x1  }
0x8a: {  	s1 =	srdreg.scid  }
0x8b: {  	s0 =	sand.u32 $0x1, s1  }
0x8c: {  	s16 =	sshll.u32 s0, $0xA;
	s2 =	sadd.s32 s3, s2  }
0x8d: {  	s2 =	sadd.s32 s2, s16  }
0x8e: {  	[smem:$0x3FB7] =	sst s2  }
0x8f: {  	_ = 	snop  }
0x90: {  	(tm) =	ssettm $0x1  }
0x91: {  	s17 =	sld [smem:$0x3FFB];
	_ =	sdelay $0x3  }
0x92: {  	_ =	strace s17  }
0x93: {  	s2 =	sld [smem:$0x3FFC];
	_ =	sdelay $0x3  }
0x94: {  	_ =	strace s2  }
0x95: {  	s2 =	sld [smem:$0x3FFD];
	_ =	sdelay $0x3  }
0x96: {  	_ =	strace s2  }
0x97: {  	_ =	strace $0x8FFFFFFF  }
0x98: {  	s18 =	sld [smem:$0x3FDB];
	_ =	sdelay $0x1  }
0x99: {  	s19 =	simm.s32 $_scs_section_size  }
0x9a: {  	s4 =	simm.s32 $_size__tile_overlayer_lowered;
	s5 =	simm.s32 $_tile_overlayer_lowered  }
0x9b: {  	s22 =	simm.s32 $0x1BFF;
	s21 =	sshll.u32 s5, $0x1;
	s2 =	sadd.s32 s19, s18  }
0x9c: {  	s6 =	simm.s32 $0x0;
	s20 =	sshll.u32 s4, $0x1;
	s4 =	sadd.s32 s21, s2  }
0x9d: {  	[timem:s6], [sflag:s22] =	dma.local [hbm:s4], s20  }
0x9e: {  	_ =	swait.ge [sflag:s22], s20  }
0x9f: {  	s3 =	ssub.s32 $0x0, s20;
	[sflag:s22] =	ssyncset.done $0x0  }
0xa0: {  	[sflag:s22] =	ssyncadd.s32 s3;
	_ =	sdelay $0x1  }
0xa1: {  	s23 =	simm.s32 $0x1B8B  }
0xa2: {  	_ =	swait.ge [sflag:s23], $0x1  }
0xa3: {  	[sflag:s23] =	ssyncset.done $0x0  }
0xa4: {  	s25 =	simm.s32 $0x1B8E;
	s24 =	sld [smem:$0x3FFE];
	[sflag:s23] =	ssyncadd.s32 $0xFFFFFFFF  }
0xa5: {  	s26 =	simm.s32 $execute0_lowered;
	[smem:$0x3FD2] =	sst s25  }
0xa6: {  	s4 =	sshll.u32 s26, $0x1;
	_ =	strace $0x80000055;
	[dreg:$0x1] =	wrdreg $0xFFFFFFFF  }
0xa7: {  	s28 =	simm.s32 $_size_execute0_lowered;
	s2 =	sadd.s32 s2, s4;
	[dreg:$0x0] =	wrdreg $0x0  }
0xa8: {  	s4 =	sshll.u32 s28, $0x1;
	[dreg:$0x2] =	wrdreg s2  }
0xa9: {  	[dreg:$0x3] =	wrdreg s4  }
0xaa: {  	[dreg:$0x4] =	wrdreg $0xC0  }
0xab: {  	_ =	task [dreg:s6], $0x5FFFF  }
0xac: {  	[dreg:$0x1] =	wrdreg $0xFFFFFFFF  }
0xad: {  	[dreg:$0x0] =	wrdreg $0x60  }
0xae: {  	[dreg:$0x2] =	wrdreg s24  }
0xaf: {  	[dreg:$0x3] =	wrdreg $0x90000  }
0xb0: {  	[dreg:$0x4] =	wrdreg $0x9  }
0xb1: {  	_ =	task.clear_ibuf [dreg:s6], $0x5FFFF;
	_ =	strace $0x90000055  }
0xb2: {  	s29 =	simm.s32 $0x9;
	_ =	strace $0x80000057  }
0xb3: {  	_ =	swait.ge [sflag:s29], $0x1  }
0xb4: {  	[sflag:s29] =	ssyncadd.s32 $0xFFFFFFFF  }
0xb5: {  	_ =	strace $0x90000057  }
0xb6: {  	_ =	sfence  }
0xb7: {  	s30 =	sld [smem:$0x0];
	_ =	sdelay $0x2  }
0xb8: {  	s31 =	sshll.u32 s1, $0xD;
	s1 =	sshrl.u32 s1, $0x2  }
0xb9: {  	s3 =	sand.u32 $0x4000, s31;
	s1 =	sadd.s32 s1, s30  }
0xba: {  	s0 =	sor.u32 s3, s0;
	s1 =	sshll.u32 s1, $0x11  }
0xbb: {  	s0 =	sor.u32 s1, s0  }
0xbc: {  	s0 =	sadd.s32 $0x8F2B, s0  }
0xbd: {  	[sflag:s0] =	ssyncadd.remote.s32 $0x1  }
0xbe: {  	_ =	sfence.sel $0xFFFF  }
0xbf: {  	[dreg:$0x0] =	wrdreg $0xFFFFFFFF;
	(pc) =	sbr.abs _section_cstart, $3  }
0xc0: {  	[dreg:$0x1] =	wrdreg $0xFFFFFFFF  }
0xc1: {  	_ =	task.clear_ibuf [dreg:s6], $0x2FFFF;
	_ =	strace $0x9FFFFFFF  }
0xc2: {  	(tm) =	ssettm $0x7FFFFFFF  }
0xc3: {  	_ =	shalt  }
tec
execute0_lowered:
.L_overlay_start_1:
0x0: {  	(tag) =	ssettag $0x1  }
0x1: {  	s5 =	rddreg [dreg:$0x0]  }
0x2: {  	s0 =	srdreg.scid;
	s2 =	rddreg [dreg:$0x1]  }
0x3: {  	s1 =	stileid.u32;
	s3 =	simm.s32 $0x0;
	s13 =	simm.s32 $0x80  }
0x4: {  	s14 =	simm.s32 $0x5000;
	s6 =	sand.u32 $0x1, s0;
	s0 =	rddreg [dreg:$0x2]  }
0x5: {  	s15 =	simm.s32 $0x1;
	s16 =	smul.u32 $0x2780, s1;
	[smem:$0x7FF] =	sst s3  }
0x6: {  	s10 =	smul.u32 $0x4F000, s1;
	s31 =	sshll.u32 s1, $0x6;
	s4 =	sshll.u32 s6, $0x4  }
0x7: {  	_ =	strace $0x80000056;
	s8 =	smul.u32 $0x27800, s6;
	s6 =	ssub.s32 $0x2, s6  }
0x8: {  	s4 =	sor.u32 s1, s4;
	s9 =	sadd.s32 s16, s5;
	s30 =	sshrl.u32 s6, $0x1  }
0x9: {  	s10 =	sshrl.u32 s10, $0x2;
	s7 =	smul.u32 $0x500, s4;
	s4 =	sadd.s32 $0xEE00, s5  }
0xa: {  	s8 =	sadd.s32 s8, s5;
	s11 =	ssub.s32 s6, s30;
	s12 =	sadd.s32 s10, s2  }
0xb: {  	s10 =	simm.s32 $0x2800;
	s17 =	sadd.s32 $0x67E00, s8;
	s8 =	smax.u32 s11, $0x1  }
0xc: {  	s11 =	sor.u32 $0x1C02, s31;
	s12 =	sshrl.u32 s12, $0x3;
	s7 =	sadd.s32 s7, s5  }
0xd: {  	s16 =	sadd.s32 s16, s17;
	s17 =	simm.s32 $0x0;
	s5 =	sadd.s32 $0x5DE00, s7  }
0xe: {  	s6 =	sadd.s32 $0x4E00, s7;
	s7 =	sadd.s32 $0x36600, s9;
	s9 =	simm.s32 $0x2  }
.LBB2_1:
0xf: {  	[tilespmem:s3], [sflag:$0x2] =	stream.linear.gather [hbm4b:s5+s3], $0x2780, $0x38;
	[tilespmem:$0x1CC00] =	vst v63  }
0x10: {  	_ =	swait.ge [sflag:s9], $0x2780  }
0x11: {  	[sflag:s9] =	ssyncset.done $0x0  }
0x12: {  	[sflag:s9] =	ssyncadd.s32 $0xFFFFD880  }
0x13: {  	[tilespmem:s10], [sflag:$0x2] =	stream.linear.gather [hbm4b:s6+s3], $0x2780, $0x38;
	[tilespmem:$0x1CC00] =	vst v63  }
0x14: {  	_ =	swait.ge [sflag:s9], $0x2780  }
0x15: {  	[sflag:s9] =	ssyncset.done $0x0  }
0x16: {  	[sflag:s9] =	ssyncadd.s32 $0xFFFFD880  }
0x17: {  	[spmem:s12], [sflag:s11] =	dma.local [hbm:s7], $0x2780  }
0x18: {  	_ =	swait.ge [sflag:s9], $0x2780  }
0x19: {  	[sflag:s9] =	ssyncset.done $0x0  }
0x1a: {  	[sflag:s9] =	ssyncadd.s32 $0xFFFFD880  }
0x1b: {  	s18 =	simm.s32 $0x0;
	[bflag:$0x0] =	sbarrier.arrive $0xFFFF  }
0x1c: {  	[tilespmem:s14], [sflag:$0x1] =	stream.indirect.gather [hbm4b:s4+s13], $0x80, s18, s13, $0xb8;
	[tilespmem:$0x1CC00] =	vst v63  }
0x1d: {  	_ =	swait.ge [sflag:s15], $0x4000  }
0x1e: {  	[sflag:s15] =	ssyncset.done $0x0  }
0x1f: {  	s31 =	simm.s32 $0x2800;
	[sflag:s15] =	ssyncadd.s32 $0xFFFFC000  }
0x20: {  	[spmem:s2] =	stream.indirect.scatter.add.f32 [tilespmem:s14], [sflag:$0x2], $0x80, s31, s13, $0xb8;
	[tilespmem:$0x1CC00] =	vst v63  }
0x21: {  	_ =	swait.ge [sflag:s9], $0x4000  }
0x22: {  	s19 =	simm.s32 $0x400;
	s18 =	simm.s32 $0x200;
	[sflag:s9] =	ssyncset.done $0x0  }
.LBB2_2:
0x23: {  	s20 =	sshra.s32 s18, $0x2  }
0x24: {  	[sflag:s9] =	ssyncadd.s32 $0xFFFFC000;
	s18 =	smov.u32 s19;
	s21 =	sadd.s32 $0x200, s19  }
0x25: {  	[tilespmem:s14], [sflag:$0x1] =	stream.indirect.gather [hbm4b:s4+s13], $0x80, s20, s13, $0xb8;
	[tilespmem:$0x1CC00] =	vst v63  }
0x26: {  	p0 =	sne.s32 s19, $0x9C00;
	_ =	swait.ge [sflag:s15], $0x4000  }
.Ltmp0:
0x27: {  	[sflag:s15] =	ssyncset.done $0x0;
	(pc) =	sbr.rel @p0 .LBB2_2-.Ltmp0, $4  }
0x28: {  	s19 =	sadd.s32 $0x2800, s20;
	[sflag:s15] =	ssyncadd.s32 $0xFFFFC000  }
0x29: {  	[spmem:s2] =	stream.indirect.scatter.add.f32 [tilespmem:s14], [sflag:$0x2], $0x80, s19, s13, $0xb8;
	[tilespmem:$0x1CC00] =	vst v63  }
0x2a: {  	_ =	swait.ge [sflag:s9], $0x4000  }
0x2b: {  	s19 =	smov.u32 s21;
	[sflag:s9] =	ssyncset.done $0x0  }
0x2c: {  	s18 =	sshra.s32 s18, $0x2;
	[sflag:s9] =	ssyncadd.s32 $0xFFFFC000  }
0x2d: {  	[tilespmem:s14], [sflag:$0x1] =	stream.indirect.gather [hbm4b:s4+s13], $0x80, s18, s13, $0xb8;
	[tilespmem:$0x1CC00] =	vst v63  }
0x2e: {  	_ =	swait.ge [sflag:s15], $0x4000  }
0x2f: {  	[sflag:s15] =	ssyncset.done $0x0  }
0x30: {  	s18 =	sadd.s32 $0x2800, s18;
	[sflag:s15] =	ssyncadd.s32 $0xFFFFC000  }
0x31: {  	[spmem:s2] =	stream.indirect.scatter.add.f32 [tilespmem:s14], [sflag:$0x2], $0x80, s18, s13, $0xb8;
	[tilespmem:$0x1CC00] =	vst v63  }
0x32: {  	_ =	swait.ge [sflag:s9], $0x4000  }
0x33: {  	[sflag:s9] =	ssyncset.done $0x0  }
0x34: {  	s17 =	sadd.s32 $0x1, s17;
	[sflag:s9] =	ssyncadd.s32 $0xFFFFC000  }
0x35: {  	p0 =	sne.s32 s17, s8;
	[bflag:$0x0] =	sbarrier.arrive $0xFFFF  }
0x36: {  	[hbm:s16], [sflag:s11] =	dma.local [spmem:s12], $0x2780  }
.Ltmp1:
0x37: {  	_ =	swait.ge [sflag:s9], $0x2780;
	(pc) =	sbr.rel @p0 .LBB2_1-.Ltmp1, $3  }
0x38: {  	[sflag:s9] =	ssyncset.done $0x0  }
0x39: {  	[sflag:s9] =	ssyncadd.s32 $0xFFFFD880  }
0x3a: {  	[bflag:$0x0] =	sbarrier.arrive $0xFFFF;
	_ =	sdelay $0x1  }
0x3b: {  	_ =	sfence.sel $0x180000  }
0x3c: {  	[bflag:$0x0] =	sbarrier.arrive $0xFFFF  }
0x3d: {  	p0 =	sne.s32 s1, $0x0;
	_ =	strace $0x90000056  }
0x3e: {  	s0 =	sadd.s32 @!p0 $0x100000, s0;
	[bflag:$0x2] =	sbarrier.arrive $0xFFFF  }
0x3f: {  	[sflag:s0] =	ssyncadd.tile.s32 @!p0 $0x1;
	_ =	shalt  }
.Lfunc_end2:
_tile_overlayer_lowered:
.L_overlay_start_2:
0x40: {  	(tag) =	ssettag $0x2  }
0x41: {  	s0 =	rddreg [dreg:$0x0];
	s2 =	stileid.u32  }
0x42: {  	s1 =	rddreg [dreg:$0x1];
	p0 =	sne.s32 s2, $0x0  }
0x43: {  	s3 =	rddreg [dreg:$0x2];
	[bflag:$0x3] =	sbarrier.arrive $0xFFFF;
	s2 =	simm.s32 @!p0 $0x1C02  }
0x44: {  	[timem:s3], [sflag:s2] =	dma.local @!p0 [hbm:s0], s1  }
0x45: {  	s0 =	simm.s32 @!p0 $0x2  }
0x46: {  	_ =	swait.ge @!p0 [sflag:s0], s1  }
0x47: {  	s1 =	ssub.s32 @!p0 $0x0, s1;
	[sflag:s0] =	ssyncset.done @!p0 $0x0  }
0x48: {  	[sflag:s0] =	ssyncadd.s32 @!p0 s1  }
0x49: {  	[bflag:$0x3] =	sbarrier.arrive $0xFFFF  }
0x4a: {  	_ =	shalt  }

</sc_bundles>
